<compile_context>
chip_gen: v7x
topology: tpu7x:2x2x1
jax: 0.10.2.dev20260603
libtpu: 0.0.44.dev20260713+nightly
codegen_flags: <defaults>
</compile_context>

<pallas_src>
import functools

import jax
import jax.numpy as jnp
from jax import lax
from jax.experimental import pallas as pl
from jax.experimental.pallas import tpu as pltpu
from jax.experimental.pallas import tpu_sc as plsc

DIM = 128
BATCH = 512
L = 16
NC, NS = 2, 16
NW = NC * NS
RPW = BATCH // NW
NCHUNK = DIM // L

_CBLOCKS = [0, 1, 11, 12, 5, 7, 13, 15, 9, 10, 2, 3, 4]
_RBLOCKS = [6, 14, 8]


def _sqrt16(s):
    s = jnp.maximum(s, 1e-35)
    i = plsc.bitcast(s, jnp.int32)
    y = plsc.bitcast(jnp.int32(0x5F3759DF) - (i >> 1), jnp.float32)
    for _ in range(3):
        y = y * (1.5 - 0.5 * s * y * y)
    return s * y


def _sc_body(cE, rE, idx_all, out,
             ib, cidx, ridx, gbuf, rbuf, accbuf, pn, pa, pb,
             isem, osem, sems):
    cid = lax.axis_index("c")
    sid = lax.axis_index("s")
    wid = sid * NC + cid
    base = wid * RPW
    iota = lax.iota(jnp.int32, L)
    zero = jnp.zeros((L,), jnp.float32)

    icp = pltpu.make_async_copy(idx_all.at[pl.ds(base, RPW)], ib, isem)
    icp.start()
    icp.wait()

    def col(j):
        return plsc.load_gather(ib, [iota, jnp.full((L,), j, jnp.int32)])

    for b, j in enumerate(_CBLOCKS):
        cidx[pl.ds(b * L, L)] = col(j)
    for b, j in enumerate(_RBLOCKS):
        ridx[pl.ds(b * L, L)] = col(j)

    cps = [pltpu.make_async_copy(rE.at[ridx], rbuf, sems.at[0])]
    for s in range(5):
        cps.append(pltpu.make_async_copy(
            cE.at[cidx.at[pl.ds(s * 32, 32)]],
            gbuf.at[pl.ds(s * 32, 32)], sems.at[s + 1]))
    cps.append(pltpu.make_async_copy(
        cE.at[cidx.at[pl.ds(160, 48)]],
        gbuf.at[pl.ds(160, 48)], sems.at[6]))
    for cp in cps:
        cp.start()
    cps[0].wait()
    cps[1].wait()

    def cc_loss(q, cb, db, rb, r_sign, co_sign, pout=None):
        def row(i, _):
            def chunk(k, inner):
                accs = []
                for h, acc in enumerate(inner):
                    kk = 2 * k + h
                    c1 = gbuf[cb + i, pl.ds(kk * L, L)]
                    d1 = gbuf[db + i, pl.ds(kk * L, L)]
                    co = jnp.abs(gbuf[cb + i, pl.ds(DIM + kk * L, L)])
                    do = jnp.abs(gbuf[db + i, pl.ds(DIM + kk * L, L)])
                    cen = c1 - d1
                    if rb is not None:
                        r = rbuf[rb + i, pl.ds(kk * L, L)]
                        cen = cen + r if r_sign > 0 else cen - r
                    euc = jnp.abs(cen)
                    if co_sign > 0:
                        t = jnp.maximum(euc + co - do, 0.0)
                    else:
                        t = jnp.maximum(euc - co - do, 0.0)
                    accs.append(acc + t * t)
                return tuple(accs)
            n0, n1 = lax.fori_loop(0, NCHUNK // 2, chunk, (zero, zero))
            if pout is None:
                accbuf[i, pl.ds(q * L, L)] = n0 + n1
            else:
                pout[pl.ds(i * L, L)] = n0 + n1
            return 0
        lax.fori_loop(0, RPW, row, 0)

    cc_loss(0, 0 * RPW, 1 * RPW, None, 0, +1)
    cps[2].wait()

    def dj_row(i, _):
        def chunk(k, inner):
            accs = []
            for h, acc in enumerate(inner):
                kk = 2 * k + h
                c1 = gbuf[2 * RPW + i, pl.ds(kk * L, L)]
                d1 = gbuf[3 * RPW + i, pl.ds(kk * L, L)]
                co = jnp.abs(gbuf[2 * RPW + i, pl.ds(DIM + kk * L, L)])
                do = jnp.abs(gbuf[3 * RPW + i, pl.ds(DIM + kk * L, L)])
                t = jnp.maximum(co + do - jnp.abs(c1 - d1), 0.0)
                accs.append(acc + t * t)
            return tuple(accs)
        n0, n1 = lax.fori_loop(0, NCHUNK // 2, chunk, (zero, zero))
        accbuf[i, pl.ds(1 * L, L)] = n0 + n1
        return 0
    lax.fori_loop(0, RPW, dj_row, 0)

    cps[3].wait()
    cc_loss(2, 4 * RPW, 5 * RPW, 0 * RPW, +1, +1)
    cps[4].wait()
    cc_loss(3, 6 * RPW, 7 * RPW, 1 * RPW, +1, -1, pn)
    cps[5].wait()
    cc_loss(4, 8 * RPW, 9 * RPW, 2 * RPW, -1, -1)
    cps[6].wait()

    C2, D2, E2 = 10 * RPW, 11 * RPW, 12 * RPW

    def nf2_row(i, _):
        def chunk(k, carry):
            aa, bb = carry
            c1 = gbuf[C2 + i, pl.ds(k * L, L)]
            d1 = gbuf[D2 + i, pl.ds(k * L, L)]
            e1 = gbuf[E2 + i, pl.ds(k * L, L)]
            c2 = jnp.abs(gbuf[C2 + i, pl.ds(DIM + k * L, L)])
            d2 = jnp.abs(gbuf[D2 + i, pl.ds(DIM + k * L, L)])
            e2 = jnp.abs(gbuf[E2 + i, pl.ds(DIM + k * L, L)])
            start = jnp.maximum(c1 - c2, d1 - d2)
            end = jnp.minimum(c1 + c2, d1 + d2)
            diff = start - end
            new_r = jnp.abs(diff) * 0.5
            cen1 = (start + end) * 0.5
            u = jnp.maximum(jnp.abs(cen1 - e1) + new_r - e2, 0.0)
            v = jnp.maximum(diff, 0.0)
            return aa + u * u, bb + v * v
        aa, bb = lax.fori_loop(0, NCHUNK, chunk, (zero, zero))
        pa[pl.ds(i * L, L)] = aa
        pb[pl.ds(i * L, L)] = bb
        accbuf[i, pl.ds(3 * L, L)] = zero
        accbuf[i, pl.ds(5 * L, L)] = zero
        accbuf[i, pl.ds(6 * L, L)] = zero
        accbuf[i, pl.ds(7 * L, L)] = zero
        return 0
    lax.fori_loop(0, RPW, nf2_row, 0)

    def colsum(pbuf):
        tot = zero
        for c in range(L):
            tot = tot + plsc.load_gather(pbuf, [iota * L + c])
        return tot

    a2row = colsum(pa)
    b2row = colsum(pb)
    n2row = colsum(pn)
    dn = _sqrt16(n2row)
    accbuf[0, pl.ds(3 * L, L)] = (dn - 2.0) * (dn - 2.0)
    accbuf[0, pl.ds(5 * L, L)] = a2row
    accbuf[1, pl.ds(5 * L, L)] = _sqrt16(a2row)
    accbuf[0, pl.ds(6 * L, L)] = b2row
    accbuf[1, pl.ds(6 * L, L)] = _sqrt16(b2row)

    ocp = pltpu.make_async_copy(accbuf, out.at[pl.ds(base, RPW)], osem)
    ocp.start()
    ocp.wait()


@functools.cache
def _make_sc_kernel():
    return pl.kernel(
        _sc_body,
        out_type=jax.ShapeDtypeStruct((BATCH, 2 * DIM), jnp.float32),
        mesh=plsc.VectorSubcoreMesh(core_axis_name="c", subcore_axis_name="s"),
        compiler_params=pltpu.CompilerParams(needs_layout_passes=False),
        scratch_types=[
            pltpu.VMEM((RPW, 16), jnp.int32),
            pltpu.VMEM((13 * RPW,), jnp.int32),
            pltpu.VMEM((3 * RPW,), jnp.int32),
            pltpu.VMEM((13 * RPW, 2 * DIM), jnp.float32),
            pltpu.VMEM((3 * RPW, DIM), jnp.float32),
            pltpu.VMEM((RPW, 2 * DIM), jnp.float32),
            pltpu.VMEM((RPW * L,), jnp.float32),
            pltpu.VMEM((RPW * L,), jnp.float32),
            pltpu.VMEM((RPW * L,), jnp.float32),
            pltpu.SemaphoreType.DMA,
            pltpu.SemaphoreType.DMA,
            pltpu.SemaphoreType.DMA((7,)),
        ],
    )


def kernel(classEmb, relEmb, nf1, nf2, nf3, nf4, disjoint, nf3_neg):
    idx_all = jnp.concatenate(
        [nf1[:BATCH], nf2[:BATCH], nf3[:BATCH], nf4[:BATCH],
         disjoint[:BATCH], nf3_neg[:BATCH]], axis=1)
    parts = _make_sc_kernel()(classEmb, relEmb, idx_all)
    inv_b = 1.0 / BATCH
    loss1 = jnp.sum(parts[:, 0:L]) * inv_b
    dj = jnp.sum(parts[:, L:2 * L]) * inv_b
    loss3 = jnp.sum(parts[:, 2 * L:3 * L]) * inv_b
    neg = jnp.sum(parts[:, 3 * L:4 * L]) * inv_b
    loss4 = jnp.sum(parts[:, 4 * L:5 * L]) * inv_b
    x56 = parts[:, 5 * L:7 * L].reshape(NW, RPW, 2 * L)
    sum_a2 = jnp.sum(x56[:, 0, :L])
    sum_a = jnp.sum(x56[:, 1, :L])
    sum_b2 = jnp.sum(x56[:, 0, L:])
    sum_b = jnp.sum(x56[:, 1, L:])
    loss2 = (sum_a2 + sum_b2) * inv_b + 2.0 * (sum_a * inv_b) * (sum_b * inv_b)
    return loss1 + loss2 + dj + loss3 + loss4 + neg

# --- scband reference (transcript-rebuilt; emitter-appended) ---
"""Pipeline reference for scband-elbox-model-36567351558885 (READ-ONLY COPY).

The authoritative reference and input builder live on the scoring server;
editing this copy changes nothing except your own understanding.
"""

import jax, jax.numpy as jnp
import numpy as np

DIM = 128
MARGIN = 0.0
BATCH = 512
NUM_CLASSES = 1024
NUM_RELS = 100


def _nf1_loss(cE, data):
    c = cE[data[:, 0]]
    d = cE[data[:, 1]]
    c1 = c[:, :DIM]
    d1 = d[:, :DIM]
    cr = jnp.abs(c[:, DIM:])
    dr = jnp.abs(d[:, DIM:])
    euc = jnp.abs(c1 - d1)
    dst = jnp.linalg.norm(jax.nn.relu(euc + cr - dr - MARGIN), axis=1).reshape(-1, 1)
    return dst


def _nf2_loss(cE, data):
    c = cE[data[:, 0]]
    d = cE[data[:, 1]]
    e = cE[data[:, 2]]
    c1 = c[:, :DIM]
    d1 = d[:, :DIM]
    e1 = e[:, :DIM]
    c2 = jnp.abs(c[:, DIM:])
    d2 = jnp.abs(d[:, DIM:])
    e2 = jnp.abs(e[:, DIM:])
    startAll = jnp.maximum(c1 - c2, d1 - d2)
    endAll = jnp.minimum(c1 + c2, d1 + d2)
    newR = jnp.abs(startAll - endAll) / 2
    cen1 = (startAll + endAll) / 2
    euc = jnp.abs(cen1 - e1)
    # NOTE: faithful to torch broadcast: [B,1] + [B] -> [B,B]
    dst = jnp.linalg.norm(jax.nn.relu(euc + newR - e2 - MARGIN), axis=1).reshape(-1, 1) + jnp.linalg.norm(jax.nn.relu(startAll - endAll), axis=1)
    return dst


def _disjoint_loss(cE, data):
    c = cE[data[:, 0]]
    d = cE[data[:, 1]]
    c1 = c[:, :DIM]
    d1 = d[:, :DIM]
    cr = jnp.abs(c[:, DIM:])
    dr = jnp.abs(d[:, DIM:])
    euc = jnp.abs(c1 - d1)
    dst = jnp.linalg.norm(jax.nn.relu(-euc + cr + dr - MARGIN), axis=1).reshape(-1, 1)
    return dst


def _nf3_loss(cE, rE, data):
    c = cE[data[:, 0]]
    r = rE[data[:, 1]]
    d = cE[data[:, 2]]
    cc = c[:, :DIM]
    co = jnp.abs(c[:, DIM:])
    dc = d[:, :DIM]
    do = jnp.abs(d[:, DIM:])
    euc = jnp.abs(cc + r - dc)
    dst = jnp.linalg.norm(jax.nn.relu(euc + co - do - MARGIN), axis=1).reshape(-1, 1)
    return dst


def _neg_loss(cE, rE, data):
    c = cE[data[:, 0]]
    r = rE[data[:, 1]]
    d = cE[data[:, 2]]
    cc = c[:, :DIM]
    co = jnp.abs(c[:, DIM:])
    dc = d[:, :DIM]
    do = jnp.abs(d[:, DIM:])
    euc = jnp.abs(cc + r - dc)
    dst = jnp.linalg.norm(jax.nn.relu(euc - co - do + MARGIN), axis=1).reshape(-1, 1)
    return dst


def _nf4_loss(cE, rE, data):
    c = cE[data[:, 1]]
    r = rE[data[:, 0]]
    d = cE[data[:, 2]]
    cc = c[:, :DIM]
    co = jnp.abs(c[:, DIM:])
    dc = d[:, :DIM]
    do = jnp.abs(d[:, DIM:])
    euc = jnp.abs(cc - r - dc)
    dst = jnp.linalg.norm(jax.nn.relu(euc - co - do - MARGIN), axis=1).reshape(-1, 1)
    return dst


def _forward(cE, rE, nf1, nf2, nf3, nf4, disjoint, nf3_neg):
    # Deterministic replacement of np.random.choice: take first BATCH rows.
    loss1 = jnp.mean(_nf1_loss(cE, nf1[:BATCH]) ** 2)
    loss2 = jnp.mean(_nf2_loss(cE, nf2[:BATCH]) ** 2)
    loss3 = jnp.mean(_nf3_loss(cE, rE, nf3[:BATCH]) ** 2)
    loss4 = jnp.mean(_nf4_loss(cE, rE, nf4[:BATCH]) ** 2)
    dj = jnp.mean(_disjoint_loss(cE, disjoint[:BATCH]) ** 2)
    neg = jnp.mean((_neg_loss(cE, rE, nf3_neg[:BATCH]) - 2.0) ** 2)
    return loss1 + loss2 + dj + loss3 + loss4 + neg


def setup_inputs(seed: int = 0):
    key = jax.random.key(seed)
    ks = jax.random.split(key, 8)
    classEmb = jax.random.uniform(ks[0], (NUM_CLASSES, 2 * DIM), minval=-1.0, maxval=1.0, dtype=jnp.float32)
    classEmb = classEmb / jnp.linalg.norm(classEmb, axis=1, keepdims=True)
    relEmb = jax.random.uniform(ks[1], (NUM_RELS, DIM), minval=-1.0, maxval=1.0, dtype=jnp.float32)
    relEmb = relEmb / jnp.linalg.norm(relEmb, axis=1, keepdims=True)
    nf1 = jax.random.randint(ks[2], (4096, 2), 0, 1000, dtype=jnp.int32)
    nf2 = jax.random.randint(ks[3], (4096, 3), 0, 1000, dtype=jnp.int32)
    nf3 = jax.random.randint(ks[4], (4096, 3), 0, 100, dtype=jnp.int32)
    nf4 = jax.random.randint(ks[5], (4096, 3), 0, 100, dtype=jnp.int32)
    disjoint = jax.random.randint(ks[6], (4096, 2), 0, 1000, dtype=jnp.int32)
    nf3_neg = jax.random.randint(ks[7], (4096, 3), 0, 100, dtype=jnp.int32)
    return {"classEmb": classEmb, "relEmb": relEmb, "nf1": nf1, "nf2": nf2, "nf3": nf3, "nf4": nf4, "disjoint": disjoint, "nf3_neg": nf3_neg}


def reference(classEmb, relEmb, nf1, nf2, nf3, nf4, disjoint, nf3_neg):
    return _forward(classEmb, relEmb, nf1, nf2, nf3, nf4, disjoint, nf3_neg)

if __name__ == "__main__":
    import jax
    _d = setup_inputs()
    print(jax.jit(kernel)(*tuple(_d.values())))

</pallas_src>

<mosaic_0001>
#map = affine_map<(d0, d1) -> (0, 0)>
module attributes {stable_mosaic.version = 14 : i64} {
  func.func @_sc_body(%arg0: i32, %arg1: i32, %arg2: memref<1024x256xf32, #tpu.memory_space<hbm>>, %arg3: memref<100x128xf32, #tpu.memory_space<hbm>>, %arg4: memref<512x16xi32, #tpu.memory_space<hbm>>, %arg5: memref<512x256xf32, #tpu.memory_space<hbm>>, %arg6: memref<16x16xi32, #tpu.memory_space<vmem>>, %arg7: memref<208xi32, #tpu.memory_space<vmem>>, %arg8: memref<48xi32, #tpu.memory_space<vmem>>, %arg9: memref<208x256xf32, #tpu.memory_space<vmem>>, %arg10: memref<48x128xf32, #tpu.memory_space<vmem>>, %arg11: memref<16x256xf32, #tpu.memory_space<vmem>>, %arg12: memref<256xf32, #tpu.memory_space<vmem>>, %arg13: memref<256xf32, #tpu.memory_space<vmem>>, %arg14: memref<256xf32, #tpu.memory_space<vmem>>, %arg15: memref<!tpu.dma_semaphore, #tpu.memory_space<semaphore_mem>>, %arg16: memref<!tpu.dma_semaphore, #tpu.memory_space<semaphore_mem>>, %arg17: memref<7x!tpu.dma_semaphore, #tpu.memory_space<semaphore_mem>>) attributes {dimension_semantics = [#tpu.dimension_semantics<core_parallel>, #tpu.dimension_semantics<subcore_parallel>], iteration_bounds = array<i64: 2, 16>, scalar_prefetch = 0 : i64, scratch_operands = 12 : i64, tpu.core_type = #tpu.core_type<sc_vector_subcore>, window_params = [{transform_indices = #map}, {transform_indices = #map}, {transform_indices = #map}, {transform_indices = #map}]} {
    %mul3A = arith.constant 2 : i32
    %mul3A_0 = arith.muli %arg1, %mul3A : i32
    %add3A = arith.addi %mul3A_0, %arg0 : i32
    %mul3A_1 = arith.constant 16 : i32
    %mul3A_2 = arith.muli %add3A, %mul3A_1 : i32
    %iota3A = tpu.iota {dimensions = array<i32: 0>} : vector<16xi32>
    %broadcast_in_dim3A = arith.constant 0.000000e+00 : f32
    %broadcast_in_dim3A_3 = vector.broadcast %broadcast_in_dim3A : f32 to vector<16xf32>
    %dma_start3A = arith.constant 0 : i32
    %dma_start3A_4 = tpu.memref_slice %arg4[%mul3A_2, %dma_start3A] : memref<512x16xi32, #tpu.memory_space<hbm>> -> memref<16x16xi32, #tpu.memory_space<hbm>>
    %dma_start3A_5 = arith.constant 0 : i32
    %dma_start3A_6 = tpu.memref_slice %arg4[%mul3A_2, %dma_start3A_5] : memref<512x16xi32, #tpu.memory_space<hbm>> -> memref<16x16xi32, #tpu.memory_space<hbm>>
    tpu.enqueue_dma source(%dma_start3A_6 : memref<16x16xi32, #tpu.memory_space<hbm>>) target(%arg6 : memref<16x16xi32, #tpu.memory_space<vmem>>) target_semaphore(%arg15 : memref<!tpu.dma_semaphore, #tpu.memory_space<semaphore_mem>>)
    %dma_wait3A = arith.constant 0 : i32
    %dma_wait3A_7 = tpu.memref_slice %arg4[%mul3A_2, %dma_wait3A] : memref<512x16xi32, #tpu.memory_space<hbm>> -> memref<16x16xi32, #tpu.memory_space<hbm>>
    %dma_wait3A_8 = arith.constant 0 : i32
    %dma_wait3A_9 = tpu.memref_slice %arg4[%mul3A_2, %dma_wait3A_8] : memref<512x16xi32, #tpu.memory_space<hbm>> -> memref<16x16xi32, #tpu.memory_space<hbm>>
    tpu.wait_dma2 semaphore(%arg15 : memref<!tpu.dma_semaphore, #tpu.memory_space<semaphore_mem>>) src(%dma_wait3A_9 : memref<16x16xi32, #tpu.memory_space<hbm>>) dst(%arg6 : memref<16x16xi32, #tpu.memory_space<vmem>>)
    %broadcast_in_dim3A_10 = arith.constant 0 : i32
    %broadcast_in_dim3A_11 = vector.broadcast %broadcast_in_dim3A_10 : i32 to vector<16xi32>
    %gather3A = tpu.vector_load_idx %arg6[%iota3A, %broadcast_in_dim3A_11] : memref<16x16xi32, #tpu.memory_space<vmem>>[vector<16xi32>, vector<16xi32>], vector<16xi32>,
    %swap3A = arith.constant 0 : index
    %swap3A_12 = tpu.vector_load %arg7[%swap3A] {strides = array<i32>} : memref<208xi32, #tpu.memory_space<vmem>>, vector<16xi32>,
    tpu.vector_store %arg7[%swap3A], %gather3A {strides = array<i32>} : memref<208xi32, #tpu.memory_space<vmem>>, vector<16xi32>,
    %broadcast_in_dim3A_13 = arith.constant 1 : i32
    %broadcast_in_dim3A_14 = vector.broadcast %broadcast_in_dim3A_13 : i32 to vector<16xi32>
    %gather3A_15 = tpu.vector_load_idx %arg6[%iota3A, %broadcast_in_dim3A_14] : memref<16x16xi32, #tpu.memory_space<vmem>>[vector<16xi32>, vector<16xi32>], vector<16xi32>,
    %swap3A_16 = arith.constant 16 : index
    %swap3A_17 = tpu.vector_load %arg7[%swap3A_16] {strides = array<i32>} : memref<208xi32, #tpu.memory_space<vmem>>, vector<16xi32>,
    tpu.vector_store %arg7[%swap3A_16], %gather3A_15 {strides = array<i32>} : memref<208xi32, #tpu.memory_space<vmem>>, vector<16xi32>,
    %broadcast_in_dim3A_18 = arith.constant 11 : i32
    %broadcast_in_dim3A_19 = vector.broadcast %broadcast_in_dim3A_18 : i32 to vector<16xi32>
    %gather3A_20 = tpu.vector_load_idx %arg6[%iota3A, %broadcast_in_dim3A_19] : memref<16x16xi32, #tpu.memory_space<vmem>>[vector<16xi32>, vector<16xi32>], vector<16xi32>,
    %swap3A_21 = arith.constant 32 : index
    %swap3A_22 = tpu.vector_load %arg7[%swap3A_21] {strides = array<i32>} : memref<208xi32, #tpu.memory_space<vmem>>, vector<16xi32>,
    tpu.vector_store %arg7[%swap3A_21], %gather3A_20 {strides = array<i32>} : memref<208xi32, #tpu.memory_space<vmem>>, vector<16xi32>,
    %broadcast_in_dim3A_23 = arith.constant 12 : i32
    %broadcast_in_dim3A_24 = vector.broadcast %broadcast_in_dim3A_23 : i32 to vector<16xi32>
    %gather3A_25 = tpu.vector_load_idx %arg6[%iota3A, %broadcast_in_dim3A_24] : memref<16x16xi32, #tpu.memory_space<vmem>>[vector<16xi32>, vector<16xi32>], vector<16xi32>,
    %swap3A_26 = arith.constant 48 : index
    %swap3A_27 = tpu.vector_load %arg7[%swap3A_26] {strides = array<i32>} : memref<208xi32, #tpu.memory_space<vmem>>, vector<16xi32>,
    tpu.vector_store %arg7[%swap3A_26], %gather3A_25 {strides = array<i32>} : memref<208xi32, #tpu.memory_space<vmem>>, vector<16xi32>,
    %broadcast_in_dim3A_28 = arith.constant 5 : i32
    %broadcast_in_dim3A_29 = vector.broadcast %broadcast_in_dim3A_28 : i32 to vector<16xi32>
    %gather3A_30 = tpu.vector_load_idx %arg6[%iota3A, %broadcast_in_dim3A_29] : memref<16x16xi32, #tpu.memory_space<vmem>>[vector<16xi32>, vector<16xi32>], vector<16xi32>,
    %swap3A_31 = arith.constant 64 : index
    %swap3A_32 = tpu.vector_load %arg7[%swap3A_31] {strides = array<i32>} : memref<208xi32, #tpu.memory_space<vmem>>, vector<16xi32>,
    tpu.vector_store %arg7[%swap3A_31], %gather3A_30 {strides = array<i32>} : memref<208xi32, #tpu.memory_space<vmem>>, vector<16xi32>,
    %broadcast_in_dim3A_33 = arith.constant 7 : i32
    %broadcast_in_dim3A_34 = vector.broadcast %broadcast_in_dim3A_33 : i32 to vector<16xi32>
    %gather3A_35 = tpu.vector_load_idx %arg6[%iota3A, %broadcast_in_dim3A_34] : memref<16x16xi32, #tpu.memory_space<vmem>>[vector<16xi32>, vector<16xi32>], vector<16xi32>,
    %swap3A_36 = arith.constant 80 : index
    %swap3A_37 = tpu.vector_load %arg7[%swap3A_36] {strides = array<i32>} : memref<208xi32, #tpu.memory_space<vmem>>, vector<16xi32>,
    tpu.vector_store %arg7[%swap3A_36], %gather3A_35 {strides = array<i32>} : memref<208xi32, #tpu.memory_space<vmem>>, vector<16xi32>,
    %broadcast_in_dim3A_38 = arith.constant 13 : i32
    %broadcast_in_dim3A_39 = vector.broadcast %broadcast_in_dim3A_38 : i32 to vector<16xi32>
    %gather3A_40 = tpu.vector_load_idx %arg6[%iota3A, %broadcast_in_dim3A_39] : memref<16x16xi32, #tpu.memory_space<vmem>>[vector<16xi32>, vector<16xi32>], vector<16xi32>,
    %swap3A_41 = arith.constant 96 : index
    %swap3A_42 = tpu.vector_load %arg7[%swap3A_41] {strides = array<i32>} : memref<208xi32, #tpu.memory_space<vmem>>, vector<16xi32>,
    tpu.vector_store %arg7[%swap3A_41], %gather3A_40 {strides = array<i32>} : memref<208xi32, #tpu.memory_space<vmem>>, vector<16xi32>,
    %broadcast_in_dim3A_43 = arith.constant 15 : i32
    %broadcast_in_dim3A_44 = vector.broadcast %broadcast_in_dim3A_43 : i32 to vector<16xi32>
    %gather3A_45 = tpu.vector_load_idx %arg6[%iota3A, %broadcast_in_dim3A_44] : memref<16x16xi32, #tpu.memory_space<vmem>>[vector<16xi32>, vector<16xi32>], vector<16xi32>,
    %swap3A_46 = arith.constant 112 : index
    %swap3A_47 = tpu.vector_load %arg7[%swap3A_46] {strides = array<i32>} : memref<208xi32, #tpu.memory_space<vmem>>, vector<16xi32>,
    tpu.vector_store %arg7[%swap3A_46], %gather3A_45 {strides = array<i32>} : memref<208xi32, #tpu.memory_space<vmem>>, vector<16xi32>,
    %broadcast_in_dim3A_48 = arith.constant 9 : i32
    %broadcast_in_dim3A_49 = vector.broadcast %broadcast_in_dim3A_48 : i32 to vector<16xi32>
    %gather3A_50 = tpu.vector_load_idx %arg6[%iota3A, %broadcast_in_dim3A_49] : memref<16x16xi32, #tpu.memory_space<vmem>>[vector<16xi32>, vector<16xi32>], vector<16xi32>,
    %swap3A_51 = arith.constant 128 : index
    %swap3A_52 = tpu.vector_load %arg7[%swap3A_51] {strides = array<i32>} : memref<208xi32, #tpu.memory_space<vmem>>, vector<16xi32>,
    tpu.vector_store %arg7[%swap3A_51], %gather3A_50 {strides = array<i32>} : memref<208xi32, #tpu.memory_space<vmem>>, vector<16xi32>,
    %broadcast_in_dim3A_53 = arith.constant 10 : i32
    %broadcast_in_dim3A_54 = vector.broadcast %broadcast_in_dim3A_53 : i32 to vector<16xi32>
    %gather3A_55 = tpu.vector_load_idx %arg6[%iota3A, %broadcast_in_dim3A_54] : memref<16x16xi32, #tpu.memory_space<vmem>>[vector<16xi32>, vector<16xi32>], vector<16xi32>,
    %swap3A_56 = arith.constant 144 : index
    %swap3A_57 = tpu.vector_load %arg7[%swap3A_56] {strides = array<i32>} : memref<208xi32, #tpu.memory_space<vmem>>, vector<16xi32>,
    tpu.vector_store %arg7[%swap3A_56], %gather3A_55 {strides = array<i32>} : memref<208xi32, #tpu.memory_space<vmem>>, vector<16xi32>,
    %broadcast_in_dim3A_58 = arith.constant 2 : i32
    %broadcast_in_dim3A_59 = vector.broadcast %broadcast_in_dim3A_58 : i32 to vector<16xi32>
    %gather3A_60 = tpu.vector_load_idx %arg6[%iota3A, %broadcast_in_dim3A_59] : memref<16x16xi32, #tpu.memory_space<vmem>>[vector<16xi32>, vector<16xi32>], vector<16xi32>,
    %swap3A_61 = arith.constant 160 : index
    %swap3A_62 = tpu.vector_load %arg7[%swap3A_61] {strides = array<i32>} : memref<208xi32, #tpu.memory_space<vmem>>, vector<16xi32>,
    tpu.vector_store %arg7[%swap3A_61], %gather3A_60 {strides = array<i32>} : memref<208xi32, #tpu.memory_space<vmem>>, vector<16xi32>,
    %broadcast_in_dim3A_63 = arith.constant 3 : i32
    %broadcast_in_dim3A_64 = vector.broadcast %broadcast_in_dim3A_63 : i32 to vector<16xi32>
    %gather3A_65 = tpu.vector_load_idx %arg6[%iota3A, %broadcast_in_dim3A_64] : memref<16x16xi32, #tpu.memory_space<vmem>>[vector<16xi32>, vector<16xi32>], vector<16xi32>,
    %swap3A_66 = arith.constant 176 : index
    %swap3A_67 = tpu.vector_load %arg7[%swap3A_66] {strides = array<i32>} : memref<208xi32, #tpu.memory_space<vmem>>, vector<16xi32>,
    tpu.vector_store %arg7[%swap3A_66], %gather3A_65 {strides = array<i32>} : memref<208xi32, #tpu.memory_space<vmem>>, vector<16xi32>,
    %broadcast_in_dim3A_68 = arith.constant 4 : i32
    %broadcast_in_dim3A_69 = vector.broadcast %broadcast_in_dim3A_68 : i32 to vector<16xi32>
    %gather3A_70 = tpu.vector_load_idx %arg6[%iota3A, %broadcast_in_dim3A_69] : memref<16x16xi32, #tpu.memory_space<vmem>>[vector<16xi32>, vector<16xi32>], vector<16xi32>,
    %swap3A_71 = arith.constant 192 : index
    %swap3A_72 = tpu.vector_load %arg7[%swap3A_71] {strides = array<i32>} : memref<208xi32, #tpu.memory_space<vmem>>, vector<16xi32>,
    tpu.vector_store %arg7[%swap3A_71], %gather3A_70 {strides = array<i32>} : memref<208xi32, #tpu.memory_space<vmem>>, vector<16xi32>,
    %broadcast_in_dim3A_73 = arith.constant 6 : i32
    %broadcast_in_dim3A_74 = vector.broadcast %broadcast_in_dim3A_73 : i32 to vector<16xi32>
    %gather3A_75 = tpu.vector_load_idx %arg6[%iota3A, %broadcast_in_dim3A_74] : memref<16x16xi32, #tpu.memory_space<vmem>>[vector<16xi32>, vector<16xi32>], vector<16xi32>,
    %swap3A_76 = arith.constant 0 : index
    %swap3A_77 = tpu.vector_load %arg8[%swap3A_76] {strides = array<i32>} : memref<48xi32, #tpu.memory_space<vmem>>, vector<16xi32>,
    tpu.vector_store %arg8[%swap3A_76], %gather3A_75 {strides = array<i32>} : memref<48xi32, #tpu.memory_space<vmem>>, vector<16xi32>,
    %broadcast_in_dim3A_78 = arith.constant 14 : i32
    %broadcast_in_dim3A_79 = vector.broadcast %broadcast_in_dim3A_78 : i32 to vector<16xi32>
    %gather3A_80 = tpu.vector_load_idx %arg6[%iota3A, %broadcast_in_dim3A_79] : memref<16x16xi32, #tpu.memory_space<vmem>>[vector<16xi32>, vector<16xi32>], vector<16xi32>,
    %swap3A_81 = arith.constant 16 : index
    %swap3A_82 = tpu.vector_load %arg8[%swap3A_81] {strides = array<i32>} : memref<48xi32, #tpu.memory_space<vmem>>, vector<16xi32>,
    tpu.vector_store %arg8[%swap3A_81], %gather3A_80 {strides = array<i32>} : memref<48xi32, #tpu.memory_space<vmem>>, vector<16xi32>,
    %broadcast_in_dim3A_83 = arith.constant 8 : i32
    %broadcast_in_dim3A_84 = vector.broadcast %broadcast_in_dim3A_83 : i32 to vector<16xi32>
    %gather3A_85 = tpu.vector_load_idx %arg6[%iota3A, %broadcast_in_dim3A_84] : memref<16x16xi32, #tpu.memory_space<vmem>>[vector<16xi32>, vector<16xi32>], vector<16xi32>,
    %swap3A_86 = arith.constant 32 : index
    %swap3A_87 = tpu.vector_load %arg8[%swap3A_86] {strides = array<i32>} : memref<48xi32, #tpu.memory_space<vmem>>, vector<16xi32>,
    tpu.vector_store %arg8[%swap3A_86], %gather3A_85 {strides = array<i32>} : memref<48xi32, #tpu.memory_space<vmem>>, vector<16xi32>,
    %dma_start3A_88 = arith.constant 0 : i32
    %dma_start3A_89 = arith.constant 0 : i32
    %dma_start3A_90 = arith.constant 0 : i32
    %dma_start3A_91 = tpu.memref_slice %arg3[%dma_start3A_89, %dma_start3A_90] : memref<100x128xf32, #tpu.memory_space<hbm>> -> memref<100x128xf32, #tpu.memory_space<hbm>>
    %dma_start3A_92 = tpu.memref_slice %arg17[%dma_start3A_88] : memref<7x!tpu.dma_semaphore, #tpu.memory_space<semaphore_mem>> -> memref<1x!tpu.dma_semaphore, #tpu.memory_space<semaphore_mem>>
    %dma_start3A_93 = tpu.memref_squeeze %dma_start3A_92 : memref<1x!tpu.dma_semaphore, #tpu.memory_space<semaphore_mem>> -> memref<!tpu.dma_semaphore, #tpu.memory_space<semaphore_mem>>
    tpu.enqueue_indirect_dma source(%dma_start3A_91 : memref<100x128xf32, #tpu.memory_space<hbm>>) target(%arg10 : memref<48x128xf32, #tpu.memory_space<vmem>>) offsets(%arg8 : memref<48xi32, #tpu.memory_space<vmem>>) semaphore(%dma_start3A_93 : memref<!tpu.dma_semaphore, #tpu.memory_space<semaphore_mem>>)
    %dma_start3A_94 = arith.constant 1 : i32
    %dma_start3A_95 = arith.constant 0 : i32
    %dma_start3A_96 = arith.constant 0 : i32
    %dma_start3A_97 = tpu.memref_slice %arg9[%dma_start3A_95, %dma_start3A_96] : memref<208x256xf32, #tpu.memory_space<vmem>> -> memref<32x256xf32, #tpu.memory_space<vmem>>
    %dma_start3A_98 = arith.constant 0 : i32
    %dma_start3A_99 = tpu.memref_slice %arg7[%dma_start3A_98] : memref<208xi32, #tpu.memory_space<vmem>> -> memref<32xi32, #tpu.memory_space<vmem>>
    %dma_start3A_100 = arith.constant 0 : i32
    %dma_start3A_101 = arith.constant 0 : i32
    %dma_start3A_102 = tpu.memref_slice %arg2[%dma_start3A_100, %dma_start3A_101] : memref<1024x256xf32, #tpu.memory_space<hbm>> -> memref<1024x256xf32, #tpu.memory_space<hbm>>
    %dma_start3A_103 = tpu.memref_slice %arg17[%dma_start3A_94] : memref<7x!tpu.dma_semaphore, #tpu.memory_space<semaphore_mem>> -> memref<1x!tpu.dma_semaphore, #tpu.memory_space<semaphore_mem>>
    %dma_start3A_104 = tpu.memref_squeeze %dma_start3A_103 : memref<1x!tpu.dma_semaphore, #tpu.memory_space<semaphore_mem>> -> memref<!tpu.dma_semaphore, #tpu.memory_space<semaphore_mem>>
    tpu.enqueue_indirect_dma source(%dma_start3A_102 : memref<1024x256xf32, #tpu.memory_space<hbm>>) target(%dma_start3A_97 : memref<32x256xf32, #tpu.memory_space<vmem>>) offsets(%dma_start3A_99 : memref<32xi32, #tpu.memory_space<vmem>>) semaphore(%dma_start3A_104 : memref<!tpu.dma_semaphore, #tpu.memory_space<semaphore_mem>>)
    %dma_start3A_105 = arith.constant 2 : i32
    %dma_start3A_106 = arith.constant 32 : i32
    %dma_start3A_107 = arith.constant 0 : i32
    %dma_start3A_108 = tpu.memref_slice %arg9[%dma_start3A_106, %dma_start3A_107] : memref<208x256xf32, #tpu.memory_space<vmem>> -> memref<32x256xf32, #tpu.memory_space<vmem>>
    %dma_start3A_109 = arith.constant 32 : i32
    %dma_start3A_110 = tpu.memref_slice %arg7[%dma_start3A_109] : memref<208xi32, #tpu.memory_space<vmem>> -> memref<32xi32, #tpu.memory_space<vmem>>
    %dma_start3A_111 = arith.constant 0 : i32
    %dma_start3A_112 = arith.constant 0 : i32
    %dma_start3A_113 = tpu.memref_slice %arg2[%dma_start3A_111, %dma_start3A_112] : memref<1024x256xf32, #tpu.memory_space<hbm>> -> memref<1024x256xf32, #tpu.memory_space<hbm>>
    %dma_start3A_114 = tpu.memref_slice %arg17[%dma_start3A_105] : memref<7x!tpu.dma_semaphore, #tpu.memory_space<semaphore_mem>> -> memref<1x!tpu.dma_semaphore, #tpu.memory_space<semaphore_mem>>
    %dma_start3A_115 = tpu.memref_squeeze %dma_start3A_114 : memref<1x!tpu.dma_semaphore, #tpu.memory_space<semaphore_mem>> -> memref<!tpu.dma_semaphore, #tpu.memory_space<semaphore_mem>>
    tpu.enqueue_indirect_dma source(%dma_start3A_113 : memref<1024x256xf32, #tpu.memory_space<hbm>>) target(%dma_start3A_108 : memref<32x256xf32, #tpu.memory_space<vmem>>) offsets(%dma_start3A_110 : memref<32xi32, #tpu.memory_space<vmem>>) semaphore(%dma_start3A_115 : memref<!tpu.dma_semaphore, #tpu.memory_space<semaphore_mem>>)
    %dma_start3A_116 = arith.constant 3 : i32
    %dma_start3A_117 = arith.constant 64 : i32
    %dma_start3A_118 = arith.constant 0 : i32
    %dma_start3A_119 = tpu.memref_slice %arg9[%dma_start3A_117, %dma_start3A_118] : memref<208x256xf32, #tpu.memory_space<vmem>> -> memref<32x256xf32, #tpu.memory_space<vmem>>
    %dma_start3A_120 = arith.constant 64 : i32
    %dma_start3A_121 = tpu.memref_slice %arg7[%dma_start3A_120] : memref<208xi32, #tpu.memory_space<vmem>> -> memref<32xi32, #tpu.memory_space<vmem>>
    %dma_start3A_122 = arith.constant 0 : i32
    %dma_start3A_123 = arith.constant 0 : i32
    %dma_start3A_124 = tpu.memref_slice %arg2[%dma_start3A_122, %dma_start3A_123] : memref<1024x256xf32, #tpu.memory_space<hbm>> -> memref<1024x256xf32, #tpu.memory_space<hbm>>
    %dma_start3A_125 = tpu.memref_slice %arg17[%dma_start3A_116] : memref<7x!tpu.dma_semaphore, #tpu.memory_space<semaphore_mem>> -> memref<1x!tpu.dma_semaphore, #tpu.memory_space<semaphore_mem>>
    %dma_start3A_126 = tpu.memref_squeeze %dma_start3A_125 : memref<1x!tpu.dma_semaphore, #tpu.memory_space<semaphore_mem>> -> memref<!tpu.dma_semaphore, #tpu.memory_space<semaphore_mem>>
    tpu.enqueue_indirect_dma source(%dma_start3A_124 : memref<1024x256xf32, #tpu.memory_space<hbm>>) target(%dma_start3A_119 : memref<32x256xf32, #tpu.memory_space<vmem>>) offsets(%dma_start3A_121 : memref<32xi32, #tpu.memory_space<vmem>>) semaphore(%dma_start3A_126 : memref<!tpu.dma_semaphore, #tpu.memory_space<semaphore_mem>>)
    %dma_start3A_127 = arith.constant 4 : i32
    %dma_start3A_128 = arith.constant 96 : i32
    %dma_start3A_129 = arith.constant 0 : i32
    %dma_start3A_130 = tpu.memref_slice %arg9[%dma_start3A_128, %dma_start3A_129] : memref<208x256xf32, #tpu.memory_space<vmem>> -> memref<32x256xf32, #tpu.memory_space<vmem>>
    %dma_start3A_131 = arith.constant 96 : i32
    %dma_start3A_132 = tpu.memref_slice %arg7[%dma_start3A_131] : memref<208xi32, #tpu.memory_space<vmem>> -> memref<32xi32, #tpu.memory_space<vmem>>
    %dma_start3A_133 = arith.constant 0 : i32
    %dma_start3A_134 = arith.constant 0 : i32
    %dma_start3A_135 = tpu.memref_slice %arg2[%dma_start3A_133, %dma_start3A_134] : memref<1024x256xf32, #tpu.memory_space<hbm>> -> memref<1024x256xf32, #tpu.memory_space<hbm>>
    %dma_start3A_136 = tpu.memref_slice %arg17[%dma_start3A_127] : memref<7x!tpu.dma_semaphore, #tpu.memory_space<semaphore_mem>> -> memref<1x!tpu.dma_semaphore, #tpu.memory_space<semaphore_mem>>
    %dma_start3A_137 = tpu.memref_squeeze %dma_start3A_136 : memref<1x!tpu.dma_semaphore, #tpu.memory_space<semaphore_mem>> -> memref<!tpu.dma_semaphore, #tpu.memory_space<semaphore_mem>>
    tpu.enqueue_indirect_dma source(%dma_start3A_135 : memref<1024x256xf32, #tpu.memory_space<hbm>>) target(%dma_start3A_130 : memref<32x256xf32, #tpu.memory_space<vmem>>) offsets(%dma_start3A_132 : memref<32xi32, #tpu.memory_space<vmem>>) semaphore(%dma_start3A_137 : memref<!tpu.dma_semaphore, #tpu.memory_space<semaphore_mem>>)
    %dma_start3A_138 = arith.constant 5 : i32
    %dma_start3A_139 = arith.constant 128 : i32
    %dma_start3A_140 = arith.constant 0 : i32
    %dma_start3A_141 = tpu.memref_slice %arg9[%dma_start3A_139, %dma_start3A_140] : memref<208x256xf32, #tpu.memory_space<vmem>> -> memref<32x256xf32, #tpu.memory_space<vmem>>
    %dma_start3A_142 = arith.constant 128 : i32
    %dma_start3A_143 = tpu.memref_slice %arg7[%dma_start3A_142] : memref<208xi32, #tpu.memory_space<vmem>> -> memref<32xi32, #tpu.memory_space<vmem>>
    %dma_start3A_144 = arith.constant 0 : i32
    %dma_start3A_145 = arith.constant 0 : i32
    %dma_start3A_146 = tpu.memref_slice %arg2[%dma_start3A_144, %dma_start3A_145] : memref<1024x256xf32, #tpu.memory_space<hbm>> -> memref<1024x256xf32, #tpu.memory_space<hbm>>
    %dma_start3A_147 = tpu.memref_slice %arg17[%dma_start3A_138] : memref<7x!tpu.dma_semaphore, #tpu.memory_space<semaphore_mem>> -> memref<1x!tpu.dma_semaphore, #tpu.memory_space<semaphore_mem>>
    %dma_start3A_148 = tpu.memref_squeeze %dma_start3A_147 : memref<1x!tpu.dma_semaphore, #tpu.memory_space<semaphore_mem>> -> memref<!tpu.dma_semaphore, #tpu.memory_space<semaphore_mem>>
    tpu.enqueue_indirect_dma source(%dma_start3A_146 : memref<1024x256xf32, #tpu.memory_space<hbm>>) target(%dma_start3A_141 : memref<32x256xf32, #tpu.memory_space<vmem>>) offsets(%dma_start3A_143 : memref<32xi32, #tpu.memory_space<vmem>>) semaphore(%dma_start3A_148 : memref<!tpu.dma_semaphore, #tpu.memory_space<semaphore_mem>>)
    %dma_start3A_149 = arith.constant 6 : i32
    %dma_start3A_150 = arith.constant 160 : i32
    %dma_start3A_151 = arith.constant 0 : i32
    %dma_start3A_152 = tpu.memref_slice %arg9[%dma_start3A_150, %dma_start3A_151] : memref<208x256xf32, #tpu.memory_space<vmem>> -> memref<48x256xf32, #tpu.memory_space<vmem>>
    %dma_start3A_153 = arith.constant 160 : i32
    %dma_start3A_154 = tpu.memref_slice %arg7[%dma_start3A_153] : memref<208xi32, #tpu.memory_space<vmem>> -> memref<48xi32, #tpu.memory_space<vmem>>
    %dma_start3A_155 = arith.constant 0 : i32
    %dma_start3A_156 = arith.constant 0 : i32
    %dma_start3A_157 = tpu.memref_slice %arg2[%dma_start3A_155, %dma_start3A_156] : memref<1024x256xf32, #tpu.memory_space<hbm>> -> memref<1024x256xf32, #tpu.memory_space<hbm>>
    %dma_start3A_158 = tpu.memref_slice %arg17[%dma_start3A_149] : memref<7x!tpu.dma_semaphore, #tpu.memory_space<semaphore_mem>> -> memref<1x!tpu.dma_semaphore, #tpu.memory_space<semaphore_mem>>
    %dma_start3A_159 = tpu.memref_squeeze %dma_start3A_158 : memref<1x!tpu.dma_semaphore, #tpu.memory_space<semaphore_mem>> -> memref<!tpu.dma_semaphore, #tpu.memory_space<semaphore_mem>>
    tpu.enqueue_indirect_dma source(%dma_start3A_157 : memref<1024x256xf32, #tpu.memory_space<hbm>>) target(%dma_start3A_152 : memref<48x256xf32, #tpu.memory_space<vmem>>) offsets(%dma_start3A_154 : memref<48xi32, #tpu.memory_space<vmem>>) semaphore(%dma_start3A_159 : memref<!tpu.dma_semaphore, #tpu.memory_space<semaphore_mem>>)
    %dma_wait3A_160 = arith.constant 0 : i32
    %dma_wait3A_161 = arith.constant 0 : i32
    %dma_wait3A_162 = arith.constant 0 : i32
    %dma_wait3A_163 = tpu.memref_slice %arg3[%dma_wait3A_161, %dma_wait3A_162] : memref<100x128xf32, #tpu.memory_space<hbm>> -> memref<100x128xf32, #tpu.memory_space<hbm>>
    %dma_wait3A_164 = tpu.memref_slice %arg17[%dma_wait3A_160] : memref<7x!tpu.dma_semaphore, #tpu.memory_space<semaphore_mem>> -> memref<1x!tpu.dma_semaphore, #tpu.memory_space<semaphore_mem>>
    %dma_wait3A_165 = tpu.memref_squeeze %dma_wait3A_164 : memref<1x!tpu.dma_semaphore, #tpu.memory_space<semaphore_mem>> -> memref<!tpu.dma_semaphore, #tpu.memory_space<semaphore_mem>>
    tpu.wait_indirect_dma semaphore(%dma_wait3A_165 : memref<!tpu.dma_semaphore, #tpu.memory_space<semaphore_mem>>) src(%dma_wait3A_163 : memref<100x128xf32, #tpu.memory_space<hbm>>) dst(%arg10 : memref<48x128xf32, #tpu.memory_space<vmem>>)
    %dma_wait3A_166 = arith.constant 1 : i32
    %dma_wait3A_167 = arith.constant 0 : i32
    %dma_wait3A_168 = arith.constant 0 : i32
    %dma_wait3A_169 = tpu.memref_slice %arg9[%dma_wait3A_167, %dma_wait3A_168] : memref<208x256xf32, #tpu.memory_space<vmem>> -> memref<32x256xf32, #tpu.memory_space<vmem>>
    %dma_wait3A_170 = arith.constant 0 : i32
    %dma_wait3A_171 = tpu.memref_slice %arg7[%dma_wait3A_170] : memref<208xi32, #tpu.memory_space<vmem>> -> memref<32xi32, #tpu.memory_space<vmem>>
    %dma_wait3A_172 = arith.constant 0 : i32
    %dma_wait3A_173 = arith.constant 0 : i32
    %dma_wait3A_174 = tpu.memref_slice %arg2[%dma_wait3A_172, %dma_wait3A_173] : memref<1024x256xf32, #tpu.memory_space<hbm>> -> memref<1024x256xf32, #tpu.memory_space<hbm>>
    %dma_wait3A_175 = tpu.memref_slice %arg17[%dma_wait3A_166] : memref<7x!tpu.dma_semaphore, #tpu.memory_space<semaphore_mem>> -> memref<1x!tpu.dma_semaphore, #tpu.memory_space<semaphore_mem>>
    %dma_wait3A_176 = tpu.memref_squeeze %dma_wait3A_175 : memref<1x!tpu.dma_semaphore, #tpu.memory_space<semaphore_mem>> -> memref<!tpu.dma_semaphore, #tpu.memory_space<semaphore_mem>>
    tpu.wait_indirect_dma semaphore(%dma_wait3A_176 : memref<!tpu.dma_semaphore, #tpu.memory_space<semaphore_mem>>) src(%dma_wait3A_174 : memref<1024x256xf32, #tpu.memory_space<hbm>>) dst(%dma_wait3A_169 : memref<32x256xf32, #tpu.memory_space<vmem>>)
    %scan3A = arith.constant 0 : i32
    %scan3A_177 = arith.constant 0 : i32
    %scan3A_178 = arith.constant 16 : i32
    %scan3A_179 = arith.addi %scan3A_177, %scan3A_178 : i32
    %scan3A_180 = arith.constant 1 : i32
    %scan3A_181 = scf.for %scan3A_805 = %scan3A_177 to %scan3A_179 step %scan3A_180 iter_args(%scan3A_806 = %scan3A) -> (i32)  : i32 {
      %scan3A_807 = arith.constant 0 : i32
      %scan3A_808 = arith.constant 4 : i32
      %scan3A_809 = arith.addi %scan3A_807, %scan3A_808 : i32
      %scan3A_810 = arith.constant 1 : i32
      %scan3A_811:2 = scf.for %scan3A_818 = %scan3A_807 to %scan3A_809 step %scan3A_810 iter_args(%scan3A_819 = %broadcast_in_dim3A_3, %scan3A_820 = %broadcast_in_dim3A_3) -> (vector<16xf32>, vector<16xf32>)  : i32 {
        %mul3A_821 = arith.constant 2 : i32
        %mul3A_822 = arith.muli %mul3A_821, %scan3A_818 : i32
        %add3A_823 = arith.constant 0 : i32
        %add3A_824 = arith.addi %mul3A_822, %add3A_823 : i32
        %add3A_825 = arith.constant 0 : i32
        %add3A_826 = arith.addi %add3A_825, %scan3A_805 : i32
        %mul3A_827 = arith.constant 16 : i32
        %mul3A_828 = arith.muli %add3A_824, %mul3A_827 : i32
        %get3A = arith.index_cast %add3A_826 : i32 to index
        %get3A_829 = arith.index_cast %mul3A_828 : i32 to index
        %get3A_830 = tpu.vector_load %arg9[%get3A, %get3A_829] {strides = array<i32>} : memref<208x256xf32, #tpu.memory_space<vmem>>, vector<16xf32>,
        %add3A_831 = arith.constant 16 : i32
        %add3A_832 = arith.addi %add3A_831, %scan3A_805 : i32
        %mul3A_833 = arith.constant 16 : i32
        %mul3A_834 = arith.muli %add3A_824, %mul3A_833 : i32
        %get3A_835 = arith.index_cast %add3A_832 : i32 to index
        %get3A_836 = arith.index_cast %mul3A_834 : i32 to index
        %get3A_837 = tpu.vector_load %arg9[%get3A_835, %get3A_836] {strides = array<i32>} : memref<208x256xf32, #tpu.memory_space<vmem>>, vector<16xf32>,
        %add3A_838 = arith.constant 0 : i32
        %add3A_839 = arith.addi %add3A_838, %scan3A_805 : i32
        %mul3A_840 = arith.constant 16 : i32
        %mul3A_841 = arith.muli %add3A_824, %mul3A_840 : i32
        %add3A_842 = arith.constant 128 : i32
        %add3A_843 = arith.addi %add3A_842, %mul3A_841 : i32
        %get3A_844 = arith.index_cast %add3A_839 : i32 to index
        %get3A_845 = arith.index_cast %add3A_843 : i32 to index
        %get3A_846 = tpu.vector_load %arg9[%get3A_844, %get3A_845] {strides = array<i32>} : memref<208x256xf32, #tpu.memory_space<vmem>>, vector<16xf32>,
        %abs3A = math.absf %get3A_846 : vector<16xf32>
        %add3A_847 = arith.constant 16 : i32
        %add3A_848 = arith.addi %add3A_847, %scan3A_805 : i32
        %mul3A_849 = arith.constant 16 : i32
        %mul3A_850 = arith.muli %add3A_824, %mul3A_849 : i32
        %add3A_851 = arith.constant 128 : i32
        %add3A_852 = arith.addi %add3A_851, %mul3A_850 : i32
        %get3A_853 = arith.index_cast %add3A_848 : i32 to index
        %get3A_854 = arith.index_cast %add3A_852 : i32 to index
        %get3A_855 = tpu.vector_load %arg9[%get3A_853, %get3A_854] {strides = array<i32>} : memref<208x256xf32, #tpu.memory_space<vmem>>, vector<16xf32>,
        %abs3A_856 = math.absf %get3A_855 : vector<16xf32>
        %sub3A_857 = arith.subf %get3A_830, %get3A_837 : vector<16xf32>
        %abs3A_858 = math.absf %sub3A_857 : vector<16xf32>
        %add3A_859 = arith.addf %abs3A_858, %abs3A : vector<16xf32>
        %sub3A_860 = arith.subf %add3A_859, %abs3A_856 : vector<16xf32>
        %max3A_861 = arith.constant 0.000000e+00 : f32
        %max3A_862 = vector.broadcast %max3A_861 : f32 to vector<16xf32>
        %max3A_863 = arith.maximumf %sub3A_860, %max3A_862 : vector<16xf32>
        %mul3A_864 = arith.mulf %max3A_863, %max3A_863 : vector<16xf32>
        %add3A_865 = arith.addf %scan3A_819, %mul3A_864 : vector<16xf32>
        %mul3A_866 = arith.constant 2 : i32
        %mul3A_867 = arith.muli %mul3A_866, %scan3A_818 : i32
        %add3A_868 = arith.constant 1 : i32
        %add3A_869 = arith.addi %mul3A_867, %add3A_868 : i32
        %add3A_870 = arith.constant 0 : i32
        %add3A_871 = arith.addi %add3A_870, %scan3A_805 : i32
        %mul3A_872 = arith.constant 16 : i32
        %mul3A_873 = arith.muli %add3A_869, %mul3A_872 : i32
        %get3A_874 = arith.index_cast %add3A_871 : i32 to index
        %get3A_875 = arith.index_cast %mul3A_873 : i32 to index
        %get3A_876 = tpu.vector_load %arg9[%get3A_874, %get3A_875] {strides = array<i32>} : memref<208x256xf32, #tpu.memory_space<vmem>>, vector<16xf32>,
        %add3A_877 = arith.constant 16 : i32
        %add3A_878 = arith.addi %add3A_877, %scan3A_805 : i32
        %mul3A_879 = arith.constant 16 : i32
        %mul3A_880 = arith.muli %add3A_869, %mul3A_879 : i32
        %get3A_881 = arith.index_cast %add3A_878 : i32 to index
        %get3A_882 = arith.index_cast %mul3A_880 : i32 to index
        %get3A_883 = tpu.vector_load %arg9[%get3A_881, %get3A_882] {strides = array<i32>} : memref<208x256xf32, #tpu.memory_space<vmem>>, vector<16xf32>,
        %add3A_884 = arith.constant 0 : i32
        %add3A_885 = arith.addi %add3A_884, %scan3A_805 : i32
        %mul3A_886 = arith.constant 16 : i32
        %mul3A_887 = arith.muli %add3A_869, %mul3A_886 : i32
        %add3A_888 = arith.constant 128 : i32
        %add3A_889 = arith.addi %add3A_888, %mul3A_887 : i32
        %get3A_890 = arith.index_cast %add3A_885 : i32 to index
        %get3A_891 = arith.index_cast %add3A_889 : i32 to index
        %get3A_892 = tpu.vector_load %arg9[%get3A_890, %get3A_891] {strides = array<i32>} : memref<208x256xf32, #tpu.memory_space<vmem>>, vector<16xf32>,
        %abs3A_893 = math.absf %get3A_892 : vector<16xf32>
        %add3A_894 = arith.constant 16 : i32
        %add3A_895 = arith.addi %add3A_894, %scan3A_805 : i32
        %mul3A_896 = arith.constant 16 : i32
        %mul3A_897 = arith.muli %add3A_869, %mul3A_896 : i32
        %add3A_898 = arith.constant 128 : i32
        %add3A_899 = arith.addi %add3A_898, %mul3A_897 : i32
        %get3A_900 = arith.index_cast %add3A_895 : i32 to index
        %get3A_901 = arith.index_cast %add3A_899 : i32 to index
        %get3A_902 = tpu.vector_load %arg9[%get3A_900, %get3A_901] {strides = array<i32>} : memref<208x256xf32, #tpu.memory_space<vmem>>, vector<16xf32>,
        %abs3A_903 = math.absf %get3A_902 : vector<16xf32>
        %sub3A_904 = arith.subf %get3A_876, %get3A_883 : vector<16xf32>
        %abs3A_905 = math.absf %sub3A_904 : vector<16xf32>
        %add3A_906 = arith.addf %abs3A_905, %abs3A_893 : vector<16xf32>
        %sub3A_907 = arith.subf %add3A_906, %abs3A_903 : vector<16xf32>
        %max3A_908 = arith.constant 0.000000e+00 : f32
        %max3A_909 = vector.broadcast %max3A_908 : f32 to vector<16xf32>
        %max3A_910 = arith.maximumf %sub3A_907, %max3A_909 : vector<16xf32>
        %mul3A_911 = arith.mulf %max3A_910, %max3A_910 : vector<16xf32>
        %add3A_912 = arith.addf %scan3A_820, %mul3A_911 : vector<16xf32>
        scf.yield %add3A_865, %add3A_912 : vector<16xf32>, vector<16xf32>
      }
      %scan3A_812 = arith.constant 4 : i32
      %add3A_813 = arith.addf %scan3A_811#0, %scan3A_811#1 : vector<16xf32>
      %swap3A_814 = arith.index_cast %scan3A_805 : i32 to index
      %swap3A_815 = arith.constant 0 : index
      %swap3A_816 = tpu.vector_load %arg11[%swap3A_814, %swap3A_815] {strides = array<i32>} : memref<16x256xf32, #tpu.memory_space<vmem>>, vector<16xf32>,
      tpu.vector_store %arg11[%swap3A_814, %swap3A_815], %add3A_813 {strides = array<i32>} : memref<16x256xf32, #tpu.memory_space<vmem>>, vector<16xf32>,
      %scan3A_817 = arith.constant 0 : i32
      scf.yield %scan3A_817 : i32
    }
    %scan3A_182 = arith.constant 16 : i32
    %dma_wait3A_183 = arith.constant 2 : i32
    %dma_wait3A_184 = arith.constant 32 : i32
    %dma_wait3A_185 = arith.constant 0 : i32
    %dma_wait3A_186 = tpu.memref_slice %arg9[%dma_wait3A_184, %dma_wait3A_185] : memref<208x256xf32, #tpu.memory_space<vmem>> -> memref<32x256xf32, #tpu.memory_space<vmem>>
    %dma_wait3A_187 = arith.constant 32 : i32
    %dma_wait3A_188 = tpu.memref_slice %arg7[%dma_wait3A_187] : memref<208xi32, #tpu.memory_space<vmem>> -> memref<32xi32, #tpu.memory_space<vmem>>
    %dma_wait3A_189 = arith.constant 0 : i32
    %dma_wait3A_190 = arith.constant 0 : i32
    %dma_wait3A_191 = tpu.memref_slice %arg2[%dma_wait3A_189, %dma_wait3A_190] : memref<1024x256xf32, #tpu.memory_space<hbm>> -> memref<1024x256xf32, #tpu.memory_space<hbm>>
    %dma_wait3A_192 = tpu.memref_slice %arg17[%dma_wait3A_183] : memref<7x!tpu.dma_semaphore, #tpu.memory_space<semaphore_mem>> -> memref<1x!tpu.dma_semaphore, #tpu.memory_space<semaphore_mem>>
    %dma_wait3A_193 = tpu.memref_squeeze %dma_wait3A_192 : memref<1x!tpu.dma_semaphore, #tpu.memory_space<semaphore_mem>> -> memref<!tpu.dma_semaphore, #tpu.memory_space<semaphore_mem>>
    tpu.wait_indirect_dma semaphore(%dma_wait3A_193 : memref<!tpu.dma_semaphore, #tpu.memory_space<semaphore_mem>>) src(%dma_wait3A_191 : memref<1024x256xf32, #tpu.memory_space<hbm>>) dst(%dma_wait3A_186 : memref<32x256xf32, #tpu.memory_space<vmem>>)
    %scan3A_194 = arith.constant 0 : i32
    %scan3A_195 = arith.constant 0 : i32
    %scan3A_196 = arith.constant 16 : i32
    %scan3A_197 = arith.addi %scan3A_195, %scan3A_196 : i32
    %scan3A_198 = arith.constant 1 : i32
    %scan3A_199 = scf.for %scan3A_805 = %scan3A_195 to %scan3A_197 step %scan3A_198 iter_args(%scan3A_806 = %scan3A_194) -> (i32)  : i32 {
      %scan3A_807 = arith.constant 0 : i32
      %scan3A_808 = arith.constant 4 : i32
      %scan3A_809 = arith.addi %scan3A_807, %scan3A_808 : i32
      %scan3A_810 = arith.constant 1 : i32
      %scan3A_811:2 = scf.for %scan3A_818 = %scan3A_807 to %scan3A_809 step %scan3A_810 iter_args(%scan3A_819 = %broadcast_in_dim3A_3, %scan3A_820 = %broadcast_in_dim3A_3) -> (vector<16xf32>, vector<16xf32>)  : i32 {
        %mul3A_821 = arith.constant 2 : i32
        %mul3A_822 = arith.muli %mul3A_821, %scan3A_818 : i32
        %add3A_823 = arith.constant 0 : i32
        %add3A_824 = arith.addi %mul3A_822, %add3A_823 : i32
        %add3A_825 = arith.constant 32 : i32
        %add3A_826 = arith.addi %add3A_825, %scan3A_805 : i32
        %mul3A_827 = arith.constant 16 : i32
        %mul3A_828 = arith.muli %add3A_824, %mul3A_827 : i32
        %get3A = arith.index_cast %add3A_826 : i32 to index
        %get3A_829 = arith.index_cast %mul3A_828 : i32 to index
        %get3A_830 = tpu.vector_load %arg9[%get3A, %get3A_829] {strides = array<i32>} : memref<208x256xf32, #tpu.memory_space<vmem>>, vector<16xf32>,
        %add3A_831 = arith.constant 48 : i32
        %add3A_832 = arith.addi %add3A_831, %scan3A_805 : i32
        %mul3A_833 = arith.constant 16 : i32
        %mul3A_834 = arith.muli %add3A_824, %mul3A_833 : i32
        %get3A_835 = arith.index_cast %add3A_832 : i32 to index
        %get3A_836 = arith.index_cast %mul3A_834 : i32 to index
        %get3A_837 = tpu.vector_load %arg9[%get3A_835, %get3A_836] {strides = array<i32>} : memref<208x256xf32, #tpu.memory_space<vmem>>, vector<16xf32>,
        %add3A_838 = arith.constant 32 : i32
        %add3A_839 = arith.addi %add3A_838, %scan3A_805 : i32
        %mul3A_840 = arith.constant 16 : i32
        %mul3A_841 = arith.muli %add3A_824, %mul3A_840 : i32
        %add3A_842 = arith.constant 128 : i32
        %add3A_843 = arith.addi %add3A_842, %mul3A_841 : i32
        %get3A_844 = arith.index_cast %add3A_839 : i32 to index
        %get3A_845 = arith.index_cast %add3A_843 : i32 to index
        %get3A_846 = tpu.vector_load %arg9[%get3A_844, %get3A_845] {strides = array<i32>} : memref<208x256xf32, #tpu.memory_space<vmem>>, vector<16xf32>,
        %abs3A = math.absf %get3A_846 : vector<16xf32>
        %add3A_847 = arith.constant 48 : i32
        %add3A_848 = arith.addi %add3A_847, %scan3A_805 : i32
        %mul3A_849 = arith.constant 16 : i32
        %mul3A_850 = arith.muli %add3A_824, %mul3A_849 : i32
        %add3A_851 = arith.constant 128 : i32
        %add3A_852 = arith.addi %add3A_851, %mul3A_850 : i32
        %get3A_853 = arith.index_cast %add3A_848 : i32 to index
        %get3A_854 = arith.index_cast %add3A_852 : i32 to index
        %get3A_855 = tpu.vector_load %arg9[%get3A_853, %get3A_854] {strides = array<i32>} : memref<208x256xf32, #tpu.memory_space<vmem>>, vector<16xf32>,
        %abs3A_856 = math.absf %get3A_855 : vector<16xf32>
        %add3A_857 = arith.addf %abs3A, %abs3A_856 : vector<16xf32>
        %sub3A_858 = arith.subf %get3A_830, %get3A_837 : vector<16xf32>
        %abs3A_859 = math.absf %sub3A_858 : vector<16xf32>
        %sub3A_860 = arith.subf %add3A_857, %abs3A_859 : vector<16xf32>
        %max3A_861 = arith.constant 0.000000e+00 : f32
        %max3A_862 = vector.broadcast %max3A_861 : f32 to vector<16xf32>
        %max3A_863 = arith.maximumf %sub3A_860, %max3A_862 : vector<16xf32>
        %mul3A_864 = arith.mulf %max3A_863, %max3A_863 : vector<16xf32>
        %add3A_865 = arith.addf %scan3A_819, %mul3A_864 : vector<16xf32>
        %mul3A_866 = arith.constant 2 : i32
        %mul3A_867 = arith.muli %mul3A_866, %scan3A_818 : i32
        %add3A_868 = arith.constant 1 : i32
        %add3A_869 = arith.addi %mul3A_867, %add3A_868 : i32
        %add3A_870 = arith.constant 32 : i32
        %add3A_871 = arith.addi %add3A_870, %scan3A_805 : i32
        %mul3A_872 = arith.constant 16 : i32
        %mul3A_873 = arith.muli %add3A_869, %mul3A_872 : i32
        %get3A_874 = arith.index_cast %add3A_871 : i32 to index
        %get3A_875 = arith.index_cast %mul3A_873 : i32 to index
        %get3A_876 = tpu.vector_load %arg9[%get3A_874, %get3A_875] {strides = array<i32>} : memref<208x256xf32, #tpu.memory_space<vmem>>, vector<16xf32>,
        %add3A_877 = arith.constant 48 : i32
        %add3A_878 = arith.addi %add3A_877, %scan3A_805 : i32
        %mul3A_879 = arith.constant 16 : i32
        %mul3A_880 = arith.muli %add3A_869, %mul3A_879 : i32
        %get3A_881 = arith.index_cast %add3A_878 : i32 to index
        %get3A_882 = arith.index_cast %mul3A_880 : i32 to index
        %get3A_883 = tpu.vector_load %arg9[%get3A_881, %get3A_882] {strides = array<i32>} : memref<208x256xf32, #tpu.memory_space<vmem>>, vector<16xf32>,
        %add3A_884 = arith.constant 32 : i32
        %add3A_885 = arith.addi %add3A_884, %scan3A_805 : i32
        %mul3A_886 = arith.constant 16 : i32
        %mul3A_887 = arith.muli %add3A_869, %mul3A_886 : i32
        %add3A_888 = arith.constant 128 : i32
        %add3A_889 = arith.addi %add3A_888, %mul3A_887 : i32
        %get3A_890 = arith.index_cast %add3A_885 : i32 to index
        %get3A_891 = arith.index_cast %add3A_889 : i32 to index
        %get3A_892 = tpu.vector_load %arg9[%get3A_890, %get3A_891] {strides = array<i32>} : memref<208x256xf32, #tpu.memory_space<vmem>>, vector<16xf32>,
        %abs3A_893 = math.absf %get3A_892 : vector<16xf32>
        %add3A_894 = arith.constant 48 : i32
        %add3A_895 = arith.addi %add3A_894, %scan3A_805 : i32
        %mul3A_896 = arith.constant 16 : i32
        %mul3A_897 = arith.muli %add3A_869, %mul3A_896 : i32
        %add3A_898 = arith.constant 128 : i32
        %add3A_899 = arith.addi %add3A_898, %mul3A_897 : i32
        %get3A_900 = arith.index_cast %add3A_895 : i32 to index
        %get3A_901 = arith.index_cast %add3A_899 : i32 to index
        %get3A_902 = tpu.vector_load %arg9[%get3A_900, %get3A_901] {strides = array<i32>} : memref<208x256xf32, #tpu.memory_space<vmem>>, vector<16xf32>,
        %abs3A_903 = math.absf %get3A_902 : vector<16xf32>
        %add3A_904 = arith.addf %abs3A_893, %abs3A_903 : vector<16xf32>
        %sub3A_905 = arith.subf %get3A_876, %get3A_883 : vector<16xf32>
        %abs3A_906 = math.absf %sub3A_905 : vector<16xf32>
        %sub3A_907 = arith.subf %add3A_904, %abs3A_906 : vector<16xf32>
        %max3A_908 = arith.constant 0.000000e+00 : f32
        %max3A_909 = vector.broadcast %max3A_908 : f32 to vector<16xf32>
        %max3A_910 = arith.maximumf %sub3A_907, %max3A_909 : vector<16xf32>
        %mul3A_911 = arith.mulf %max3A_910, %max3A_910 : vector<16xf32>
        %add3A_912 = arith.addf %scan3A_820, %mul3A_911 : vector<16xf32>
        scf.yield %add3A_865, %add3A_912 : vector<16xf32>, vector<16xf32>
      }
      %scan3A_812 = arith.constant 4 : i32
      %add3A_813 = arith.addf %scan3A_811#0, %scan3A_811#1 : vector<16xf32>
      %swap3A_814 = arith.index_cast %scan3A_805 : i32 to index
      %swap3A_815 = arith.constant 16 : index
      %swap3A_816 = tpu.vector_load %arg11[%swap3A_814, %swap3A_815] {strides = array<i32>} : memref<16x256xf32, #tpu.memory_space<vmem>>, vector<16xf32>,
      tpu.vector_store %arg11[%swap3A_814, %swap3A_815], %add3A_813 {strides = array<i32>} : memref<16x256xf32, #tpu.memory_space<vmem>>, vector<16xf32>,
      %scan3A_817 = arith.constant 0 : i32
      scf.yield %scan3A_817 : i32
    }
    %scan3A_200 = arith.constant 16 : i32
    %dma_wait3A_201 = arith.constant 3 : i32
    %dma_wait3A_202 = arith.constant 64 : i32
    %dma_wait3A_203 = arith.constant 0 : i32
    %dma_wait3A_204 = tpu.memref_slice %arg9[%dma_wait3A_202, %dma_wait3A_203] : memref<208x256xf32, #tpu.memory_space<vmem>> -> memref<32x256xf32, #tpu.memory_space<vmem>>
    %dma_wait3A_205 = arith.constant 64 : i32
    %dma_wait3A_206 = tpu.memref_slice %arg7[%dma_wait3A_205] : memref<208xi32, #tpu.memory_space<vmem>> -> memref<32xi32, #tpu.memory_space<vmem>>
    %dma_wait3A_207 = arith.constant 0 : i32
    %dma_wait3A_208 = arith.constant 0 : i32
    %dma_wait3A_209 = tpu.memref_slice %arg2[%dma_wait3A_207, %dma_wait3A_208] : memref<1024x256xf32, #tpu.memory_space<hbm>> -> memref<1024x256xf32, #tpu.memory_space<hbm>>
    %dma_wait3A_210 = tpu.memref_slice %arg17[%dma_wait3A_201] : memref<7x!tpu.dma_semaphore, #tpu.memory_space<semaphore_mem>> -> memref<1x!tpu.dma_semaphore, #tpu.memory_space<semaphore_mem>>
    %dma_wait3A_211 = tpu.memref_squeeze %dma_wait3A_210 : memref<1x!tpu.dma_semaphore, #tpu.memory_space<semaphore_mem>> -> memref<!tpu.dma_semaphore, #tpu.memory_space<semaphore_mem>>
    tpu.wait_indirect_dma semaphore(%dma_wait3A_211 : memref<!tpu.dma_semaphore, #tpu.memory_space<semaphore_mem>>) src(%dma_wait3A_209 : memref<1024x256xf32, #tpu.memory_space<hbm>>) dst(%dma_wait3A_204 : memref<32x256xf32, #tpu.memory_space<vmem>>)
    %scan3A_212 = arith.constant 0 : i32
    %scan3A_213 = arith.constant 0 : i32
    %scan3A_214 = arith.constant 16 : i32
    %scan3A_215 = arith.addi %scan3A_213, %scan3A_214 : i32
    %scan3A_216 = arith.constant 1 : i32
    %scan3A_217 = scf.for %scan3A_805 = %scan3A_213 to %scan3A_215 step %scan3A_216 iter_args(%scan3A_806 = %scan3A_212) -> (i32)  : i32 {
      %scan3A_807 = arith.constant 0 : i32
      %scan3A_808 = arith.constant 4 : i32
      %scan3A_809 = arith.addi %scan3A_807, %scan3A_808 : i32
      %scan3A_810 = arith.constant 1 : i32
      %scan3A_811:2 = scf.for %scan3A_818 = %scan3A_807 to %scan3A_809 step %scan3A_810 iter_args(%scan3A_819 = %broadcast_in_dim3A_3, %scan3A_820 = %broadcast_in_dim3A_3) -> (vector<16xf32>, vector<16xf32>)  : i32 {
        %mul3A_821 = arith.constant 2 : i32
        %mul3A_822 = arith.muli %mul3A_821, %scan3A_818 : i32
        %add3A_823 = arith.constant 0 : i32
        %add3A_824 = arith.addi %mul3A_822, %add3A_823 : i32
        %add3A_825 = arith.constant 64 : i32
        %add3A_826 = arith.addi %add3A_825, %scan3A_805 : i32
        %mul3A_827 = arith.constant 16 : i32
        %mul3A_828 = arith.muli %add3A_824, %mul3A_827 : i32
        %get3A = arith.index_cast %add3A_826 : i32 to index
        %get3A_829 = arith.index_cast %mul3A_828 : i32 to index
        %get3A_830 = tpu.vector_load %arg9[%get3A, %get3A_829] {strides = array<i32>} : memref<208x256xf32, #tpu.memory_space<vmem>>, vector<16xf32>,
        %add3A_831 = arith.constant 80 : i32
        %add3A_832 = arith.addi %add3A_831, %scan3A_805 : i32
        %mul3A_833 = arith.constant 16 : i32
        %mul3A_834 = arith.muli %add3A_824, %mul3A_833 : i32
        %get3A_835 = arith.index_cast %add3A_832 : i32 to index
        %get3A_836 = arith.index_cast %mul3A_834 : i32 to index
        %get3A_837 = tpu.vector_load %arg9[%get3A_835, %get3A_836] {strides = array<i32>} : memref<208x256xf32, #tpu.memory_space<vmem>>, vector<16xf32>,
        %add3A_838 = arith.constant 64 : i32
        %add3A_839 = arith.addi %add3A_838, %scan3A_805 : i32
        %mul3A_840 = arith.constant 16 : i32
        %mul3A_841 = arith.muli %add3A_824, %mul3A_840 : i32
        %add3A_842 = arith.constant 128 : i32
        %add3A_843 = arith.addi %add3A_842, %mul3A_841 : i32
        %get3A_844 = arith.index_cast %add3A_839 : i32 to index
        %get3A_845 = arith.index_cast %add3A_843 : i32 to index
        %get3A_846 = tpu.vector_load %arg9[%get3A_844, %get3A_845] {strides = array<i32>} : memref<208x256xf32, #tpu.memory_space<vmem>>, vector<16xf32>,
        %abs3A = math.absf %get3A_846 : vector<16xf32>
        %add3A_847 = arith.constant 80 : i32
        %add3A_848 = arith.addi %add3A_847, %scan3A_805 : i32
        %mul3A_849 = arith.constant 16 : i32
        %mul3A_850 = arith.muli %add3A_824, %mul3A_849 : i32
        %add3A_851 = arith.constant 128 : i32
        %add3A_852 = arith.addi %add3A_851, %mul3A_850 : i32
        %get3A_853 = arith.index_cast %add3A_848 : i32 to index
        %get3A_854 = arith.index_cast %add3A_852 : i32 to index
        %get3A_855 = tpu.vector_load %arg9[%get3A_853, %get3A_854] {strides = array<i32>} : memref<208x256xf32, #tpu.memory_space<vmem>>, vector<16xf32>,
        %abs3A_856 = math.absf %get3A_855 : vector<16xf32>
        %sub3A_857 = arith.subf %get3A_830, %get3A_837 : vector<16xf32>
        %add3A_858 = arith.constant 0 : i32
        %add3A_859 = arith.addi %add3A_858, %scan3A_805 : i32
        %mul3A_860 = arith.constant 16 : i32
        %mul3A_861 = arith.muli %add3A_824, %mul3A_860 : i32
        %get3A_862 = arith.index_cast %add3A_859 : i32 to index
        %get3A_863 = arith.index_cast %mul3A_861 : i32 to index
        %get3A_864 = tpu.vector_load %arg10[%get3A_862, %get3A_863] {strides = array<i32>} : memref<48x128xf32, #tpu.memory_space<vmem>>, vector<16xf32>,
        %add3A_865 = arith.addf %sub3A_857, %get3A_864 : vector<16xf32>
        %abs3A_866 = math.absf %add3A_865 : vector<16xf32>
        %add3A_867 = arith.addf %abs3A_866, %abs3A : vector<16xf32>
        %sub3A_868 = arith.subf %add3A_867, %abs3A_856 : vector<16xf32>
        %max3A_869 = arith.constant 0.000000e+00 : f32
        %max3A_870 = vector.broadcast %max3A_869 : f32 to vector<16xf32>
        %max3A_871 = arith.maximumf %sub3A_868, %max3A_870 : vector<16xf32>
        %mul3A_872 = arith.mulf %max3A_871, %max3A_871 : vector<16xf32>
        %add3A_873 = arith.addf %scan3A_819, %mul3A_872 : vector<16xf32>
        %mul3A_874 = arith.constant 2 : i32
        %mul3A_875 = arith.muli %mul3A_874, %scan3A_818 : i32
        %add3A_876 = arith.constant 1 : i32
        %add3A_877 = arith.addi %mul3A_875, %add3A_876 : i32
        %add3A_878 = arith.constant 64 : i32
        %add3A_879 = arith.addi %add3A_878, %scan3A_805 : i32
        %mul3A_880 = arith.constant 16 : i32
        %mul3A_881 = arith.muli %add3A_877, %mul3A_880 : i32
        %get3A_882 = arith.index_cast %add3A_879 : i32 to index
        %get3A_883 = arith.index_cast %mul3A_881 : i32 to index
        %get3A_884 = tpu.vector_load %arg9[%get3A_882, %get3A_883] {strides = array<i32>} : memref<208x256xf32, #tpu.memory_space<vmem>>, vector<16xf32>,
        %add3A_885 = arith.constant 80 : i32
        %add3A_886 = arith.addi %add3A_885, %scan3A_805 : i32
        %mul3A_887 = arith.constant 16 : i32
        %mul3A_888 = arith.muli %add3A_877, %mul3A_887 : i32
        %get3A_889 = arith.index_cast %add3A_886 : i32 to index
        %get3A_890 = arith.index_cast %mul3A_888 : i32 to index
        %get3A_891 = tpu.vector_load %arg9[%get3A_889, %get3A_890] {strides = array<i32>} : memref<208x256xf32, #tpu.memory_space<vmem>>, vector<16xf32>,
        %add3A_892 = arith.constant 64 : i32
        %add3A_893 = arith.addi %add3A_892, %scan3A_805 : i32
        %mul3A_894 = arith.constant 16 : i32
        %mul3A_895 = arith.muli %add3A_877, %mul3A_894 : i32
        %add3A_896 = arith.constant 128 : i32
        %add3A_897 = arith.addi %add3A_896, %mul3A_895 : i32
        %get3A_898 = arith.index_cast %add3A_893 : i32 to index
        %get3A_899 = arith.index_cast %add3A_897 : i32 to index
        %get3A_900 = tpu.vector_load %arg9[%get3A_898, %get3A_899] {strides = array<i32>} : memref<208x256xf32, #tpu.memory_space<vmem>>, vector<16xf32>,
        %abs3A_901 = math.absf %get3A_900 : vector<16xf32>
        %add3A_902 = arith.constant 80 : i32
        %add3A_903 = arith.addi %add3A_902, %scan3A_805 : i32
        %mul3A_904 = arith.constant 16 : i32
        %mul3A_905 = arith.muli %add3A_877, %mul3A_904 : i32
        %add3A_906 = arith.constant 128 : i32
        %add3A_907 = arith.addi %add3A_906, %mul3A_905 : i32
        %get3A_908 = arith.index_cast %add3A_903 : i32 to index
        %get3A_909 = arith.index_cast %add3A_907 : i32 to index
        %get3A_910 = tpu.vector_load %arg9[%get3A_908, %get3A_909] {strides = array<i32>} : memref<208x256xf32, #tpu.memory_space<vmem>>, vector<16xf32>,
        %abs3A_911 = math.absf %get3A_910 : vector<16xf32>
        %sub3A_912 = arith.subf %get3A_884, %get3A_891 : vector<16xf32>
        %add3A_913 = arith.constant 0 : i32
        %add3A_914 = arith.addi %add3A_913, %scan3A_805 : i32
        %mul3A_915 = arith.constant 16 : i32
        %mul3A_916 = arith.muli %add3A_877, %mul3A_915 : i32
        %get3A_917 = arith.index_cast %add3A_914 : i32 to index
        %get3A_918 = arith.index_cast %mul3A_916 : i32 to index
        %get3A_919 = tpu.vector_load %arg10[%get3A_917, %get3A_918] {strides = array<i32>} : memref<48x128xf32, #tpu.memory_space<vmem>>, vector<16xf32>,
        %add3A_920 = arith.addf %sub3A_912, %get3A_919 : vector<16xf32>
        %abs3A_921 = math.absf %add3A_920 : vector<16xf32>
        %add3A_922 = arith.addf %abs3A_921, %abs3A_901 : vector<16xf32>
        %sub3A_923 = arith.subf %add3A_922, %abs3A_911 : vector<16xf32>
        %max3A_924 = arith.constant 0.000000e+00 : f32
        %max3A_925 = vector.broadcast %max3A_924 : f32 to vector<16xf32>
        %max3A_926 = arith.maximumf %sub3A_923, %max3A_925 : vector<16xf32>
        %mul3A_927 = arith.mulf %max3A_926, %max3A_926 : vector<16xf32>
        %add3A_928 = arith.addf %scan3A_820, %mul3A_927 : vector<16xf32>
        scf.yield %add3A_873, %add3A_928 : vector<16xf32>, vector<16xf32>
      }
      %scan3A_812 = arith.constant 4 : i32
      %add3A_813 = arith.addf %scan3A_811#0, %scan3A_811#1 : vector<16xf32>
      %swap3A_814 = arith.index_cast %scan3A_805 : i32 to index
      %swap3A_815 = arith.constant 32 : index
      %swap3A_816 = tpu.vector_load %arg11[%swap3A_814, %swap3A_815] {strides = array<i32>} : memref<16x256xf32, #tpu.memory_space<vmem>>, vector<16xf32>,
      tpu.vector_store %arg11[%swap3A_814, %swap3A_815], %add3A_813 {strides = array<i32>} : memref<16x256xf32, #tpu.memory_space<vmem>>, vector<16xf32>,
      %scan3A_817 = arith.constant 0 : i32
      scf.yield %scan3A_817 : i32
    }
    %scan3A_218 = arith.constant 16 : i32
    %dma_wait3A_219 = arith.constant 4 : i32
    %dma_wait3A_220 = arith.constant 96 : i32
    %dma_wait3A_221 = arith.constant 0 : i32
    %dma_wait3A_222 = tpu.memref_slice %arg9[%dma_wait3A_220, %dma_wait3A_221] : memref<208x256xf32, #tpu.memory_space<vmem>> -> memref<32x256xf32, #tpu.memory_space<vmem>>
    %dma_wait3A_223 = arith.constant 96 : i32
    %dma_wait3A_224 = tpu.memref_slice %arg7[%dma_wait3A_223] : memref<208xi32, #tpu.memory_space<vmem>> -> memref<32xi32, #tpu.memory_space<vmem>>
    %dma_wait3A_225 = arith.constant 0 : i32
    %dma_wait3A_226 = arith.constant 0 : i32
    %dma_wait3A_227 = tpu.memref_slice %arg2[%dma_wait3A_225, %dma_wait3A_226] : memref<1024x256xf32, #tpu.memory_space<hbm>> -> memref<1024x256xf32, #tpu.memory_space<hbm>>
    %dma_wait3A_228 = tpu.memref_slice %arg17[%dma_wait3A_219] : memref<7x!tpu.dma_semaphore, #tpu.memory_space<semaphore_mem>> -> memref<1x!tpu.dma_semaphore, #tpu.memory_space<semaphore_mem>>
    %dma_wait3A_229 = tpu.memref_squeeze %dma_wait3A_228 : memref<1x!tpu.dma_semaphore, #tpu.memory_space<semaphore_mem>> -> memref<!tpu.dma_semaphore, #tpu.memory_space<semaphore_mem>>
    tpu.wait_indirect_dma semaphore(%dma_wait3A_229 : memref<!tpu.dma_semaphore, #tpu.memory_space<semaphore_mem>>) src(%dma_wait3A_227 : memref<1024x256xf32, #tpu.memory_space<hbm>>) dst(%dma_wait3A_222 : memref<32x256xf32, #tpu.memory_space<vmem>>)
    %scan3A_230 = arith.constant 0 : i32
    %scan3A_231 = arith.constant 0 : i32
    %scan3A_232 = arith.constant 16 : i32
    %scan3A_233 = arith.addi %scan3A_231, %scan3A_232 : i32
    %scan3A_234 = arith.constant 1 : i32
    %scan3A_235 = scf.for %scan3A_805 = %scan3A_231 to %scan3A_233 step %scan3A_234 iter_args(%scan3A_806 = %scan3A_230) -> (i32)  : i32 {
      %scan3A_807 = arith.constant 0 : i32
      %scan3A_808 = arith.constant 4 : i32
      %scan3A_809 = arith.addi %scan3A_807, %scan3A_808 : i32
      %scan3A_810 = arith.constant 1 : i32
      %scan3A_811:2 = scf.for %scan3A_819 = %scan3A_807 to %scan3A_809 step %scan3A_810 iter_args(%scan3A_820 = %broadcast_in_dim3A_3, %scan3A_821 = %broadcast_in_dim3A_3) -> (vector<16xf32>, vector<16xf32>)  : i32 {
        %mul3A_822 = arith.constant 2 : i32
        %mul3A_823 = arith.muli %mul3A_822, %scan3A_819 : i32
        %add3A_824 = arith.constant 0 : i32
        %add3A_825 = arith.addi %mul3A_823, %add3A_824 : i32
        %add3A_826 = arith.constant 96 : i32
        %add3A_827 = arith.addi %add3A_826, %scan3A_805 : i32
        %mul3A_828 = arith.constant 16 : i32
        %mul3A_829 = arith.muli %add3A_825, %mul3A_828 : i32
        %get3A = arith.index_cast %add3A_827 : i32 to index
        %get3A_830 = arith.index_cast %mul3A_829 : i32 to index
        %get3A_831 = tpu.vector_load %arg9[%get3A, %get3A_830] {strides = array<i32>} : memref<208x256xf32, #tpu.memory_space<vmem>>, vector<16xf32>,
        %add3A_832 = arith.constant 112 : i32
        %add3A_833 = arith.addi %add3A_832, %scan3A_805 : i32
        %mul3A_834 = arith.constant 16 : i32
        %mul3A_835 = arith.muli %add3A_825, %mul3A_834 : i32
        %get3A_836 = arith.index_cast %add3A_833 : i32 to index
        %get3A_837 = arith.index_cast %mul3A_835 : i32 to index
        %get3A_838 = tpu.vector_load %arg9[%get3A_836, %get3A_837] {strides = array<i32>} : memref<208x256xf32, #tpu.memory_space<vmem>>, vector<16xf32>,
        %add3A_839 = arith.constant 96 : i32
        %add3A_840 = arith.addi %add3A_839, %scan3A_805 : i32
        %mul3A_841 = arith.constant 16 : i32
        %mul3A_842 = arith.muli %add3A_825, %mul3A_841 : i32
        %add3A_843 = arith.constant 128 : i32
        %add3A_844 = arith.addi %add3A_843, %mul3A_842 : i32
        %get3A_845 = arith.index_cast %add3A_840 : i32 to index
        %get3A_846 = arith.index_cast %add3A_844 : i32 to index
        %get3A_847 = tpu.vector_load %arg9[%get3A_845, %get3A_846] {strides = array<i32>} : memref<208x256xf32, #tpu.memory_space<vmem>>, vector<16xf32>,
        %abs3A = math.absf %get3A_847 : vector<16xf32>
        %add3A_848 = arith.constant 112 : i32
        %add3A_849 = arith.addi %add3A_848, %scan3A_805 : i32
        %mul3A_850 = arith.constant 16 : i32
        %mul3A_851 = arith.muli %add3A_825, %mul3A_850 : i32
        %add3A_852 = arith.constant 128 : i32
        %add3A_853 = arith.addi %add3A_852, %mul3A_851 : i32
        %get3A_854 = arith.index_cast %add3A_849 : i32 to index
        %get3A_855 = arith.index_cast %add3A_853 : i32 to index
        %get3A_856 = tpu.vector_load %arg9[%get3A_854, %get3A_855] {strides = array<i32>} : memref<208x256xf32, #tpu.memory_space<vmem>>, vector<16xf32>,
        %abs3A_857 = math.absf %get3A_856 : vector<16xf32>
        %sub3A_858 = arith.subf %get3A_831, %get3A_838 : vector<16xf32>
        %add3A_859 = arith.constant 16 : i32
        %add3A_860 = arith.addi %add3A_859, %scan3A_805 : i32
        %mul3A_861 = arith.constant 16 : i32
        %mul3A_862 = arith.muli %add3A_825, %mul3A_861 : i32
        %get3A_863 = arith.index_cast %add3A_860 : i32 to index
        %get3A_864 = arith.index_cast %mul3A_862 : i32 to index
        %get3A_865 = tpu.vector_load %arg10[%get3A_863, %get3A_864] {strides = array<i32>} : memref<48x128xf32, #tpu.memory_space<vmem>>, vector<16xf32>,
        %add3A_866 = arith.addf %sub3A_858, %get3A_865 : vector<16xf32>
        %abs3A_867 = math.absf %add3A_866 : vector<16xf32>
        %sub3A_868 = arith.subf %abs3A_867, %abs3A : vector<16xf32>
        %sub3A_869 = arith.subf %sub3A_868, %abs3A_857 : vector<16xf32>
        %max3A_870 = arith.constant 0.000000e+00 : f32
        %max3A_871 = vector.broadcast %max3A_870 : f32 to vector<16xf32>
        %max3A_872 = arith.maximumf %sub3A_869, %max3A_871 : vector<16xf32>
        %mul3A_873 = arith.mulf %max3A_872, %max3A_872 : vector<16xf32>
        %add3A_874 = arith.addf %scan3A_820, %mul3A_873 : vector<16xf32>
        %mul3A_875 = arith.constant 2 : i32
        %mul3A_876 = arith.muli %mul3A_875, %scan3A_819 : i32
        %add3A_877 = arith.constant 1 : i32
        %add3A_878 = arith.addi %mul3A_876, %add3A_877 : i32
        %add3A_879 = arith.constant 96 : i32
        %add3A_880 = arith.addi %add3A_879, %scan3A_805 : i32
        %mul3A_881 = arith.constant 16 : i32
        %mul3A_882 = arith.muli %add3A_878, %mul3A_881 : i32
        %get3A_883 = arith.index_cast %add3A_880 : i32 to index
        %get3A_884 = arith.index_cast %mul3A_882 : i32 to index
        %get3A_885 = tpu.vector_load %arg9[%get3A_883, %get3A_884] {strides = array<i32>} : memref<208x256xf32, #tpu.memory_space<vmem>>, vector<16xf32>,
        %add3A_886 = arith.constant 112 : i32
        %add3A_887 = arith.addi %add3A_886, %scan3A_805 : i32
        %mul3A_888 = arith.constant 16 : i32
        %mul3A_889 = arith.muli %add3A_878, %mul3A_888 : i32
        %get3A_890 = arith.index_cast %add3A_887 : i32 to index
        %get3A_891 = arith.index_cast %mul3A_889 : i32 to index
        %get3A_892 = tpu.vector_load %arg9[%get3A_890, %get3A_891] {strides = array<i32>} : memref<208x256xf32, #tpu.memory_space<vmem>>, vector<16xf32>,
        %add3A_893 = arith.constant 96 : i32
        %add3A_894 = arith.addi %add3A_893, %scan3A_805 : i32
        %mul3A_895 = arith.constant 16 : i32
        %mul3A_896 = arith.muli %add3A_878, %mul3A_895 : i32
        %add3A_897 = arith.constant 128 : i32
        %add3A_898 = arith.addi %add3A_897, %mul3A_896 : i32
        %get3A_899 = arith.index_cast %add3A_894 : i32 to index
        %get3A_900 = arith.index_cast %add3A_898 : i32 to index
        %get3A_901 = tpu.vector_load %arg9[%get3A_899, %get3A_900] {strides = array<i32>} : memref<208x256xf32, #tpu.memory_space<vmem>>, vector<16xf32>,
        %abs3A_902 = math.absf %get3A_901 : vector<16xf32>
        %add3A_903 = arith.constant 112 : i32
        %add3A_904 = arith.addi %add3A_903, %scan3A_805 : i32
        %mul3A_905 = arith.constant 16 : i32
        %mul3A_906 = arith.muli %add3A_878, %mul3A_905 : i32
        %add3A_907 = arith.constant 128 : i32
        %add3A_908 = arith.addi %add3A_907, %mul3A_906 : i32
        %get3A_909 = arith.index_cast %add3A_904 : i32 to index
        %get3A_910 = arith.index_cast %add3A_908 : i32 to index
        %get3A_911 = tpu.vector_load %arg9[%get3A_909, %get3A_910] {strides = array<i32>} : memref<208x256xf32, #tpu.memory_space<vmem>>, vector<16xf32>,
        %abs3A_912 = math.absf %get3A_911 : vector<16xf32>
        %sub3A_913 = arith.subf %get3A_885, %get3A_892 : vector<16xf32>
        %add3A_914 = arith.constant 16 : i32
        %add3A_915 = arith.addi %add3A_914, %scan3A_805 : i32
        %mul3A_916 = arith.constant 16 : i32
        %mul3A_917 = arith.muli %add3A_878, %mul3A_916 : i32
        %get3A_918 = arith.index_cast %add3A_915 : i32 to index
        %get3A_919 = arith.index_cast %mul3A_917 : i32 to index
        %get3A_920 = tpu.vector_load %arg10[%get3A_918, %get3A_919] {strides = array<i32>} : memref<48x128xf32, #tpu.memory_space<vmem>>, vector<16xf32>,
        %add3A_921 = arith.addf %sub3A_913, %get3A_920 : vector<16xf32>
        %abs3A_922 = math.absf %add3A_921 : vector<16xf32>
        %sub3A_923 = arith.subf %abs3A_922, %abs3A_902 : vector<16xf32>
        %sub3A_924 = arith.subf %sub3A_923, %abs3A_912 : vector<16xf32>
        %max3A_925 = arith.constant 0.000000e+00 : f32
        %max3A_926 = vector.broadcast %max3A_925 : f32 to vector<16xf32>
        %max3A_927 = arith.maximumf %sub3A_924, %max3A_926 : vector<16xf32>
        %mul3A_928 = arith.mulf %max3A_927, %max3A_927 : vector<16xf32>
        %add3A_929 = arith.addf %scan3A_821, %mul3A_928 : vector<16xf32>
        scf.yield %add3A_874, %add3A_929 : vector<16xf32>, vector<16xf32>
      }
      %scan3A_812 = arith.constant 4 : i32
      %add3A_813 = arith.addf %scan3A_811#0, %scan3A_811#1 : vector<16xf32>
      %mul3A_814 = arith.constant 16 : i32
      %mul3A_815 = arith.muli %scan3A_805, %mul3A_814 : i32
      %swap3A_816 = arith.index_cast %mul3A_815 : i32 to index
      %swap3A_817 = tpu.vector_load %arg12[%swap3A_816] {strides = array<i32>} : memref<256xf32, #tpu.memory_space<vmem>>, vector<16xf32>,
      tpu.vector_store %arg12[%swap3A_816], %add3A_813 {strides = array<i32>} : memref<256xf32, #tpu.memory_space<vmem>>, vector<16xf32>,
      %scan3A_818 = arith.constant 0 : i32
      scf.yield %scan3A_818 : i32
    }
    %scan3A_236 = arith.constant 16 : i32
    %dma_wait3A_237 = arith.constant 5 : i32
    %dma_wait3A_238 = arith.constant 128 : i32
    %dma_wait3A_239 = arith.constant 0 : i32
    %dma_wait3A_240 = tpu.memref_slice %arg9[%dma_wait3A_238, %dma_wait3A_239] : memref<208x256xf32, #tpu.memory_space<vmem>> -> memref<32x256xf32, #tpu.memory_space<vmem>>
    %dma_wait3A_241 = arith.constant 128 : i32
    %dma_wait3A_242 = tpu.memref_slice %arg7[%dma_wait3A_241] : memref<208xi32, #tpu.memory_space<vmem>> -> memref<32xi32, #tpu.memory_space<vmem>>
    %dma_wait3A_243 = arith.constant 0 : i32
    %dma_wait3A_244 = arith.constant 0 : i32
    %dma_wait3A_245 = tpu.memref_slice %arg2[%dma_wait3A_243, %dma_wait3A_244] : memref<1024x256xf32, #tpu.memory_space<hbm>> -> memref<1024x256xf32, #tpu.memory_space<hbm>>
    %dma_wait3A_246 = tpu.memref_slice %arg17[%dma_wait3A_237] : memref<7x!tpu.dma_semaphore, #tpu.memory_space<semaphore_mem>> -> memref<1x!tpu.dma_semaphore, #tpu.memory_space<semaphore_mem>>
    %dma_wait3A_247 = tpu.memref_squeeze %dma_wait3A_246 : memref<1x!tpu.dma_semaphore, #tpu.memory_space<semaphore_mem>> -> memref<!tpu.dma_semaphore, #tpu.memory_space<semaphore_mem>>
    tpu.wait_indirect_dma semaphore(%dma_wait3A_247 : memref<!tpu.dma_semaphore, #tpu.memory_space<semaphore_mem>>) src(%dma_wait3A_245 : memref<1024x256xf32, #tpu.memory_space<hbm>>) dst(%dma_wait3A_240 : memref<32x256xf32, #tpu.memory_space<vmem>>)
    %scan3A_248 = arith.constant 0 : i32
    %scan3A_249 = arith.constant 0 : i32
    %scan3A_250 = arith.constant 16 : i32
    %scan3A_251 = arith.addi %scan3A_249, %scan3A_250 : i32
    %scan3A_252 = arith.constant 1 : i32
    %scan3A_253 = scf.for %scan3A_805 = %scan3A_249 to %scan3A_251 step %scan3A_252 iter_args(%scan3A_806 = %scan3A_248) -> (i32)  : i32 {
      %scan3A_807 = arith.constant 0 : i32
      %scan3A_808 = arith.constant 4 : i32
      %scan3A_809 = arith.addi %scan3A_807, %scan3A_808 : i32
      %scan3A_810 = arith.constant 1 : i32
      %scan3A_811:2 = scf.for %scan3A_818 = %scan3A_807 to %scan3A_809 step %scan3A_810 iter_args(%scan3A_819 = %broadcast_in_dim3A_3, %scan3A_820 = %broadcast_in_dim3A_3) -> (vector<16xf32>, vector<16xf32>)  : i32 {
        %mul3A_821 = arith.constant 2 : i32
        %mul3A_822 = arith.muli %mul3A_821, %scan3A_818 : i32
        %add3A_823 = arith.constant 0 : i32
        %add3A_824 = arith.addi %mul3A_822, %add3A_823 : i32
        %add3A_825 = arith.constant 128 : i32
        %add3A_826 = arith.addi %add3A_825, %scan3A_805 : i32
        %mul3A_827 = arith.constant 16 : i32
        %mul3A_828 = arith.muli %add3A_824, %mul3A_827 : i32
        %get3A = arith.index_cast %add3A_826 : i32 to index
        %get3A_829 = arith.index_cast %mul3A_828 : i32 to index
        %get3A_830 = tpu.vector_load %arg9[%get3A, %get3A_829] {strides = array<i32>} : memref<208x256xf32, #tpu.memory_space<vmem>>, vector<16xf32>,
        %add3A_831 = arith.constant 144 : i32
        %add3A_832 = arith.addi %add3A_831, %scan3A_805 : i32
        %mul3A_833 = arith.constant 16 : i32
        %mul3A_834 = arith.muli %add3A_824, %mul3A_833 : i32
        %get3A_835 = arith.index_cast %add3A_832 : i32 to index
        %get3A_836 = arith.index_cast %mul3A_834 : i32 to index
        %get3A_837 = tpu.vector_load %arg9[%get3A_835, %get3A_836] {strides = array<i32>} : memref<208x256xf32, #tpu.memory_space<vmem>>, vector<16xf32>,
        %add3A_838 = arith.constant 128 : i32
        %add3A_839 = arith.addi %add3A_838, %scan3A_805 : i32
        %mul3A_840 = arith.constant 16 : i32
        %mul3A_841 = arith.muli %add3A_824, %mul3A_840 : i32
        %add3A_842 = arith.constant 128 : i32
        %add3A_843 = arith.addi %add3A_842, %mul3A_841 : i32
        %get3A_844 = arith.index_cast %add3A_839 : i32 to index
        %get3A_845 = arith.index_cast %add3A_843 : i32 to index
        %get3A_846 = tpu.vector_load %arg9[%get3A_844, %get3A_845] {strides = array<i32>} : memref<208x256xf32, #tpu.memory_space<vmem>>, vector<16xf32>,
        %abs3A = math.absf %get3A_846 : vector<16xf32>
        %add3A_847 = arith.constant 144 : i32
        %add3A_848 = arith.addi %add3A_847, %scan3A_805 : i32
        %mul3A_849 = arith.constant 16 : i32
        %mul3A_850 = arith.muli %add3A_824, %mul3A_849 : i32
        %add3A_851 = arith.constant 128 : i32
        %add3A_852 = arith.addi %add3A_851, %mul3A_850 : i32
        %get3A_853 = arith.index_cast %add3A_848 : i32 to index
        %get3A_854 = arith.index_cast %add3A_852 : i32 to index
        %get3A_855 = tpu.vector_load %arg9[%get3A_853, %get3A_854] {strides = array<i32>} : memref<208x256xf32, #tpu.memory_space<vmem>>, vector<16xf32>,
        %abs3A_856 = math.absf %get3A_855 : vector<16xf32>
        %sub3A_857 = arith.subf %get3A_830, %get3A_837 : vector<16xf32>
        %add3A_858 = arith.constant 32 : i32
        %add3A_859 = arith.addi %add3A_858, %scan3A_805 : i32
        %mul3A_860 = arith.constant 16 : i32
        %mul3A_861 = arith.muli %add3A_824, %mul3A_860 : i32
        %get3A_862 = arith.index_cast %add3A_859 : i32 to index
        %get3A_863 = arith.index_cast %mul3A_861 : i32 to index
        %get3A_864 = tpu.vector_load %arg10[%get3A_862, %get3A_863] {strides = array<i32>} : memref<48x128xf32, #tpu.memory_space<vmem>>, vector<16xf32>,
        %sub3A_865 = arith.subf %sub3A_857, %get3A_864 : vector<16xf32>
        %abs3A_866 = math.absf %sub3A_865 : vector<16xf32>
        %sub3A_867 = arith.subf %abs3A_866, %abs3A : vector<16xf32>
        %sub3A_868 = arith.subf %sub3A_867, %abs3A_856 : vector<16xf32>
        %max3A_869 = arith.constant 0.000000e+00 : f32
        %max3A_870 = vector.broadcast %max3A_869 : f32 to vector<16xf32>
        %max3A_871 = arith.maximumf %sub3A_868, %max3A_870 : vector<16xf32>
        %mul3A_872 = arith.mulf %max3A_871, %max3A_871 : vector<16xf32>
        %add3A_873 = arith.addf %scan3A_819, %mul3A_872 : vector<16xf32>
        %mul3A_874 = arith.constant 2 : i32
        %mul3A_875 = arith.muli %mul3A_874, %scan3A_818 : i32
        %add3A_876 = arith.constant 1 : i32
        %add3A_877 = arith.addi %mul3A_875, %add3A_876 : i32
        %add3A_878 = arith.constant 128 : i32
        %add3A_879 = arith.addi %add3A_878, %scan3A_805 : i32
        %mul3A_880 = arith.constant 16 : i32
        %mul3A_881 = arith.muli %add3A_877, %mul3A_880 : i32
        %get3A_882 = arith.index_cast %add3A_879 : i32 to index
        %get3A_883 = arith.index_cast %mul3A_881 : i32 to index
        %get3A_884 = tpu.vector_load %arg9[%get3A_882, %get3A_883] {strides = array<i32>} : memref<208x256xf32, #tpu.memory_space<vmem>>, vector<16xf32>,
        %add3A_885 = arith.constant 144 : i32
        %add3A_886 = arith.addi %add3A_885, %scan3A_805 : i32
        %mul3A_887 = arith.constant 16 : i32
        %mul3A_888 = arith.muli %add3A_877, %mul3A_887 : i32
        %get3A_889 = arith.index_cast %add3A_886 : i32 to index
        %get3A_890 = arith.index_cast %mul3A_888 : i32 to index
        %get3A_891 = tpu.vector_load %arg9[%get3A_889, %get3A_890] {strides = array<i32>} : memref<208x256xf32, #tpu.memory_space<vmem>>, vector<16xf32>,
        %add3A_892 = arith.constant 128 : i32
        %add3A_893 = arith.addi %add3A_892, %scan3A_805 : i32
        %mul3A_894 = arith.constant 16 : i32
        %mul3A_895 = arith.muli %add3A_877, %mul3A_894 : i32
        %add3A_896 = arith.constant 128 : i32
        %add3A_897 = arith.addi %add3A_896, %mul3A_895 : i32
        %get3A_898 = arith.index_cast %add3A_893 : i32 to index
        %get3A_899 = arith.index_cast %add3A_897 : i32 to index
        %get3A_900 = tpu.vector_load %arg9[%get3A_898, %get3A_899] {strides = array<i32>} : memref<208x256xf32, #tpu.memory_space<vmem>>, vector<16xf32>,
        %abs3A_901 = math.absf %get3A_900 : vector<16xf32>
        %add3A_902 = arith.constant 144 : i32
        %add3A_903 = arith.addi %add3A_902, %scan3A_805 : i32
        %mul3A_904 = arith.constant 16 : i32
        %mul3A_905 = arith.muli %add3A_877, %mul3A_904 : i32
        %add3A_906 = arith.constant 128 : i32
        %add3A_907 = arith.addi %add3A_906, %mul3A_905 : i32
        %get3A_908 = arith.index_cast %add3A_903 : i32 to index
        %get3A_909 = arith.index_cast %add3A_907 : i32 to index
        %get3A_910 = tpu.vector_load %arg9[%get3A_908, %get3A_909] {strides = array<i32>} : memref<208x256xf32, #tpu.memory_space<vmem>>, vector<16xf32>,
        %abs3A_911 = math.absf %get3A_910 : vector<16xf32>
        %sub3A_912 = arith.subf %get3A_884, %get3A_891 : vector<16xf32>
        %add3A_913 = arith.constant 32 : i32
        %add3A_914 = arith.addi %add3A_913, %scan3A_805 : i32
        %mul3A_915 = arith.constant 16 : i32
        %mul3A_916 = arith.muli %add3A_877, %mul3A_915 : i32
        %get3A_917 = arith.index_cast %add3A_914 : i32 to index
        %get3A_918 = arith.index_cast %mul3A_916 : i32 to index
        %get3A_919 = tpu.vector_load %arg10[%get3A_917, %get3A_918] {strides = array<i32>} : memref<48x128xf32, #tpu.memory_space<vmem>>, vector<16xf32>,
        %sub3A_920 = arith.subf %sub3A_912, %get3A_919 : vector<16xf32>
        %abs3A_921 = math.absf %sub3A_920 : vector<16xf32>
        %sub3A_922 = arith.subf %abs3A_921, %abs3A_901 : vector<16xf32>
        %sub3A_923 = arith.subf %sub3A_922, %abs3A_911 : vector<16xf32>
        %max3A_924 = arith.constant 0.000000e+00 : f32
        %max3A_925 = vector.broadcast %max3A_924 : f32 to vector<16xf32>
        %max3A_926 = arith.maximumf %sub3A_923, %max3A_925 : vector<16xf32>
        %mul3A_927 = arith.mulf %max3A_926, %max3A_926 : vector<16xf32>
        %add3A_928 = arith.addf %scan3A_820, %mul3A_927 : vector<16xf32>
        scf.yield %add3A_873, %add3A_928 : vector<16xf32>, vector<16xf32>
      }
      %scan3A_812 = arith.constant 4 : i32
      %add3A_813 = arith.addf %scan3A_811#0, %scan3A_811#1 : vector<16xf32>
      %swap3A_814 = arith.index_cast %scan3A_805 : i32 to index
      %swap3A_815 = arith.constant 64 : index
      %swap3A_816 = tpu.vector_load %arg11[%swap3A_814, %swap3A_815] {strides = array<i32>} : memref<16x256xf32, #tpu.memory_space<vmem>>, vector<16xf32>,
      tpu.vector_store %arg11[%swap3A_814, %swap3A_815], %add3A_813 {strides = array<i32>} : memref<16x256xf32, #tpu.memory_space<vmem>>, vector<16xf32>,
      %scan3A_817 = arith.constant 0 : i32
      scf.yield %scan3A_817 : i32
    }
    %scan3A_254 = arith.constant 16 : i32
    %dma_wait3A_255 = arith.constant 6 : i32
    %dma_wait3A_256 = arith.constant 160 : i32
    %dma_wait3A_257 = arith.constant 0 : i32
    %dma_wait3A_258 = tpu.memref_slice %arg9[%dma_wait3A_256, %dma_wait3A_257] : memref<208x256xf32, #tpu.memory_space<vmem>> -> memref<48x256xf32, #tpu.memory_space<vmem>>
    %dma_wait3A_259 = arith.constant 160 : i32
    %dma_wait3A_260 = tpu.memref_slice %arg7[%dma_wait3A_259] : memref<208xi32, #tpu.memory_space<vmem>> -> memref<48xi32, #tpu.memory_space<vmem>>
    %dma_wait3A_261 = arith.constant 0 : i32
    %dma_wait3A_262 = arith.constant 0 : i32
    %dma_wait3A_263 = tpu.memref_slice %arg2[%dma_wait3A_261, %dma_wait3A_262] : memref<1024x256xf32, #tpu.memory_space<hbm>> -> memref<1024x256xf32, #tpu.memory_space<hbm>>
    %dma_wait3A_264 = tpu.memref_slice %arg17[%dma_wait3A_255] : memref<7x!tpu.dma_semaphore, #tpu.memory_space<semaphore_mem>> -> memref<1x!tpu.dma_semaphore, #tpu.memory_space<semaphore_mem>>
    %dma_wait3A_265 = tpu.memref_squeeze %dma_wait3A_264 : memref<1x!tpu.dma_semaphore, #tpu.memory_space<semaphore_mem>> -> memref<!tpu.dma_semaphore, #tpu.memory_space<semaphore_mem>>
    tpu.wait_indirect_dma semaphore(%dma_wait3A_265 : memref<!tpu.dma_semaphore, #tpu.memory_space<semaphore_mem>>) src(%dma_wait3A_263 : memref<1024x256xf32, #tpu.memory_space<hbm>>) dst(%dma_wait3A_258 : memref<48x256xf32, #tpu.memory_space<vmem>>)
    %scan3A_266 = arith.constant 0 : i32
    %scan3A_267 = arith.constant 0 : i32
    %scan3A_268 = arith.constant 16 : i32
    %scan3A_269 = arith.addi %scan3A_267, %scan3A_268 : i32
    %scan3A_270 = arith.constant 1 : i32
    %scan3A_271 = scf.for %scan3A_805 = %scan3A_267 to %scan3A_269 step %scan3A_270 iter_args(%scan3A_806 = %scan3A_266) -> (i32)  : i32 {
      %scan3A_807 = arith.constant 0 : i32
      %scan3A_808 = arith.constant 8 : i32
      %scan3A_809 = arith.addi %scan3A_807, %scan3A_808 : i32
      %scan3A_810 = arith.constant 1 : i32
      %scan3A_811:2 = scf.for %scan3A_834 = %scan3A_807 to %scan3A_809 step %scan3A_810 iter_args(%scan3A_835 = %broadcast_in_dim3A_3, %scan3A_836 = %broadcast_in_dim3A_3) -> (vector<16xf32>, vector<16xf32>)  : i32 {
        %add3A_837 = arith.constant 160 : i32
        %add3A_838 = arith.addi %add3A_837, %scan3A_805 : i32
        %mul3A_839 = arith.constant 16 : i32
        %mul3A_840 = arith.muli %scan3A_834, %mul3A_839 : i32
        %get3A = arith.index_cast %add3A_838 : i32 to index
        %get3A_841 = arith.index_cast %mul3A_840 : i32 to index
        %get3A_842 = tpu.vector_load %arg9[%get3A, %get3A_841] {strides = array<i32>} : memref<208x256xf32, #tpu.memory_space<vmem>>, vector<16xf32>,
        %add3A_843 = arith.constant 176 : i32
        %add3A_844 = arith.addi %add3A_843, %scan3A_805 : i32
        %mul3A_845 = arith.constant 16 : i32
        %mul3A_846 = arith.muli %scan3A_834, %mul3A_845 : i32
        %get3A_847 = arith.index_cast %add3A_844 : i32 to index
        %get3A_848 = arith.index_cast %mul3A_846 : i32 to index
        %get3A_849 = tpu.vector_load %arg9[%get3A_847, %get3A_848] {strides = array<i32>} : memref<208x256xf32, #tpu.memory_space<vmem>>, vector<16xf32>,
        %add3A_850 = arith.constant 192 : i32
        %add3A_851 = arith.addi %add3A_850, %scan3A_805 : i32
        %mul3A_852 = arith.constant 16 : i32
        %mul3A_853 = arith.muli %scan3A_834, %mul3A_852 : i32
        %get3A_854 = arith.index_cast %add3A_851 : i32 to index
        %get3A_855 = arith.index_cast %mul3A_853 : i32 to index
        %get3A_856 = tpu.vector_load %arg9[%get3A_854, %get3A_855] {strides = array<i32>} : memref<208x256xf32, #tpu.memory_space<vmem>>, vector<16xf32>,
        %add3A_857 = arith.constant 160 : i32
        %add3A_858 = arith.addi %add3A_857, %scan3A_805 : i32
        %mul3A_859 = arith.constant 16 : i32
        %mul3A_860 = arith.muli %scan3A_834, %mul3A_859 : i32
        %add3A_861 = arith.constant 128 : i32
        %add3A_862 = arith.addi %add3A_861, %mul3A_860 : i32
        %get3A_863 = arith.index_cast %add3A_858 : i32 to index
        %get3A_864 = arith.index_cast %add3A_862 : i32 to index
        %get3A_865 = tpu.vector_load %arg9[%get3A_863, %get3A_864] {strides = array<i32>} : memref<208x256xf32, #tpu.memory_space<vmem>>, vector<16xf32>,
        %abs3A = math.absf %get3A_865 : vector<16xf32>
        %add3A_866 = arith.constant 176 : i32
        %add3A_867 = arith.addi %add3A_866, %scan3A_805 : i32
        %mul3A_868 = arith.constant 16 : i32
        %mul3A_869 = arith.muli %scan3A_834, %mul3A_868 : i32
        %add3A_870 = arith.constant 128 : i32
        %add3A_871 = arith.addi %add3A_870, %mul3A_869 : i32
        %get3A_872 = arith.index_cast %add3A_867 : i32 to index
        %get3A_873 = arith.index_cast %add3A_871 : i32 to index
        %get3A_874 = tpu.vector_load %arg9[%get3A_872, %get3A_873] {strides = array<i32>} : memref<208x256xf32, #tpu.memory_space<vmem>>, vector<16xf32>,
        %abs3A_875 = math.absf %get3A_874 : vector<16xf32>
        %add3A_876 = arith.constant 192 : i32
        %add3A_877 = arith.addi %add3A_876, %scan3A_805 : i32
        %mul3A_878 = arith.constant 16 : i32
        %mul3A_879 = arith.muli %scan3A_834, %mul3A_878 : i32
        %add3A_880 = arith.constant 128 : i32
        %add3A_881 = arith.addi %add3A_880, %mul3A_879 : i32
        %get3A_882 = arith.index_cast %add3A_877 : i32 to index
        %get3A_883 = arith.index_cast %add3A_881 : i32 to index
        %get3A_884 = tpu.vector_load %arg9[%get3A_882, %get3A_883] {strides = array<i32>} : memref<208x256xf32, #tpu.memory_space<vmem>>, vector<16xf32>,
        %abs3A_885 = math.absf %get3A_884 : vector<16xf32>
        %sub3A_886 = arith.subf %get3A_842, %abs3A : vector<16xf32>
        %sub3A_887 = arith.subf %get3A_849, %abs3A_875 : vector<16xf32>
        %max3A_888 = arith.maximumf %sub3A_886, %sub3A_887 : vector<16xf32>
        %add3A_889 = arith.addf %get3A_842, %abs3A : vector<16xf32>
        %add3A_890 = arith.addf %get3A_849, %abs3A_875 : vector<16xf32>
        %min3A = arith.minimumf %add3A_889, %add3A_890 : vector<16xf32>
        %sub3A_891 = arith.subf %max3A_888, %min3A : vector<16xf32>
        %abs3A_892 = math.absf %sub3A_891 : vector<16xf32>
        %mul3A_893 = arith.constant 5.000000e-01 : f32
        %mul3A_894 = vector.broadcast %mul3A_893 : f32 to vector<16xf32>
        %mul3A_895 = arith.mulf %abs3A_892, %mul3A_894 : vector<16xf32>
        %add3A_896 = arith.addf %max3A_888, %min3A : vector<16xf32>
        %mul3A_897 = arith.constant 5.000000e-01 : f32
        %mul3A_898 = vector.broadcast %mul3A_897 : f32 to vector<16xf32>
        %mul3A_899 = arith.mulf %add3A_896, %mul3A_898 : vector<16xf32>
        %sub3A_900 = arith.subf %mul3A_899, %get3A_856 : vector<16xf32>
        %abs3A_901 = math.absf %sub3A_900 : vector<16xf32>
        %add3A_902 = arith.addf %abs3A_901, %mul3A_895 : vector<16xf32>
        %sub3A_903 = arith.subf %add3A_902, %abs3A_885 : vector<16xf32>
        %max3A_904 = arith.constant 0.000000e+00 : f32
        %max3A_905 = vector.broadcast %max3A_904 : f32 to vector<16xf32>
        %max3A_906 = arith.maximumf %sub3A_903, %max3A_905 : vector<16xf32>
        %max3A_907 = arith.constant 0.000000e+00 : f32
        %max3A_908 = vector.broadcast %max3A_907 : f32 to vector<16xf32>
        %max3A_909 = arith.maximumf %sub3A_891, %max3A_908 : vector<16xf32>
        %mul3A_910 = arith.mulf %max3A_906, %max3A_906 : vector<16xf32>
        %add3A_911 = arith.addf %scan3A_835, %mul3A_910 : vector<16xf32>
        %mul3A_912 = arith.mulf %max3A_909, %max3A_909 : vector<16xf32>
        %add3A_913 = arith.addf %scan3A_836, %mul3A_912 : vector<16xf32>
        scf.yield %add3A_911, %add3A_913 : vector<16xf32>, vector<16xf32>
      }
      %scan3A_812 = arith.constant 8 : i32
      %mul3A_813 = arith.constant 16 : i32
      %mul3A_814 = arith.muli %scan3A_805, %mul3A_813 : i32
      %swap3A_815 = arith.index_cast %mul3A_814 : i32 to index
      %swap3A_816 = tpu.vector_load %arg13[%swap3A_815] {strides = array<i32>} : memref<256xf32, #tpu.memory_space<vmem>>, vector<16xf32>,
      tpu.vector_store %arg13[%swap3A_815], %scan3A_811#0 {strides = array<i32>} : memref<256xf32, #tpu.memory_space<vmem>>, vector<16xf32>,
      %mul3A_817 = arith.constant 16 : i32
      %mul3A_818 = arith.muli %scan3A_805, %mul3A_817 : i32
      %swap3A_819 = arith.index_cast %mul3A_818 : i32 to index
      %swap3A_820 = tpu.vector_load %arg14[%swap3A_819] {strides = array<i32>} : memref<256xf32, #tpu.memory_space<vmem>>, vector<16xf32>,
      tpu.vector_store %arg14[%swap3A_819], %scan3A_811#1 {strides = array<i32>} : memref<256xf32, #tpu.memory_space<vmem>>, vector<16xf32>,
      %swap3A_821 = arith.index_cast %scan3A_805 : i32 to index
      %swap3A_822 = arith.constant 48 : index
      %swap3A_823 = tpu.vector_load %arg11[%swap3A_821, %swap3A_822] {strides = array<i32>} : memref<16x256xf32, #tpu.memory_space<vmem>>, vector<16xf32>,
      tpu.vector_store %arg11[%swap3A_821, %swap3A_822], %broadcast_in_dim3A_3 {strides = array<i32>} : memref<16x256xf32, #tpu.memory_space<vmem>>, vector<16xf32>,
      %swap3A_824 = arith.index_cast %scan3A_805 : i32 to index
      %swap3A_825 = arith.constant 80 : index
      %swap3A_826 = tpu.vector_load %arg11[%swap3A_824, %swap3A_825] {strides = array<i32>} : memref<16x256xf32, #tpu.memory_space<vmem>>, vector<16xf32>,
      tpu.vector_store %arg11[%swap3A_824, %swap3A_825], %broadcast_in_dim3A_3 {strides = array<i32>} : memref<16x256xf32, #tpu.memory_space<vmem>>, vector<16xf32>,
      %swap3A_827 = arith.index_cast %scan3A_805 : i32 to index
      %swap3A_828 = arith.constant 96 : index
      %swap3A_829 = tpu.vector_load %arg11[%swap3A_827, %swap3A_828] {strides = array<i32>} : memref<16x256xf32, #tpu.memory_space<vmem>>, vector<16xf32>,
      tpu.vector_store %arg11[%swap3A_827, %swap3A_828], %broadcast_in_dim3A_3 {strides = array<i32>} : memref<16x256xf32, #tpu.memory_space<vmem>>, vector<16xf32>,
      %swap3A_830 = arith.index_cast %scan3A_805 : i32 to index
      %swap3A_831 = arith.constant 112 : index
      %swap3A_832 = tpu.vector_load %arg11[%swap3A_830, %swap3A_831] {strides = array<i32>} : memref<16x256xf32, #tpu.memory_space<vmem>>, vector<16xf32>,
      tpu.vector_store %arg11[%swap3A_830, %swap3A_831], %broadcast_in_dim3A_3 {strides = array<i32>} : memref<16x256xf32, #tpu.memory_space<vmem>>, vector<16xf32>,
      %scan3A_833 = arith.constant 0 : i32
      scf.yield %scan3A_833 : i32
    }
    %scan3A_272 = arith.constant 16 : i32
    %mul3A_273 = arith.constant 16 : i32
    %mul3A_274 = vector.broadcast %mul3A_273 : i32 to vector<16xi32>
    %mul3A_275 = arith.muli %iota3A, %mul3A_274 : vector<16xi32>
    %add3A_276 = arith.constant 0 : i32
    %add3A_277 = vector.broadcast %add3A_276 : i32 to vector<16xi32>
    %add3A_278 = arith.addi %mul3A_275, %add3A_277 : vector<16xi32>
    %gather3A_279 = tpu.vector_load_idx %arg13[%add3A_278] : memref<256xf32, #tpu.memory_space<vmem>>[vector<16xi32>], vector<16xf32>,
    %add3A_280 = arith.addf %broadcast_in_dim3A_3, %gather3A_279 : vector<16xf32>
    %mul3A_281 = arith.constant 16 : i32
    %mul3A_282 = vector.broadcast %mul3A_281 : i32 to vector<16xi32>
    %mul3A_283 = arith.muli %iota3A, %mul3A_282 : vector<16xi32>
    %add3A_284 = arith.constant 1 : i32
    %add3A_285 = vector.broadcast %add3A_284 : i32 to vector<16xi32>
    %add3A_286 = arith.addi %mul3A_283, %add3A_285 : vector<16xi32>
    %gather3A_287 = tpu.vector_load_idx %arg13[%add3A_286] : memref<256xf32, #tpu.memory_space<vmem>>[vector<16xi32>], vector<16xf32>,
    %add3A_288 = arith.addf %add3A_280, %gather3A_287 : vector<16xf32>
    %mul3A_289 = arith.constant 16 : i32
    %mul3A_290 = vector.broadcast %mul3A_289 : i32 to vector<16xi32>
    %mul3A_291 = arith.muli %iota3A, %mul3A_290 : vector<16xi32>
    %add3A_292 = arith.constant 2 : i32
    %add3A_293 = vector.broadcast %add3A_292 : i32 to vector<16xi32>
    %add3A_294 = arith.addi %mul3A_291, %add3A_293 : vector<16xi32>
    %gather3A_295 = tpu.vector_load_idx %arg13[%add3A_294] : memref<256xf32, #tpu.memory_space<vmem>>[vector<16xi32>], vector<16xf32>,
    %add3A_296 = arith.addf %add3A_288, %gather3A_295 : vector<16xf32>
    %mul3A_297 = arith.constant 16 : i32
    %mul3A_298 = vector.broadcast %mul3A_297 : i32 to vector<16xi32>
    %mul3A_299 = arith.muli %iota3A, %mul3A_298 : vector<16xi32>
    %add3A_300 = arith.constant 3 : i32
    %add3A_301 = vector.broadcast %add3A_300 : i32 to vector<16xi32>
    %add3A_302 = arith.addi %mul3A_299, %add3A_301 : vector<16xi32>
    %gather3A_303 = tpu.vector_load_idx %arg13[%add3A_302] : memref<256xf32, #tpu.memory_space<vmem>>[vector<16xi32>], vector<16xf32>,
    %add3A_304 = arith.addf %add3A_296, %gather3A_303 : vector<16xf32>
    %mul3A_305 = arith.constant 16 : i32
    %mul3A_306 = vector.broadcast %mul3A_305 : i32 to vector<16xi32>
    %mul3A_307 = arith.muli %iota3A, %mul3A_306 : vector<16xi32>
    %add3A_308 = arith.constant 4 : i32
    %add3A_309 = vector.broadcast %add3A_308 : i32 to vector<16xi32>
    %add3A_310 = arith.addi %mul3A_307, %add3A_309 : vector<16xi32>
    %gather3A_311 = tpu.vector_load_idx %arg13[%add3A_310] : memref<256xf32, #tpu.memory_space<vmem>>[vector<16xi32>], vector<16xf32>,
    %add3A_312 = arith.addf %add3A_304, %gather3A_311 : vector<16xf32>
    %mul3A_313 = arith.constant 16 : i32
    %mul3A_314 = vector.broadcast %mul3A_313 : i32 to vector<16xi32>
    %mul3A_315 = arith.muli %iota3A, %mul3A_314 : vector<16xi32>
    %add3A_316 = arith.constant 5 : i32
    %add3A_317 = vector.broadcast %add3A_316 : i32 to vector<16xi32>
    %add3A_318 = arith.addi %mul3A_315, %add3A_317 : vector<16xi32>
    %gather3A_319 = tpu.vector_load_idx %arg13[%add3A_318] : memref<256xf32, #tpu.memory_space<vmem>>[vector<16xi32>], vector<16xf32>,
    %add3A_320 = arith.addf %add3A_312, %gather3A_319 : vector<16xf32>
    %mul3A_321 = arith.constant 16 : i32
    %mul3A_322 = vector.broadcast %mul3A_321 : i32 to vector<16xi32>
    %mul3A_323 = arith.muli %iota3A, %mul3A_322 : vector<16xi32>
    %add3A_324 = arith.constant 6 : i32
    %add3A_325 = vector.broadcast %add3A_324 : i32 to vector<16xi32>
    %add3A_326 = arith.addi %mul3A_323, %add3A_325 : vector<16xi32>
    %gather3A_327 = tpu.vector_load_idx %arg13[%add3A_326] : memref<256xf32, #tpu.memory_space<vmem>>[vector<16xi32>], vector<16xf32>,
    %add3A_328 = arith.addf %add3A_320, %gather3A_327 : vector<16xf32>
    %mul3A_329 = arith.constant 16 : i32
    %mul3A_330 = vector.broadcast %mul3A_329 : i32 to vector<16xi32>
    %mul3A_331 = arith.muli %iota3A, %mul3A_330 : vector<16xi32>
    %add3A_332 = arith.constant 7 : i32
    %add3A_333 = vector.broadcast %add3A_332 : i32 to vector<16xi32>
    %add3A_334 = arith.addi %mul3A_331, %add3A_333 : vector<16xi32>
    %gather3A_335 = tpu.vector_load_idx %arg13[%add3A_334] : memref<256xf32, #tpu.memory_space<vmem>>[vector<16xi32>], vector<16xf32>,
    %add3A_336 = arith.addf %add3A_328, %gather3A_335 : vector<16xf32>
    %mul3A_337 = arith.constant 16 : i32
    %mul3A_338 = vector.broadcast %mul3A_337 : i32 to vector<16xi32>
    %mul3A_339 = arith.muli %iota3A, %mul3A_338 : vector<16xi32>
    %add3A_340 = arith.constant 8 : i32
    %add3A_341 = vector.broadcast %add3A_340 : i32 to vector<16xi32>
    %add3A_342 = arith.addi %mul3A_339, %add3A_341 : vector<16xi32>
    %gather3A_343 = tpu.vector_load_idx %arg13[%add3A_342] : memref<256xf32, #tpu.memory_space<vmem>>[vector<16xi32>], vector<16xf32>,
    %add3A_344 = arith.addf %add3A_336, %gather3A_343 : vector<16xf32>
    %mul3A_345 = arith.constant 16 : i32
    %mul3A_346 = vector.broadcast %mul3A_345 : i32 to vector<16xi32>
    %mul3A_347 = arith.muli %iota3A, %mul3A_346 : vector<16xi32>
    %add3A_348 = arith.constant 9 : i32
    %add3A_349 = vector.broadcast %add3A_348 : i32 to vector<16xi32>
    %add3A_350 = arith.addi %mul3A_347, %add3A_349 : vector<16xi32>
    %gather3A_351 = tpu.vector_load_idx %arg13[%add3A_350] : memref<256xf32, #tpu.memory_space<vmem>>[vector<16xi32>], vector<16xf32>,
    %add3A_352 = arith.addf %add3A_344, %gather3A_351 : vector<16xf32>
    %mul3A_353 = arith.constant 16 : i32
    %mul3A_354 = vector.broadcast %mul3A_353 : i32 to vector<16xi32>
    %mul3A_355 = arith.muli %iota3A, %mul3A_354 : vector<16xi32>
    %add3A_356 = arith.constant 10 : i32
    %add3A_357 = vector.broadcast %add3A_356 : i32 to vector<16xi32>
    %add3A_358 = arith.addi %mul3A_355, %add3A_357 : vector<16xi32>
    %gather3A_359 = tpu.vector_load_idx %arg13[%add3A_358] : memref<256xf32, #tpu.memory_space<vmem>>[vector<16xi32>], vector<16xf32>,
    %add3A_360 = arith.addf %add3A_352, %gather3A_359 : vector<16xf32>
    %mul3A_361 = arith.constant 16 : i32
    %mul3A_362 = vector.broadcast %mul3A_361 : i32 to vector<16xi32>
    %mul3A_363 = arith.muli %iota3A, %mul3A_362 : vector<16xi32>
    %add3A_364 = arith.constant 11 : i32
    %add3A_365 = vector.broadcast %add3A_364 : i32 to vector<16xi32>
    %add3A_366 = arith.addi %mul3A_363, %add3A_365 : vector<16xi32>
    %gather3A_367 = tpu.vector_load_idx %arg13[%add3A_366] : memref<256xf32, #tpu.memory_space<vmem>>[vector<16xi32>], vector<16xf32>,
    %add3A_368 = arith.addf %add3A_360, %gather3A_367 : vector<16xf32>
    %mul3A_369 = arith.constant 16 : i32
    %mul3A_370 = vector.broadcast %mul3A_369 : i32 to vector<16xi32>
    %mul3A_371 = arith.muli %iota3A, %mul3A_370 : vector<16xi32>
    %add3A_372 = arith.constant 12 : i32
    %add3A_373 = vector.broadcast %add3A_372 : i32 to vector<16xi32>
    %add3A_374 = arith.addi %mul3A_371, %add3A_373 : vector<16xi32>
    %gather3A_375 = tpu.vector_load_idx %arg13[%add3A_374] : memref<256xf32, #tpu.memory_space<vmem>>[vector<16xi32>], vector<16xf32>,
    %add3A_376 = arith.addf %add3A_368, %gather3A_375 : vector<16xf32>
    %mul3A_377 = arith.constant 16 : i32
    %mul3A_378 = vector.broadcast %mul3A_377 : i32 to vector<16xi32>
    %mul3A_379 = arith.muli %iota3A, %mul3A_378 : vector<16xi32>
    %add3A_380 = arith.constant 13 : i32
    %add3A_381 = vector.broadcast %add3A_380 : i32 to vector<16xi32>
    %add3A_382 = arith.addi %mul3A_379, %add3A_381 : vector<16xi32>
    %gather3A_383 = tpu.vector_load_idx %arg13[%add3A_382] : memref<256xf32, #tpu.memory_space<vmem>>[vector<16xi32>], vector<16xf32>,
    %add3A_384 = arith.addf %add3A_376, %gather3A_383 : vector<16xf32>
    %mul3A_385 = arith.constant 16 : i32
    %mul3A_386 = vector.broadcast %mul3A_385 : i32 to vector<16xi32>
    %mul3A_387 = arith.muli %iota3A, %mul3A_386 : vector<16xi32>
    %add3A_388 = arith.constant 14 : i32
    %add3A_389 = vector.broadcast %add3A_388 : i32 to vector<16xi32>
    %add3A_390 = arith.addi %mul3A_387, %add3A_389 : vector<16xi32>
    %gather3A_391 = tpu.vector_load_idx %arg13[%add3A_390] : memref<256xf32, #tpu.memory_space<vmem>>[vector<16xi32>], vector<16xf32>,
    %add3A_392 = arith.addf %add3A_384, %gather3A_391 : vector<16xf32>
    %mul3A_393 = arith.constant 16 : i32
    %mul3A_394 = vector.broadcast %mul3A_393 : i32 to vector<16xi32>
    %mul3A_395 = arith.muli %iota3A, %mul3A_394 : vector<16xi32>
    %add3A_396 = arith.constant 15 : i32
    %add3A_397 = vector.broadcast %add3A_396 : i32 to vector<16xi32>
    %add3A_398 = arith.addi %mul3A_395, %add3A_397 : vector<16xi32>
    %gather3A_399 = tpu.vector_load_idx %arg13[%add3A_398] : memref<256xf32, #tpu.memory_space<vmem>>[vector<16xi32>], vector<16xf32>,
    %add3A_400 = arith.addf %add3A_392, %gather3A_399 : vector<16xf32>
    %mul3A_401 = arith.constant 16 : i32
    %mul3A_402 = vector.broadcast %mul3A_401 : i32 to vector<16xi32>
    %mul3A_403 = arith.muli %iota3A, %mul3A_402 : vector<16xi32>
    %add3A_404 = arith.constant 0 : i32
    %add3A_405 = vector.broadcast %add3A_404 : i32 to vector<16xi32>
    %add3A_406 = arith.addi %mul3A_403, %add3A_405 : vector<16xi32>
    %gather3A_407 = tpu.vector_load_idx %arg14[%add3A_406] : memref<256xf32, #tpu.memory_space<vmem>>[vector<16xi32>], vector<16xf32>,
    %add3A_408 = arith.addf %broadcast_in_dim3A_3, %gather3A_407 : vector<16xf32>
    %mul3A_409 = arith.constant 16 : i32
    %mul3A_410 = vector.broadcast %mul3A_409 : i32 to vector<16xi32>
    %mul3A_411 = arith.muli %iota3A, %mul3A_410 : vector<16xi32>
    %add3A_412 = arith.constant 1 : i32
    %add3A_413 = vector.broadcast %add3A_412 : i32 to vector<16xi32>
    %add3A_414 = arith.addi %mul3A_411, %add3A_413 : vector<16xi32>
    %gather3A_415 = tpu.vector_load_idx %arg14[%add3A_414] : memref<256xf32, #tpu.memory_space<vmem>>[vector<16xi32>], vector<16xf32>,
    %add3A_416 = arith.addf %add3A_408, %gather3A_415 : vector<16xf32>
    %mul3A_417 = arith.constant 16 : i32
    %mul3A_418 = vector.broadcast %mul3A_417 : i32 to vector<16xi32>
    %mul3A_419 = arith.muli %iota3A, %mul3A_418 : vector<16xi32>
    %add3A_420 = arith.constant 2 : i32
    %add3A_421 = vector.broadcast %add3A_420 : i32 to vector<16xi32>
    %add3A_422 = arith.addi %mul3A_419, %add3A_421 : vector<16xi32>
    %gather3A_423 = tpu.vector_load_idx %arg14[%add3A_422] : memref<256xf32, #tpu.memory_space<vmem>>[vector<16xi32>], vector<16xf32>,
    %add3A_424 = arith.addf %add3A_416, %gather3A_423 : vector<16xf32>
    %mul3A_425 = arith.constant 16 : i32
    %mul3A_426 = vector.broadcast %mul3A_425 : i32 to vector<16xi32>
    %mul3A_427 = arith.muli %iota3A, %mul3A_426 : vector<16xi32>
    %add3A_428 = arith.constant 3 : i32
    %add3A_429 = vector.broadcast %add3A_428 : i32 to vector<16xi32>
    %add3A_430 = arith.addi %mul3A_427, %add3A_429 : vector<16xi32>
    %gather3A_431 = tpu.vector_load_idx %arg14[%add3A_430] : memref<256xf32, #tpu.memory_space<vmem>>[vector<16xi32>], vector<16xf32>,
    %add3A_432 = arith.addf %add3A_424, %gather3A_431 : vector<16xf32>
    %mul3A_433 = arith.constant 16 : i32
    %mul3A_434 = vector.broadcast %mul3A_433 : i32 to vector<16xi32>
    %mul3A_435 = arith.muli %iota3A, %mul3A_434 : vector<16xi32>
    %add3A_436 = arith.constant 4 : i32
    %add3A_437 = vector.broadcast %add3A_436 : i32 to vector<16xi32>
    %add3A_438 = arith.addi %mul3A_435, %add3A_437 : vector<16xi32>
    %gather3A_439 = tpu.vector_load_idx %arg14[%add3A_438] : memref<256xf32, #tpu.memory_space<vmem>>[vector<16xi32>], vector<16xf32>,
    %add3A_440 = arith.addf %add3A_432, %gather3A_439 : vector<16xf32>
    %mul3A_441 = arith.constant 16 : i32
    %mul3A_442 = vector.broadcast %mul3A_441 : i32 to vector<16xi32>
    %mul3A_443 = arith.muli %iota3A, %mul3A_442 : vector<16xi32>
    %add3A_444 = arith.constant 5 : i32
    %add3A_445 = vector.broadcast %add3A_444 : i32 to vector<16xi32>
    %add3A_446 = arith.addi %mul3A_443, %add3A_445 : vector<16xi32>
    %gather3A_447 = tpu.vector_load_idx %arg14[%add3A_446] : memref<256xf32, #tpu.memory_space<vmem>>[vector<16xi32>], vector<16xf32>,
    %add3A_448 = arith.addf %add3A_440, %gather3A_447 : vector<16xf32>
    %mul3A_449 = arith.constant 16 : i32
    %mul3A_450 = vector.broadcast %mul3A_449 : i32 to vector<16xi32>
    %mul3A_451 = arith.muli %iota3A, %mul3A_450 : vector<16xi32>
    %add3A_452 = arith.constant 6 : i32
    %add3A_453 = vector.broadcast %add3A_452 : i32 to vector<16xi32>
    %add3A_454 = arith.addi %mul3A_451, %add3A_453 : vector<16xi32>
    %gather3A_455 = tpu.vector_load_idx %arg14[%add3A_454] : memref<256xf32, #tpu.memory_space<vmem>>[vector<16xi32>], vector<16xf32>,
    %add3A_456 = arith.addf %add3A_448, %gather3A_455 : vector<16xf32>
    %mul3A_457 = arith.constant 16 : i32
    %mul3A_458 = vector.broadcast %mul3A_457 : i32 to vector<16xi32>
    %mul3A_459 = arith.muli %iota3A, %mul3A_458 : vector<16xi32>
    %add3A_460 = arith.constant 7 : i32
    %add3A_461 = vector.broadcast %add3A_460 : i32 to vector<16xi32>
    %add3A_462 = arith.addi %mul3A_459, %add3A_461 : vector<16xi32>
    %gather3A_463 = tpu.vector_load_idx %arg14[%add3A_462] : memref<256xf32, #tpu.memory_space<vmem>>[vector<16xi32>], vector<16xf32>,
    %add3A_464 = arith.addf %add3A_456, %gather3A_463 : vector<16xf32>
    %mul3A_465 = arith.constant 16 : i32
    %mul3A_466 = vector.broadcast %mul3A_465 : i32 to vector<16xi32>
    %mul3A_467 = arith.muli %iota3A, %mul3A_466 : vector<16xi32>
    %add3A_468 = arith.constant 8 : i32
    %add3A_469 = vector.broadcast %add3A_468 : i32 to vector<16xi32>
    %add3A_470 = arith.addi %mul3A_467, %add3A_469 : vector<16xi32>
    %gather3A_471 = tpu.vector_load_idx %arg14[%add3A_470] : memref<256xf32, #tpu.memory_space<vmem>>[vector<16xi32>], vector<16xf32>,
    %add3A_472 = arith.addf %add3A_464, %gather3A_471 : vector<16xf32>
    %mul3A_473 = arith.constant 16 : i32
    %mul3A_474 = vector.broadcast %mul3A_473 : i32 to vector<16xi32>
    %mul3A_475 = arith.muli %iota3A, %mul3A_474 : vector<16xi32>
    %add3A_476 = arith.constant 9 : i32
    %add3A_477 = vector.broadcast %add3A_476 : i32 to vector<16xi32>
    %add3A_478 = arith.addi %mul3A_475, %add3A_477 : vector<16xi32>
    %gather3A_479 = tpu.vector_load_idx %arg14[%add3A_478] : memref<256xf32, #tpu.memory_space<vmem>>[vector<16xi32>], vector<16xf32>,
    %add3A_480 = arith.addf %add3A_472, %gather3A_479 : vector<16xf32>
    %mul3A_481 = arith.constant 16 : i32
    %mul3A_482 = vector.broadcast %mul3A_481 : i32 to vector<16xi32>
    %mul3A_483 = arith.muli %iota3A, %mul3A_482 : vector<16xi32>
    %add3A_484 = arith.constant 10 : i32
    %add3A_485 = vector.broadcast %add3A_484 : i32 to vector<16xi32>
    %add3A_486 = arith.addi %mul3A_483, %add3A_485 : vector<16xi32>
    %gather3A_487 = tpu.vector_load_idx %arg14[%add3A_486] : memref<256xf32, #tpu.memory_space<vmem>>[vector<16xi32>], vector<16xf32>,
    %add3A_488 = arith.addf %add3A_480, %gather3A_487 : vector<16xf32>
    %mul3A_489 = arith.constant 16 : i32
    %mul3A_490 = vector.broadcast %mul3A_489 : i32 to vector<16xi32>
    %mul3A_491 = arith.muli %iota3A, %mul3A_490 : vector<16xi32>
    %add3A_492 = arith.constant 11 : i32
    %add3A_493 = vector.broadcast %add3A_492 : i32 to vector<16xi32>
    %add3A_494 = arith.addi %mul3A_491, %add3A_493 : vector<16xi32>
    %gather3A_495 = tpu.vector_load_idx %arg14[%add3A_494] : memref<256xf32, #tpu.memory_space<vmem>>[vector<16xi32>], vector<16xf32>,
    %add3A_496 = arith.addf %add3A_488, %gather3A_495 : vector<16xf32>
    %mul3A_497 = arith.constant 16 : i32
    %mul3A_498 = vector.broadcast %mul3A_497 : i32 to vector<16xi32>
    %mul3A_499 = arith.muli %iota3A, %mul3A_498 : vector<16xi32>
    %add3A_500 = arith.constant 12 : i32
    %add3A_501 = vector.broadcast %add3A_500 : i32 to vector<16xi32>
    %add3A_502 = arith.addi %mul3A_499, %add3A_501 : vector<16xi32>
    %gather3A_503 = tpu.vector_load_idx %arg14[%add3A_502] : memref<256xf32, #tpu.memory_space<vmem>>[vector<16xi32>], vector<16xf32>,
    %add3A_504 = arith.addf %add3A_496, %gather3A_503 : vector<16xf32>
    %mul3A_505 = arith.constant 16 : i32
    %mul3A_506 = vector.broadcast %mul3A_505 : i32 to vector<16xi32>
    %mul3A_507 = arith.muli %iota3A, %mul3A_506 : vector<16xi32>
    %add3A_508 = arith.constant 13 : i32
    %add3A_509 = vector.broadcast %add3A_508 : i32 to vector<16xi32>
    %add3A_510 = arith.addi %mul3A_507, %add3A_509 : vector<16xi32>
    %gather3A_511 = tpu.vector_load_idx %arg14[%add3A_510] : memref<256xf32, #tpu.memory_space<vmem>>[vector<16xi32>], vector<16xf32>,
    %add3A_512 = arith.addf %add3A_504, %gather3A_511 : vector<16xf32>
    %mul3A_513 = arith.constant 16 : i32
    %mul3A_514 = vector.broadcast %mul3A_513 : i32 to vector<16xi32>
    %mul3A_515 = arith.muli %iota3A, %mul3A_514 : vector<16xi32>
    %add3A_516 = arith.constant 14 : i32
    %add3A_517 = vector.broadcast %add3A_516 : i32 to vector<16xi32>
    %add3A_518 = arith.addi %mul3A_515, %add3A_517 : vector<16xi32>
    %gather3A_519 = tpu.vector_load_idx %arg14[%add3A_518] : memref<256xf32, #tpu.memory_space<vmem>>[vector<16xi32>], vector<16xf32>,
    %add3A_520 = arith.addf %add3A_512, %gather3A_519 : vector<16xf32>
    %mul3A_521 = arith.constant 16 : i32
    %mul3A_522 = vector.broadcast %mul3A_521 : i32 to vector<16xi32>
    %mul3A_523 = arith.muli %iota3A, %mul3A_522 : vector<16xi32>
    %add3A_524 = arith.constant 15 : i32
    %add3A_525 = vector.broadcast %add3A_524 : i32 to vector<16xi32>
    %add3A_526 = arith.addi %mul3A_523, %add3A_525 : vector<16xi32>
    %gather3A_527 = tpu.vector_load_idx %arg14[%add3A_526] : memref<256xf32, #tpu.memory_space<vmem>>[vector<16xi32>], vector<16xf32>,
    %add3A_528 = arith.addf %add3A_520, %gather3A_527 : vector<16xf32>
    %mul3A_529 = arith.constant 16 : i32
    %mul3A_530 = vector.broadcast %mul3A_529 : i32 to vector<16xi32>
    %mul3A_531 = arith.muli %iota3A, %mul3A_530 : vector<16xi32>
    %add3A_532 = arith.constant 0 : i32
    %add3A_533 = vector.broadcast %add3A_532 : i32 to vector<16xi32>
    %add3A_534 = arith.addi %mul3A_531, %add3A_533 : vector<16xi32>
    %gather3A_535 = tpu.vector_load_idx %arg12[%add3A_534] : memref<256xf32, #tpu.memory_space<vmem>>[vector<16xi32>], vector<16xf32>,
    %add3A_536 = arith.addf %broadcast_in_dim3A_3, %gather3A_535 : vector<16xf32>
    %mul3A_537 = arith.constant 16 : i32
    %mul3A_538 = vector.broadcast %mul3A_537 : i32 to vector<16xi32>
    %mul3A_539 = arith.muli %iota3A, %mul3A_538 : vector<16xi32>
    %add3A_540 = arith.constant 1 : i32
    %add3A_541 = vector.broadcast %add3A_540 : i32 to vector<16xi32>
    %add3A_542 = arith.addi %mul3A_539, %add3A_541 : vector<16xi32>
    %gather3A_543 = tpu.vector_load_idx %arg12[%add3A_542] : memref<256xf32, #tpu.memory_space<vmem>>[vector<16xi32>], vector<16xf32>,
    %add3A_544 = arith.addf %add3A_536, %gather3A_543 : vector<16xf32>
    %mul3A_545 = arith.constant 16 : i32
    %mul3A_546 = vector.broadcast %mul3A_545 : i32 to vector<16xi32>
    %mul3A_547 = arith.muli %iota3A, %mul3A_546 : vector<16xi32>
    %add3A_548 = arith.constant 2 : i32
    %add3A_549 = vector.broadcast %add3A_548 : i32 to vector<16xi32>
    %add3A_550 = arith.addi %mul3A_547, %add3A_549 : vector<16xi32>
    %gather3A_551 = tpu.vector_load_idx %arg12[%add3A_550] : memref<256xf32, #tpu.memory_space<vmem>>[vector<16xi32>], vector<16xf32>,
    %add3A_552 = arith.addf %add3A_544, %gather3A_551 : vector<16xf32>
    %mul3A_553 = arith.constant 16 : i32
    %mul3A_554 = vector.broadcast %mul3A_553 : i32 to vector<16xi32>
    %mul3A_555 = arith.muli %iota3A, %mul3A_554 : vector<16xi32>
    %add3A_556 = arith.constant 3 : i32
    %add3A_557 = vector.broadcast %add3A_556 : i32 to vector<16xi32>
    %add3A_558 = arith.addi %mul3A_555, %add3A_557 : vector<16xi32>
    %gather3A_559 = tpu.vector_load_idx %arg12[%add3A_558] : memref<256xf32, #tpu.memory_space<vmem>>[vector<16xi32>], vector<16xf32>,
    %add3A_560 = arith.addf %add3A_552, %gather3A_559 : vector<16xf32>
    %mul3A_561 = arith.constant 16 : i32
    %mul3A_562 = vector.broadcast %mul3A_561 : i32 to vector<16xi32>
    %mul3A_563 = arith.muli %iota3A, %mul3A_562 : vector<16xi32>
    %add3A_564 = arith.constant 4 : i32
    %add3A_565 = vector.broadcast %add3A_564 : i32 to vector<16xi32>
    %add3A_566 = arith.addi %mul3A_563, %add3A_565 : vector<16xi32>
    %gather3A_567 = tpu.vector_load_idx %arg12[%add3A_566] : memref<256xf32, #tpu.memory_space<vmem>>[vector<16xi32>], vector<16xf32>,
    %add3A_568 = arith.addf %add3A_560, %gather3A_567 : vector<16xf32>
    %mul3A_569 = arith.constant 16 : i32
    %mul3A_570 = vector.broadcast %mul3A_569 : i32 to vector<16xi32>
    %mul3A_571 = arith.muli %iota3A, %mul3A_570 : vector<16xi32>
    %add3A_572 = arith.constant 5 : i32
    %add3A_573 = vector.broadcast %add3A_572 : i32 to vector<16xi32>
    %add3A_574 = arith.addi %mul3A_571, %add3A_573 : vector<16xi32>
    %gather3A_575 = tpu.vector_load_idx %arg12[%add3A_574] : memref<256xf32, #tpu.memory_space<vmem>>[vector<16xi32>], vector<16xf32>,
    %add3A_576 = arith.addf %add3A_568, %gather3A_575 : vector<16xf32>
    %mul3A_577 = arith.constant 16 : i32
    %mul3A_578 = vector.broadcast %mul3A_577 : i32 to vector<16xi32>
    %mul3A_579 = arith.muli %iota3A, %mul3A_578 : vector<16xi32>
    %add3A_580 = arith.constant 6 : i32
    %add3A_581 = vector.broadcast %add3A_580 : i32 to vector<16xi32>
    %add3A_582 = arith.addi %mul3A_579, %add3A_581 : vector<16xi32>
    %gather3A_583 = tpu.vector_load_idx %arg12[%add3A_582] : memref<256xf32, #tpu.memory_space<vmem>>[vector<16xi32>], vector<16xf32>,
    %add3A_584 = arith.addf %add3A_576, %gather3A_583 : vector<16xf32>
    %mul3A_585 = arith.constant 16 : i32
    %mul3A_586 = vector.broadcast %mul3A_585 : i32 to vector<16xi32>
    %mul3A_587 = arith.muli %iota3A, %mul3A_586 : vector<16xi32>
    %add3A_588 = arith.constant 7 : i32
    %add3A_589 = vector.broadcast %add3A_588 : i32 to vector<16xi32>
    %add3A_590 = arith.addi %mul3A_587, %add3A_589 : vector<16xi32>
    %gather3A_591 = tpu.vector_load_idx %arg12[%add3A_590] : memref<256xf32, #tpu.memory_space<vmem>>[vector<16xi32>], vector<16xf32>,
    %add3A_592 = arith.addf %add3A_584, %gather3A_591 : vector<16xf32>
    %mul3A_593 = arith.constant 16 : i32
    %mul3A_594 = vector.broadcast %mul3A_593 : i32 to vector<16xi32>
    %mul3A_595 = arith.muli %iota3A, %mul3A_594 : vector<16xi32>
    %add3A_596 = arith.constant 8 : i32
    %add3A_597 = vector.broadcast %add3A_596 : i32 to vector<16xi32>
    %add3A_598 = arith.addi %mul3A_595, %add3A_597 : vector<16xi32>
    %gather3A_599 = tpu.vector_load_idx %arg12[%add3A_598] : memref<256xf32, #tpu.memory_space<vmem>>[vector<16xi32>], vector<16xf32>,
    %add3A_600 = arith.addf %add3A_592, %gather3A_599 : vector<16xf32>
    %mul3A_601 = arith.constant 16 : i32
    %mul3A_602 = vector.broadcast %mul3A_601 : i32 to vector<16xi32>
    %mul3A_603 = arith.muli %iota3A, %mul3A_602 : vector<16xi32>
    %add3A_604 = arith.constant 9 : i32
    %add3A_605 = vector.broadcast %add3A_604 : i32 to vector<16xi32>
    %add3A_606 = arith.addi %mul3A_603, %add3A_605 : vector<16xi32>
    %gather3A_607 = tpu.vector_load_idx %arg12[%add3A_606] : memref<256xf32, #tpu.memory_space<vmem>>[vector<16xi32>], vector<16xf32>,
    %add3A_608 = arith.addf %add3A_600, %gather3A_607 : vector<16xf32>
    %mul3A_609 = arith.constant 16 : i32
    %mul3A_610 = vector.broadcast %mul3A_609 : i32 to vector<16xi32>
    %mul3A_611 = arith.muli %iota3A, %mul3A_610 : vector<16xi32>
    %add3A_612 = arith.constant 10 : i32
    %add3A_613 = vector.broadcast %add3A_612 : i32 to vector<16xi32>
    %add3A_614 = arith.addi %mul3A_611, %add3A_613 : vector<16xi32>
    %gather3A_615 = tpu.vector_load_idx %arg12[%add3A_614] : memref<256xf32, #tpu.memory_space<vmem>>[vector<16xi32>], vector<16xf32>,
    %add3A_616 = arith.addf %add3A_608, %gather3A_615 : vector<16xf32>
    %mul3A_617 = arith.constant 16 : i32
    %mul3A_618 = vector.broadcast %mul3A_617 : i32 to vector<16xi32>
    %mul3A_619 = arith.muli %iota3A, %mul3A_618 : vector<16xi32>
    %add3A_620 = arith.constant 11 : i32
    %add3A_621 = vector.broadcast %add3A_620 : i32 to vector<16xi32>
    %add3A_622 = arith.addi %mul3A_619, %add3A_621 : vector<16xi32>
    %gather3A_623 = tpu.vector_load_idx %arg12[%add3A_622] : memref<256xf32, #tpu.memory_space<vmem>>[vector<16xi32>], vector<16xf32>,
    %add3A_624 = arith.addf %add3A_616, %gather3A_623 : vector<16xf32>
    %mul3A_625 = arith.constant 16 : i32
    %mul3A_626 = vector.broadcast %mul3A_625 : i32 to vector<16xi32>
    %mul3A_627 = arith.muli %iota3A, %mul3A_626 : vector<16xi32>
    %add3A_628 = arith.constant 12 : i32
    %add3A_629 = vector.broadcast %add3A_628 : i32 to vector<16xi32>
    %add3A_630 = arith.addi %mul3A_627, %add3A_629 : vector<16xi32>
    %gather3A_631 = tpu.vector_load_idx %arg12[%add3A_630] : memref<256xf32, #tpu.memory_space<vmem>>[vector<16xi32>], vector<16xf32>,
    %add3A_632 = arith.addf %add3A_624, %gather3A_631 : vector<16xf32>
    %mul3A_633 = arith.constant 16 : i32
    %mul3A_634 = vector.broadcast %mul3A_633 : i32 to vector<16xi32>
    %mul3A_635 = arith.muli %iota3A, %mul3A_634 : vector<16xi32>
    %add3A_636 = arith.constant 13 : i32
    %add3A_637 = vector.broadcast %add3A_636 : i32 to vector<16xi32>
    %add3A_638 = arith.addi %mul3A_635, %add3A_637 : vector<16xi32>
    %gather3A_639 = tpu.vector_load_idx %arg12[%add3A_638] : memref<256xf32, #tpu.memory_space<vmem>>[vector<16xi32>], vector<16xf32>,
    %add3A_640 = arith.addf %add3A_632, %gather3A_639 : vector<16xf32>
    %mul3A_641 = arith.constant 16 : i32
    %mul3A_642 = vector.broadcast %mul3A_641 : i32 to vector<16xi32>
    %mul3A_643 = arith.muli %iota3A, %mul3A_642 : vector<16xi32>
    %add3A_644 = arith.constant 14 : i32
    %add3A_645 = vector.broadcast %add3A_644 : i32 to vector<16xi32>
    %add3A_646 = arith.addi %mul3A_643, %add3A_645 : vector<16xi32>
    %gather3A_647 = tpu.vector_load_idx %arg12[%add3A_646] : memref<256xf32, #tpu.memory_space<vmem>>[vector<16xi32>], vector<16xf32>,
    %add3A_648 = arith.addf %add3A_640, %gather3A_647 : vector<16xf32>
    %mul3A_649 = arith.constant 16 : i32
    %mul3A_650 = vector.broadcast %mul3A_649 : i32 to vector<16xi32>
    %mul3A_651 = arith.muli %iota3A, %mul3A_650 : vector<16xi32>
    %add3A_652 = arith.constant 15 : i32
    %add3A_653 = vector.broadcast %add3A_652 : i32 to vector<16xi32>
    %add3A_654 = arith.addi %mul3A_651, %add3A_653 : vector<16xi32>
    %gather3A_655 = tpu.vector_load_idx %arg12[%add3A_654] : memref<256xf32, #tpu.memory_space<vmem>>[vector<16xi32>], vector<16xf32>,
    %add3A_656 = arith.addf %add3A_648, %gather3A_655 : vector<16xf32>
    %max3A = arith.constant 1.000000e-35 : f32
    %max3A_657 = vector.broadcast %max3A : f32 to vector<16xf32>
    %max3A_658 = arith.maximumf %add3A_656, %max3A_657 : vector<16xf32>
    %bitcast3A = vector.bitcast %max3A_658 : vector<16xf32> to vector<16xi32>
    %shift_right_arithmetic3A = arith.constant 1 : i32
    %shift_right_arithmetic3A_659 = vector.broadcast %shift_right_arithmetic3A : i32 to vector<16xi32>
    %shift_right_arithmetic3A_660 = arith.shrsi %bitcast3A, %shift_right_arithmetic3A_659 : vector<16xi32>
    %sub3A = arith.constant 1597463007 : i32
    %sub3A_661 = vector.broadcast %sub3A : i32 to vector<16xi32>
    %sub3A_662 = arith.subi %sub3A_661, %shift_right_arithmetic3A_660 : vector<16xi32>
    %bitcast3A_663 = vector.bitcast %sub3A_662 : vector<16xi32> to vector<16xf32>
    %mul3A_664 = arith.constant 5.000000e-01 : f32
    %mul3A_665 = vector.broadcast %mul3A_664 : f32 to vector<16xf32>
    %mul3A_666 = arith.mulf %mul3A_665, %max3A_658 : vector<16xf32>
    %mul3A_667 = arith.mulf %mul3A_666, %bitcast3A_663 : vector<16xf32>
    %mul3A_668 = arith.mulf %mul3A_667, %bitcast3A_663 : vector<16xf32>
    %sub3A_669 = arith.constant 1.500000e+00 : f32
    %sub3A_670 = vector.broadcast %sub3A_669 : f32 to vector<16xf32>
    %sub3A_671 = arith.subf %sub3A_670, %mul3A_668 : vector<16xf32>
    %mul3A_672 = arith.mulf %bitcast3A_663, %sub3A_671 : vector<16xf32>
    %mul3A_673 = arith.constant 5.000000e-01 : f32
    %mul3A_674 = vector.broadcast %mul3A_673 : f32 to vector<16xf32>
    %mul3A_675 = arith.mulf %mul3A_674, %max3A_658 : vector<16xf32>
    %mul3A_676 = arith.mulf %mul3A_675, %mul3A_672 : vector<16xf32>
    %mul3A_677 = arith.mulf %mul3A_676, %mul3A_672 : vector<16xf32>
    %sub3A_678 = arith.constant 1.500000e+00 : f32
    %sub3A_679 = vector.broadcast %sub3A_678 : f32 to vector<16xf32>
    %sub3A_680 = arith.subf %sub3A_679, %mul3A_677 : vector<16xf32>
    %mul3A_681 = arith.mulf %mul3A_672, %sub3A_680 : vector<16xf32>
    %mul3A_682 = arith.constant 5.000000e-01 : f32
    %mul3A_683 = vector.broadcast %mul3A_682 : f32 to vector<16xf32>
    %mul3A_684 = arith.mulf %mul3A_683, %max3A_658 : vector<16xf32>
    %mul3A_685 = arith.mulf %mul3A_684, %mul3A_681 : vector<16xf32>
    %mul3A_686 = arith.mulf %mul3A_685, %mul3A_681 : vector<16xf32>
    %sub3A_687 = arith.constant 1.500000e+00 : f32
    %sub3A_688 = vector.broadcast %sub3A_687 : f32 to vector<16xf32>
    %sub3A_689 = arith.subf %sub3A_688, %mul3A_686 : vector<16xf32>
    %mul3A_690 = arith.mulf %mul3A_681, %sub3A_689 : vector<16xf32>
    %mul3A_691 = arith.mulf %max3A_658, %mul3A_690 : vector<16xf32>
    %sub3A_692 = arith.constant 2.000000e+00 : f32
    %sub3A_693 = vector.broadcast %sub3A_692 : f32 to vector<16xf32>
    %sub3A_694 = arith.subf %mul3A_691, %sub3A_693 : vector<16xf32>
    %sub3A_695 = arith.constant 2.000000e+00 : f32
    %sub3A_696 = vector.broadcast %sub3A_695 : f32 to vector<16xf32>
    %sub3A_697 = arith.subf %mul3A_691, %sub3A_696 : vector<16xf32>
    %mul3A_698 = arith.mulf %sub3A_694, %sub3A_697 : vector<16xf32>
    %swap3A_699 = arith.constant 0 : i32
    %swap3A_700 = arith.index_cast %swap3A_699 : i32 to index
    %swap3A_701 = arith.constant 48 : index
    %swap3A_702 = tpu.vector_load %arg11[%swap3A_700, %swap3A_701] {strides = array<i32>} : memref<16x256xf32, #tpu.memory_space<vmem>>, vector<16xf32>,
    tpu.vector_store %arg11[%swap3A_700, %swap3A_701], %mul3A_698 {strides = array<i32>} : memref<16x256xf32, #tpu.memory_space<vmem>>, vector<16xf32>,
    %swap3A_703 = arith.constant 0 : i32
    %swap3A_704 = arith.index_cast %swap3A_703 : i32 to index
    %swap3A_705 = arith.constant 80 : index
    %swap3A_706 = tpu.vector_load %arg11[%swap3A_704, %swap3A_705] {strides = array<i32>} : memref<16x256xf32, #tpu.memory_space<vmem>>, vector<16xf32>,
    tpu.vector_store %arg11[%swap3A_704, %swap3A_705], %add3A_400 {strides = array<i32>} : memref<16x256xf32, #tpu.memory_space<vmem>>, vector<16xf32>,
    %max3A_707 = arith.constant 1.000000e-35 : f32
    %max3A_708 = vector.broadcast %max3A_707 : f32 to vector<16xf32>
    %max3A_709 = arith.maximumf %add3A_400, %max3A_708 : vector<16xf32>
    %bitcast3A_710 = vector.bitcast %max3A_709 : vector<16xf32> to vector<16xi32>
    %shift_right_arithmetic3A_711 = arith.constant 1 : i32
    %shift_right_arithmetic3A_712 = vector.broadcast %shift_right_arithmetic3A_711 : i32 to vector<16xi32>
    %shift_right_arithmetic3A_713 = arith.shrsi %bitcast3A_710, %shift_right_arithmetic3A_712 : vector<16xi32>
    %sub3A_714 = arith.constant 1597463007 : i32
    %sub3A_715 = vector.broadcast %sub3A_714 : i32 to vector<16xi32>
    %sub3A_716 = arith.subi %sub3A_715, %shift_right_arithmetic3A_713 : vector<16xi32>
    %bitcast3A_717 = vector.bitcast %sub3A_716 : vector<16xi32> to vector<16xf32>
    %mul3A_718 = arith.constant 5.000000e-01 : f32
    %mul3A_719 = vector.broadcast %mul3A_718 : f32 to vector<16xf32>
    %mul3A_720 = arith.mulf %mul3A_719, %max3A_709 : vector<16xf32>
    %mul3A_721 = arith.mulf %mul3A_720, %bitcast3A_717 : vector<16xf32>
    %mul3A_722 = arith.mulf %mul3A_721, %bitcast3A_717 : vector<16xf32>
    %sub3A_723 = arith.constant 1.500000e+00 : f32
    %sub3A_724 = vector.broadcast %sub3A_723 : f32 to vector<16xf32>
    %sub3A_725 = arith.subf %sub3A_724, %mul3A_722 : vector<16xf32>
    %mul3A_726 = arith.mulf %bitcast3A_717, %sub3A_725 : vector<16xf32>
    %mul3A_727 = arith.constant 5.000000e-01 : f32
    %mul3A_728 = vector.broadcast %mul3A_727 : f32 to vector<16xf32>
    %mul3A_729 = arith.mulf %mul3A_728, %max3A_709 : vector<16xf32>
    %mul3A_730 = arith.mulf %mul3A_729, %mul3A_726 : vector<16xf32>
    %mul3A_731 = arith.mulf %mul3A_730, %mul3A_726 : vector<16xf32>
    %sub3A_732 = arith.constant 1.500000e+00 : f32
    %sub3A_733 = vector.broadcast %sub3A_732 : f32 to vector<16xf32>
    %sub3A_734 = arith.subf %sub3A_733, %mul3A_731 : vector<16xf32>
    %mul3A_735 = arith.mulf %mul3A_726, %sub3A_734 : vector<16xf32>
    %mul3A_736 = arith.constant 5.000000e-01 : f32
    %mul3A_737 = vector.broadcast %mul3A_736 : f32 to vector<16xf32>
    %mul3A_738 = arith.mulf %mul3A_737, %max3A_709 : vector<16xf32>
    %mul3A_739 = arith.mulf %mul3A_738, %mul3A_735 : vector<16xf32>
    %mul3A_740 = arith.mulf %mul3A_739, %mul3A_735 : vector<16xf32>
    %sub3A_741 = arith.constant 1.500000e+00 : f32
    %sub3A_742 = vector.broadcast %sub3A_741 : f32 to vector<16xf32>
    %sub3A_743 = arith.subf %sub3A_742, %mul3A_740 : vector<16xf32>
    %mul3A_744 = arith.mulf %mul3A_735, %sub3A_743 : vector<16xf32>
    %mul3A_745 = arith.mulf %max3A_709, %mul3A_744 : vector<16xf32>
    %swap3A_746 = arith.constant 1 : i32
    %swap3A_747 = arith.index_cast %swap3A_746 : i32 to index
    %swap3A_748 = arith.constant 80 : index
    %swap3A_749 = tpu.vector_load %arg11[%swap3A_747, %swap3A_748] {strides = array<i32>} : memref<16x256xf32, #tpu.memory_space<vmem>>, vector<16xf32>,
    tpu.vector_store %arg11[%swap3A_747, %swap3A_748], %mul3A_745 {strides = array<i32>} : memref<16x256xf32, #tpu.memory_space<vmem>>, vector<16xf32>,
    %swap3A_750 = arith.constant 0 : i32
    %swap3A_751 = arith.index_cast %swap3A_750 : i32 to index
    %swap3A_752 = arith.constant 96 : index
    %swap3A_753 = tpu.vector_load %arg11[%swap3A_751, %swap3A_752] {strides = array<i32>} : memref<16x256xf32, #tpu.memory_space<vmem>>, vector<16xf32>,
    tpu.vector_store %arg11[%swap3A_751, %swap3A_752], %add3A_528 {strides = array<i32>} : memref<16x256xf32, #tpu.memory_space<vmem>>, vector<16xf32>,
    %max3A_754 = arith.constant 1.000000e-35 : f32
    %max3A_755 = vector.broadcast %max3A_754 : f32 to vector<16xf32>
    %max3A_756 = arith.maximumf %add3A_528, %max3A_755 : vector<16xf32>
    %bitcast3A_757 = vector.bitcast %max3A_756 : vector<16xf32> to vector<16xi32>
    %shift_right_arithmetic3A_758 = arith.constant 1 : i32
    %shift_right_arithmetic3A_759 = vector.broadcast %shift_right_arithmetic3A_758 : i32 to vector<16xi32>
    %shift_right_arithmetic3A_760 = arith.shrsi %bitcast3A_757, %shift_right_arithmetic3A_759 : vector<16xi32>
    %sub3A_761 = arith.constant 1597463007 : i32
    %sub3A_762 = vector.broadcast %sub3A_761 : i32 to vector<16xi32>
    %sub3A_763 = arith.subi %sub3A_762, %shift_right_arithmetic3A_760 : vector<16xi32>
    %bitcast3A_764 = vector.bitcast %sub3A_763 : vector<16xi32> to vector<16xf32>
    %mul3A_765 = arith.constant 5.000000e-01 : f32
    %mul3A_766 = vector.broadcast %mul3A_765 : f32 to vector<16xf32>
    %mul3A_767 = arith.mulf %mul3A_766, %max3A_756 : vector<16xf32>
    %mul3A_768 = arith.mulf %mul3A_767, %bitcast3A_764 : vector<16xf32>
    %mul3A_769 = arith.mulf %mul3A_768, %bitcast3A_764 : vector<16xf32>
    %sub3A_770 = arith.constant 1.500000e+00 : f32
    %sub3A_771 = vector.broadcast %sub3A_770 : f32 to vector<16xf32>
    %sub3A_772 = arith.subf %sub3A_771, %mul3A_769 : vector<16xf32>
    %mul3A_773 = arith.mulf %bitcast3A_764, %sub3A_772 : vector<16xf32>
    %mul3A_774 = arith.constant 5.000000e-01 : f32
    %mul3A_775 = vector.broadcast %mul3A_774 : f32 to vector<16xf32>
    %mul3A_776 = arith.mulf %mul3A_775, %max3A_756 : vector<16xf32>
    %mul3A_777 = arith.mulf %mul3A_776, %mul3A_773 : vector<16xf32>
    %mul3A_778 = arith.mulf %mul3A_777, %mul3A_773 : vector<16xf32>
    %sub3A_779 = arith.constant 1.500000e+00 : f32
    %sub3A_780 = vector.broadcast %sub3A_779 : f32 to vector<16xf32>
    %sub3A_781 = arith.subf %sub3A_780, %mul3A_778 : vector<16xf32>
    %mul3A_782 = arith.mulf %mul3A_773, %sub3A_781 : vector<16xf32>
    %mul3A_783 = arith.constant 5.000000e-01 : f32
    %mul3A_784 = vector.broadcast %mul3A_783 : f32 to vector<16xf32>
    %mul3A_785 = arith.mulf %mul3A_784, %max3A_756 : vector<16xf32>
    %mul3A_786 = arith.mulf %mul3A_785, %mul3A_782 : vector<16xf32>
    %mul3A_787 = arith.mulf %mul3A_786, %mul3A_782 : vector<16xf32>
    %sub3A_788 = arith.constant 1.500000e+00 : f32
    %sub3A_789 = vector.broadcast %sub3A_788 : f32 to vector<16xf32>
    %sub3A_790 = arith.subf %sub3A_789, %mul3A_787 : vector<16xf32>
    %mul3A_791 = arith.mulf %mul3A_782, %sub3A_790 : vector<16xf32>
    %mul3A_792 = arith.mulf %max3A_756, %mul3A_791 : vector<16xf32>
    %swap3A_793 = arith.constant 1 : i32
    %swap3A_794 = arith.index_cast %swap3A_793 : i32 to index
    %swap3A_795 = arith.constant 96 : index
    %swap3A_796 = tpu.vector_load %arg11[%swap3A_794, %swap3A_795] {strides = array<i32>} : memref<16x256xf32, #tpu.memory_space<vmem>>, vector<16xf32>,
    tpu.vector_store %arg11[%swap3A_794, %swap3A_795], %mul3A_792 {strides = array<i32>} : memref<16x256xf32, #tpu.memory_space<vmem>>, vector<16xf32>,
    %dma_start3A_797 = arith.constant 0 : i32
    %dma_start3A_798 = tpu.memref_slice %arg5[%mul3A_2, %dma_start3A_797] : memref<512x256xf32, #tpu.memory_space<hbm>> -> memref<16x256xf32, #tpu.memory_space<hbm>>
    %dma_start3A_799 = arith.constant 0 : i32
    %dma_start3A_800 = tpu.memref_slice %arg5[%mul3A_2, %dma_start3A_799] : memref<512x256xf32, #tpu.memory_space<hbm>> -> memref<16x256xf32, #tpu.memory_space<hbm>>
    tpu.enqueue_dma source(%arg11 : memref<16x256xf32, #tpu.memory_space<vmem>>) target(%dma_start3A_800 : memref<16x256xf32, #tpu.memory_space<hbm>>) target_semaphore(%arg16 : memref<!tpu.dma_semaphore, #tpu.memory_space<semaphore_mem>>)
    %dma_wait3A_801 = arith.constant 0 : i32
    %dma_wait3A_802 = tpu.memref_slice %arg5[%mul3A_2, %dma_wait3A_801] : memref<512x256xf32, #tpu.memory_space<hbm>> -> memref<16x256xf32, #tpu.memory_space<hbm>>
    %dma_wait3A_803 = arith.constant 0 : i32
    %dma_wait3A_804 = tpu.memref_slice %arg5[%mul3A_2, %dma_wait3A_803] : memref<512x256xf32, #tpu.memory_space<hbm>> -> memref<16x256xf32, #tpu.memory_space<hbm>>
    tpu.wait_dma2 semaphore(%arg16 : memref<!tpu.dma_semaphore, #tpu.memory_space<semaphore_mem>>) src(%arg11 : memref<16x256xf32, #tpu.memory_space<vmem>>) dst(%dma_wait3A_804 : memref<16x256xf32, #tpu.memory_space<hbm>>)
    return
  }
}

</mosaic_0001>

<sc_bundles>
// kernel: kernel.3.cloned.1.call-start
scs
__scs_entry_jumppad:
0x0: {  	(pc) =	sbr.rel $0x88, $3  }
0x1: {  	(tag) =	ssettag $0x0;
	lr =	simm.s32 $0x1  }
0x2: {  	[smem:$0x3F99] =	sst lr;
	_ =	strace $0xD0000000  }
0x3: {  	_ = 	snop  }
0x4: {  	_ = 	snop  }
0x5: {  	_ = 	snop  }
0x6: {  	_ = 	snop  }
0x7: {  	_ = 	snop  }
__scs_overlays_trampoline_lowered:
0x8: {  	[smem:$0x3FA8] =	sst s0  }
0x9: {  	[smem:$0x3FA9] =	sst s1  }
0xa: {  	[smem:$0x3FAA] =	sst s2  }
0xb: {  	[smem:$0x3FAB] =	sst s3  }
0xc: {  	[smem:$0x3FAC] =	sst s4  }
0xd: {  	[smem:$0x3FAD] =	sst s5  }
0xe: {  	[smem:$0x3FAE] =	sst s6  }
0xf: {  	[smem:$0x3FAF] =	sst s7  }
0x10: {  	[smem:$0x3FB0] =	sst s8  }
0x11: {  	[smem:$0x3FB1] =	sst s9;
	s0 =	simm.s32 @!p0 $0x0  }
0x12: {  	s1 =	sld [smem:$0x3F97];
	s0 =	simm.s32 @p0 $0x1  }
0x13: {  	[smem:$0x3FB2] =	sst s0;
	s0 =	simm.s32 @!p1 $0x0  }
0x14: {  	s2 =	sld [smem:$0x3F96];
	s0 =	simm.s32 @p1 $0x1  }
0x15: {  	[smem:$0x3FB3] =	sst s0;
	s0 =	simm.s32 @!p2 $0x0  }
0x16: {  	s3 =	sld [smem:$0x3FDB];
	s0 =	simm.s32 @p2 $0x1  }
0x17: {  	s4 =	simm.s32 $0x1BF5;
	[smem:$0x3FB5] =	sst s0  }
0x18: {  	s0 =	sld [smem:$0x3F98];
	_ =	swait.ge [sflag:s4], $0x0  }
0x19: {  	s7 =	sld [smem:$0x3F99]  }
0x1a: {  	s8 =	sadd.s32 $0xFFFFE003, lr  }
0x1b: {  	s9 =	sadd.s32 $0xFFFFFEF7, lr;
	s5 =	simm.s32 $0xFFFFFFFF;
	p2 =	slt.u32 s8, $0xFFFFF086  }
0x1c: {  	p1 =	slt.u32 s9, $0xF7A;
	s5 =	simm.s32 @!p2 $0x0  }
0x1d: {  	s5 =	simm.s32 @p1 $0x1;
	p0 =	seq.s32 s7, s2  }
0x1e: {  	s7 =	smul.u32 @!p0 $0xF7A, s2;
	p2 =	seq.s32 @!p0 s5, $0x0  }
0x1f: {  	s9 =	smul.u32 $0xF7A, s1;
	s8 =	simm.s32 @!p0 $0x1BF5;
	p2 =	por !p2, p0  }
0x20: {  	[sflag:s8] =	ssyncset.s32 @!p0 $0xFFFFF086;
	s6 =	sadd.s32 @!p0 s3, s7;
	s7 =	simm.s32 @!p0 $0x108  }
0x21: {  	s3 =	sadd.s32 s3, s9;
	s6 =	sadd.s32 @!p0 $0x88, s6;
	s7 =	simm.s32 @p2 $0x1082  }
0x22: {  	[simem:s7], [sflag:s8] =	dma.local @!p0 [hbm:s6], $0xF7A  }
0x23: {  	s9 =	sor.u32 $0xD0000000, s2;
	s6 =	simm.s32 $0x108;
	_ =	swait.ge @!p0 [sflag:s8], $0x0  }
0x24: {  	s3 =	sadd.s32 $0x88, s3;
	s6 =	simm.s32 @!p1 $0x1082;
	[sflag:s4] =	ssyncset.s32 $0xFFFFF086  }
0x25: {  	[simem:s6], [sflag:s4] =	dma.local [hbm:s3], $0xF7A  }
0x26: {  	[smem:$0x3F99] =	sst s1;
	(tag) =	ssettag s2;
	_ =	strace s9  }
0x27: {  	s1 =	sld [smem:$0x3FA9]  }
0x28: {  	s2 =	sld [smem:$0x3FAA]  }
0x29: {  	s4 =	sld [smem:$0x3FAC]  }
0x2a: {  	p0 =	seq.s32 s5, $0x0;
	s5 =	sld [smem:$0x3FAD]  }
0x2b: {  	s6 =	sld [smem:$0x3FAE]  }
0x2c: {  	s7 =	sld [smem:$0x3FAF]  }
0x2d: {  	s3 =	simm.s32 $0x108;
	s8 =	sld [smem:$0x3FB0]  }
0x2e: {  	s3 =	simm.s32 @!p0 $0x1082;
	s9 =	sld [smem:$0x3FB1]  }
0x2f: {  	lr =	sadd.s32 s0, s3;
	s0 =	sld [smem:$0x3FA8]  }
0x30: {  	s3 =	sld [smem:$0x3FAB]  }
0x31: {  	[smem:$0x3FB4] =	sst s10  }
0x32: {  	s10 =	sld [smem:$0x3FB2];
	_ =	sdelay $0x3  }
0x33: {  	p0 =	seq.s32 s10, $0x1;
	s10 =	sld [smem:$0x3FB4];
	_ =	sdelay $0x3  }
0x34: {  	[smem:$0x3FB4] =	sst s10  }
0x35: {  	s10 =	sld [smem:$0x3FB3];
	_ =	sdelay $0x3  }
0x36: {  	p1 =	seq.s32 s10, $0x1;
	s10 =	sld [smem:$0x3FB4];
	_ =	sdelay $0x3  }
0x37: {  	[smem:$0x3FB4] =	sst s10  }
0x38: {  	s10 =	sld [smem:$0x3FB5]  }
0x39: {  	_ = 	snop;
	(pc) =	sbr.ind lr, $3  }
0x3a: {  	_ = 	snop  }
0x3b: {  	_ = 	snop  }
0x3c: {  	p2 =	seq.s32 s10, $0x1;
	s10 =	sld [smem:$0x3FB4]  }
0x3d: {  	_ =	shalt  }
0x3e: {  	_ =	shalt  }
0x3f: {  	_ =	shalt  }
0x40: {  	_ =	shalt  }
0x41: {  	_ =	shalt  }
0x42: {  	_ =	shalt  }
0x43: {  	_ =	shalt  }
0x44: {  	_ =	shalt  }
0x45: {  	_ =	shalt  }
0x46: {  	_ =	shalt  }
0x47: {  	_ =	shalt  }
0x48: {  	_ =	shalt  }
0x49: {  	_ =	shalt  }
0x4a: {  	_ =	shalt  }
0x4b: {  	_ =	shalt  }
0x4c: {  	_ =	shalt  }
0x4d: {  	_ =	shalt  }
0x4e: {  	_ =	shalt  }
0x4f: {  	_ =	shalt  }
0x50: {  	_ =	shalt  }
0x51: {  	_ =	shalt  }
0x52: {  	_ =	shalt  }
0x53: {  	_ =	shalt  }
0x54: {  	_ =	shalt  }
0x55: {  	_ =	shalt  }
0x56: {  	_ =	shalt  }
0x57: {  	_ =	shalt  }
0x58: {  	_ =	shalt  }
0x59: {  	_ =	shalt  }
0x5a: {  	_ =	shalt  }
0x5b: {  	_ =	shalt  }
0x5c: {  	_ =	shalt  }
0x5d: {  	_ =	shalt  }
0x5e: {  	_ =	shalt  }
0x5f: {  	_ =	shalt  }
0x60: {  	_ =	shalt  }
0x61: {  	_ =	shalt  }
0x62: {  	_ =	shalt  }
0x63: {  	_ =	shalt  }
0x64: {  	_ =	shalt  }
0x65: {  	_ =	shalt  }
0x66: {  	_ =	shalt  }
0x67: {  	_ =	shalt  }
0x68: {  	_ =	shalt  }
0x69: {  	_ =	shalt  }
0x6a: {  	_ =	shalt  }
0x6b: {  	_ =	shalt  }
0x6c: {  	_ =	shalt  }
0x6d: {  	_ =	shalt  }
0x6e: {  	_ =	shalt  }
0x6f: {  	_ =	shalt  }
0x70: {  	_ =	shalt  }
0x71: {  	_ =	shalt  }
0x72: {  	_ =	shalt  }
0x73: {  	_ =	shalt  }
0x74: {  	_ =	shalt  }
0x75: {  	_ =	shalt  }
0x76: {  	_ =	shalt  }
0x77: {  	_ =	shalt  }
0x78: {  	_ =	shalt  }
0x79: {  	_ =	shalt  }
0x7a: {  	_ =	shalt  }
0x7b: {  	_ =	shalt  }
0x7c: {  	_ =	shalt  }
0x7d: {  	_ =	shalt  }
0x7e: {  	_ =	shalt  }
0x7f: {  	_ =	shalt  }
0x80: {  	_ =	shalt  }
0x81: {  	_ =	shalt  }
0x82: {  	_ =	shalt  }
0x83: {  	_ =	shalt  }
0x84: {  	_ =	shalt  }
0x85: {  	_ =	shalt  }
0x86: {  	_ =	shalt  }
0x87: {  	_ =	shalt  }
.Lfunc_end0:
.L_simem_size_0:
called_computation_lowered:
.L_overlay_start_0:
0x88: {  	s2 =	sld [smem:$0x3FD9]  }
0x89: {  	s3 =	sld [smem:$0x3FFE];
	_ =	sdelay $0x1  }
0x8a: {  	s1 =	srdreg.scid  }
0x8b: {  	s0 =	sand.u32 $0x1, s1  }
0x8c: {  	s17 =	sshll.u32 s0, $0xA;
	s2 =	sadd.s32 s3, s2  }
0x8d: {  	s2 =	sadd.s32 s2, s17  }
0x8e: {  	[smem:$0x3FC0] =	sst s2  }
0x8f: {  	_ = 	snop  }
0x90: {  	s2 =	sld [smem:$0x3FC9]  }
0x91: {  	s18 =	sld [smem:$0x3FC8];
	(tm) =	ssettm $0x1  }
0x92: {  	s4 =	sld [smem:$0x3FFB];
	_ =	sdelay $0x3  }
0x93: {  	_ =	strace s4  }
0x94: {  	s4 =	sld [smem:$0x3FFC];
	_ =	sdelay $0x3  }
0x95: {  	_ =	strace s4  }
0x96: {  	s4 =	sld [smem:$0x3FFD];
	_ =	sdelay $0x3  }
0x97: {  	_ =	strace s4  }
0x98: {  	_ =	strace $0x8FFFFFFF  }
0x99: {  	s19 =	sld [smem:$0x3FDB];
	_ =	sdelay $0x1  }
0x9a: {  	s5 =	simm.s32 $_scs_section_size  }
0x9b: {  	s6 =	simm.s32 $_size__tile_overlayer_lowered;
	s7 =	simm.s32 $_tile_overlayer_lowered  }
0x9c: {  	s22 =	simm.s32 $0x1BFF;
	s21 =	sshll.u32 s7, $0x1;
	s4 =	sadd.s32 s5, s19  }
0x9d: {  	s8 =	simm.s32 $0x0;
	s20 =	sshll.u32 s6, $0x1;
	s6 =	sadd.s32 s21, s4  }
0x9e: {  	[timem:s8], [sflag:s22] =	dma.local [hbm:s6], s20  }
0x9f: {  	_ =	swait.ge [sflag:s22], s20  }
0xa0: {  	s5 =	ssub.s32 $0x0, s20;
	[sflag:s22] =	ssyncset.done $0x0  }
0xa1: {  	[sflag:s22] =	ssyncadd.s32 s5;
	_ =	sdelay $0x1  }
0xa2: {  	s23 =	simm.s32 $0x1B8B  }
0xa3: {  	_ =	swait.ge [sflag:s23], $0x1  }
0xa4: {  	[sflag:s23] =	ssyncset.done $0x0  }
0xa5: {  	s25 =	simm.s32 $0x1B8E;
	s24 =	sld [smem:$0x3FFE];
	[sflag:s23] =	ssyncadd.s32 $0xFFFFFFFF  }
0xa6: {  	s26 =	simm.s32 $execute0_lowered;
	[smem:$0x3FD2] =	sst s25  }
0xa7: {  	s6 =	sshll.u32 s26, $0x1;
	_ =	strace $0x80000046;
	[dreg:$0x1] =	wrdreg $0xFFFFFFFF  }
0xa8: {  	s28 =	simm.s32 $_size_execute0_lowered;
	s4 =	sadd.s32 s4, s6;
	[dreg:$0x0] =	wrdreg $0x0  }
0xa9: {  	s6 =	sshll.u32 s28, $0x1;
	[dreg:$0x2] =	wrdreg s4  }
0xaa: {  	[dreg:$0x3] =	wrdreg s6  }
0xab: {  	[dreg:$0x4] =	wrdreg $0xC0  }
0xac: {  	_ =	task [dreg:s8], $0x5FFFF  }
0xad: {  	[dreg:$0x1] =	wrdreg $0xFFFFFFFF  }
0xae: {  	[dreg:$0x0] =	wrdreg $0x60  }
0xaf: {  	[dreg:$0x2] =	wrdreg s2  }
0xb0: {  	[dreg:$0x3] =	wrdreg s18  }
0xb1: {  	[dreg:$0x4] =	wrdreg s24  }
0xb2: {  	[dreg:$0x5] =	wrdreg $0x9  }
0xb3: {  	_ =	task.clear_ibuf [dreg:s8], $0x6FFFF;
	_ =	strace $0x90000046  }
0xb4: {  	s29 =	simm.s32 $0x9;
	_ =	strace $0x80000048  }
0xb5: {  	_ =	swait.ge [sflag:s29], $0x1  }
0xb6: {  	[sflag:s29] =	ssyncadd.s32 $0xFFFFFFFF  }
0xb7: {  	_ =	strace $0x90000048  }
0xb8: {  	_ =	sfence  }
0xb9: {  	s30 =	sld [smem:$0x0];
	_ =	sdelay $0x2  }
0xba: {  	s31 =	sshll.u32 s1, $0xD;
	s1 =	sshrl.u32 s1, $0x2  }
0xbb: {  	s3 =	sand.u32 $0x4000, s31;
	s1 =	sadd.s32 s1, s30  }
0xbc: {  	s0 =	sor.u32 s3, s0;
	s1 =	sshll.u32 s1, $0x11  }
0xbd: {  	s0 =	sor.u32 s1, s0  }
0xbe: {  	s0 =	sadd.s32 $0x8F2B, s0  }
0xbf: {  	[sflag:s0] =	ssyncadd.remote.s32 $0x1  }
0xc0: {  	_ =	sfence.sel $0xFFFF  }
0xc1: {  	[dreg:$0x0] =	wrdreg $0xFFFFFFFF;
	(pc) =	sbr.abs _section_cstart, $3  }
0xc2: {  	[dreg:$0x1] =	wrdreg $0xFFFFFFFF  }
0xc3: {  	_ =	task.clear_ibuf [dreg:s8], $0x2FFFF;
	_ =	strace $0x9FFFFFFF  }
0xc4: {  	(tm) =	ssettm $0x7FFFFFFF  }
0xc5: {  	_ =	shalt  }
tec
execute0_lowered:
.L_overlay_start_1:
0x0: {  	(tag) =	ssettag $0x1  }
0x1: {  	s1 =	rddreg [dreg:$0x0]  }
0x2: {  	s0 =	rddreg [dreg:$0x2]  }
0x3: {  	s2 =	srdreg.scid;
	s4 =	simm.s32 $0x0;
	s3 =	stileid.u32  }
0x4: {  	s8 =	simm.s32 $0x1;
	s9 =	simm.s32 $0xB980;
	s10 =	simm.s32 $0xC180  }
0x5: {  	s11 =	simm.s32 $0xC980;
	s12 =	simm.s32 $0xD180;
	s13 =	simm.s32 $0x3  }
0x6: {  	s14 =	simm.s32 $0x4;
	s15 =	simm.s32 $0x5;
	s16 =	simm.s32 $0x6  }
0x7: {  	v0 =	vlaneseq.u32;
	vm0 =	vmmov $0xffff;
	s17 =	simm.s32 $0x7;
	s18 =	simm.s32 $0x8;
	s19 =	simm.s32 $0x9  }
0x8: {  	s20 =	simm.s32 $0x10280;
	s21 =	simm.s32 $0x10380;
	s22 =	simm.s32 $0x10180;
	v20 =	vimm.f32 $0.0e+00;
	v1 =	vmul.u32 $0x80, v0;
	v18 =	vshrl.u32 v0, $0x3  }
0x9: {  	s23 =	simm.s32 $0xF180;
	s24 =	simm.s32 $0x2;
	s2 =	sand.u32 $0x1, s2;
	v17 =	vand.u32 $0x7, v0;
	v19 =	vor.u32 $0x8, v0;
	v18 =	vmul.u32 $0x8, v18  }
0xa: {  	s25 =	simm.s32 $0x0;
	s3 =	sshll.u32 s3, $0x5;
	s5 =	sshll.u32 s2, $0x4;
	v2 =	vor.u32 $0x1, v1;
	v3 =	vor.u32 $0xB, v1;
	v4 =	vor.u32 $0xC, v1  }
0xb: {  	[smem:$0x7FF] =	sst s4;
	s2 =	ssub.s32 $0x2, s2;
	s3 =	sor.u32 s5, s3;
	v5 =	vor.u32 $0x5, v1;
	v6 =	vor.u32 $0x7, v1;
	v7 =	vor.u32 $0xD, v1  }
0xc: {  	_ =	strace $0x80000047;
	s6 =	sshrl.u32 s2, $0x1;
	v8 =	vor.u32 $0xF, v1;
	v9 =	vor.u32 $0x9, v1;
	v10 =	vor.u32 $0xA, v1;
	s5 =	sshll.u32 s3, $0x5  }
0xd: {  	v11 =	vor.u32 $0x2, v1;
	v12 =	vor.u32 $0x3, v1;
	v13 =	vor.u32 $0x4, v1;
	s3 =	sshll.u32 s3, $0x4;
	s2 =	ssub.s32 s2, s6;
	s7 =	sadd.s32 s5, s0  }
0xe: {  	v14 =	vor.u32 $0x6, v1;
	v15 =	vor.u32 $0xE, v1;
	v16 =	vor.u32 $0x8, v1;
	s5 =	sadd.s32 s0, s3;
	s6 =	sadd.s32 $0x2000, s7;
	s7 =	smax.u32 s2, $0x1  }
.LBB2_1:
0xf: {  	[tilespmem:s4], [sflag:$0x1] =	stream.linear.gather [hbm4b:s5+s4], $0x800, $0x38;
	[tilespmem:$0x10480] =	vst v63  }
0x10: {  	_ =	swait.ge [sflag:s8], $0x800  }
0x11: {  	[sflag:s8] =	ssyncset.done $0x0  }
0x12: {  	[sflag:s8] =	ssyncadd.s32 $0xFFFFF800  }
0x13: {  	v21 =	vld.idx.msk [tilespmem:v1+s4+$0x0], $0xffff;
	_ =	sdelay $0x4  }
0x14: {  	[tilespmem:$0x800] =	vst v21  }
0x15: {  	v21 =	vld.idx.msk [tilespmem:v2+s4+$0x0], $0xffff;
	_ =	sdelay $0x4  }
0x16: {  	[tilespmem:$0x810] =	vst v21  }
0x17: {  	v21 =	vld.idx.msk [tilespmem:v3+s4+$0x0], $0xffff;
	_ =	sdelay $0x4  }
0x18: {  	[tilespmem:$0x820] =	vst v21  }
0x19: {  	v21 =	vld.idx.msk [tilespmem:v4+s4+$0x0], $0xffff;
	_ =	sdelay $0x4  }
0x1a: {  	[tilespmem:$0x830] =	vst v21  }
0x1b: {  	v21 =	vld.idx.msk [tilespmem:v5+s4+$0x0], $0xffff;
	_ =	sdelay $0x4  }
0x1c: {  	[tilespmem:$0x840] =	vst v21  }
0x1d: {  	v21 =	vld.idx.msk [tilespmem:v6+s4+$0x0], $0xffff;
	_ =	sdelay $0x4  }
0x1e: {  	[tilespmem:$0x850] =	vst v21  }
0x1f: {  	v21 =	vld.idx.msk [tilespmem:v7+s4+$0x0], $0xffff;
	_ =	sdelay $0x4  }
0x20: {  	[tilespmem:$0x860] =	vst v21  }
0x21: {  	v21 =	vld.idx.msk [tilespmem:v8+s4+$0x0], $0xffff;
	_ =	sdelay $0x4  }
0x22: {  	[tilespmem:$0x870] =	vst v21  }
0x23: {  	v21 =	vld.idx.msk [tilespmem:v9+s4+$0x0], $0xffff;
	_ =	sdelay $0x4  }
0x24: {  	[tilespmem:$0x880] =	vst v21  }
0x25: {  	v21 =	vld.idx.msk [tilespmem:v10+s4+$0x0], $0xffff;
	_ =	sdelay $0x4  }
0x26: {  	[tilespmem:$0x890] =	vst v21  }
0x27: {  	v21 =	vld.idx.msk [tilespmem:v11+s4+$0x0], $0xffff;
	_ =	sdelay $0x4  }
0x28: {  	[tilespmem:$0x8A0] =	vst v21  }
0x29: {  	v21 =	vld.idx.msk [tilespmem:v12+s4+$0x0], $0xffff;
	_ =	sdelay $0x4  }
0x2a: {  	[tilespmem:$0x8B0] =	vst v21  }
0x2b: {  	v21 =	vld.idx.msk [tilespmem:v13+s4+$0x0], $0xffff;
	_ =	sdelay $0x4  }
0x2c: {  	[tilespmem:$0x8C0] =	vst v21  }
0x2d: {  	v21 =	vld.idx.msk [tilespmem:v14+s4+$0x0], $0xffff;
	_ =	sdelay $0x4  }
0x2e: {  	[tilespmem:$0x900] =	vst v21  }
0x2f: {  	v21 =	vld.idx.msk [tilespmem:v15+s4+$0x0], $0xffff;
	_ =	sdelay $0x4  }
0x30: {  	[tilespmem:$0x910] =	vst v21  }
0x31: {  	v21 =	vld.idx.msk [tilespmem:v16+s4+$0x0], $0xffff;
	_ =	sdelay $0x3  }
0x32: {  	s2 =	simm.s32 $0x30  }
0x33: {  	s3 =	simm.s32 $0x900;
	s26 =	simm.s32 $0xD980;
	s0 =	rddreg [dreg:$0x1];
	[tilespmem:$0x920] =	vst v21  }
0x34: {  	[tilespmem:s26], [sflag:$0x3] =	stream.indirect.gather [hbm4b:s0+s2], $0x80, s3, s2, $0xb8;
	[tilespmem:$0x10480] =	vst v63  }
0x35: {  	v21 =	vld [tilespmem:$0x800];
	_ =	sdelay $0x4  }
0x36: {  	v22 =	vshll.u32 v21, $0x1  }
0x37: {  	v21 =	vand.u32 $0x7, v21;
	v22 =	vand.u32 $0xFFFFFFF0, v22  }
0x38: {  	v21 =	vor.u32 v21, v22  }
0x39: {  	v22 =	vperm.xlane v21, v17;
	_ =	sdelay $0x1  }
0x3a: {  	v21 =	vperm.xlane v21, v19;
	v22 =	vadd.s32 v18, v22;
	_ =	sdelay $0x1  }
0x3b: {  	v21 =	vadd.s32 v18, v21;
	_ =	sdelay $0x1  }
0x3c: {  	s29 =	simm.s32 $0x980  }
0x3d: {  	[tilespmem:s29], [sflag:$0x4] =	stream.indirect_vreg.gather [hbm4b:s1+s4], $0x80, v22, vm0, $0xb8;
	[tilespmem:$0x10480] =	vst v63  }
0x3e: {  	s30 =	simm.s32 $0x1180  }
0x3f: {  	[tilespmem:s30], [sflag:$0x4] =	stream.indirect_vreg.gather [hbm4b:s1+s4], $0x80, v21, vm0, $0xb8;
	[tilespmem:$0x10480] =	vst v63  }
0x40: {  	v21 =	vld [tilespmem:$0x810];
	_ =	sdelay $0x4  }
0x41: {  	v22 =	vshll.u32 v21, $0x1  }
0x42: {  	v21 =	vand.u32 $0x7, v21;
	v22 =	vand.u32 $0xFFFFFFF0, v22  }
0x43: {  	v21 =	vor.u32 v21, v22  }
0x44: {  	v22 =	vperm.xlane v21, v17;
	_ =	sdelay $0x1  }
0x45: {  	v21 =	vperm.xlane v21, v19;
	v22 =	vadd.s32 v18, v22;
	_ =	sdelay $0x1  }
0x46: {  	v21 =	vadd.s32 v18, v21;
	_ =	sdelay $0x1  }
0x47: {  	s31 =	simm.s32 $0x1980  }
0x48: {  	[tilespmem:s31], [sflag:$0x4] =	stream.indirect_vreg.gather [hbm4b:s1+s4], $0x80, v22, vm0, $0xb8;
	[tilespmem:$0x10480] =	vst v63  }
0x49: {  	s2 =	simm.s32 $0x2180  }
0x4a: {  	[tilespmem:s2], [sflag:$0x4] =	stream.indirect_vreg.gather [hbm4b:s1+s4], $0x80, v21, vm0, $0xb8;
	[tilespmem:$0x10480] =	vst v63  }
0x4b: {  	v21 =	vld [tilespmem:$0x820];
	_ =	sdelay $0x4  }
0x4c: {  	v22 =	vshll.u32 v21, $0x1  }
0x4d: {  	v21 =	vand.u32 $0x7, v21;
	v22 =	vand.u32 $0xFFFFFFF0, v22  }
0x4e: {  	v21 =	vor.u32 v21, v22  }
0x4f: {  	v22 =	vperm.xlane v21, v17;
	_ =	sdelay $0x1  }
0x50: {  	v21 =	vperm.xlane v21, v19;
	v22 =	vadd.s32 v18, v22;
	_ =	sdelay $0x1  }
0x51: {  	v21 =	vadd.s32 v18, v21;
	_ =	sdelay $0x1  }
0x52: {  	s3 =	simm.s32 $0x2980  }
0x53: {  	[tilespmem:s3], [sflag:$0x5] =	stream.indirect_vreg.gather [hbm4b:s1+s4], $0x80, v22, vm0, $0xb8;
	[tilespmem:$0x10480] =	vst v63  }
0x54: {  	s26 =	simm.s32 $0x3180  }
0x55: {  	[tilespmem:s26], [sflag:$0x5] =	stream.indirect_vreg.gather [hbm4b:s1+s4], $0x80, v21, vm0, $0xb8;
	[tilespmem:$0x10480] =	vst v63  }
0x56: {  	v21 =	vld [tilespmem:$0x830];
	_ =	sdelay $0x4  }
0x57: {  	v22 =	vshll.u32 v21, $0x1  }
0x58: {  	v21 =	vand.u32 $0x7, v21;
	v22 =	vand.u32 $0xFFFFFFF0, v22  }
0x59: {  	v21 =	vor.u32 v21, v22  }
0x5a: {  	v22 =	vperm.xlane v21, v17;
	_ =	sdelay $0x1  }
0x5b: {  	v21 =	vperm.xlane v21, v19;
	v22 =	vadd.s32 v18, v22;
	_ =	sdelay $0x1  }
0x5c: {  	v21 =	vadd.s32 v18, v21;
	_ =	sdelay $0x1  }
0x5d: {  	s28 =	simm.s32 $0x3980  }
0x5e: {  	[tilespmem:s28], [sflag:$0x5] =	stream.indirect_vreg.gather [hbm4b:s1+s4], $0x80, v22, vm0, $0xb8;
	[tilespmem:$0x10480] =	vst v63  }
0x5f: {  	s29 =	simm.s32 $0x4180  }
0x60: {  	[tilespmem:s29], [sflag:$0x5] =	stream.indirect_vreg.gather [hbm4b:s1+s4], $0x80, v21, vm0, $0xb8;
	[tilespmem:$0x10480] =	vst v63  }
0x61: {  	v21 =	vld [tilespmem:$0x840];
	_ =	sdelay $0x4  }
0x62: {  	v22 =	vshll.u32 v21, $0x1  }
0x63: {  	v21 =	vand.u32 $0x7, v21;
	v22 =	vand.u32 $0xFFFFFFF0, v22  }
0x64: {  	v21 =	vor.u32 v21, v22  }
0x65: {  	v22 =	vperm.xlane v21, v17;
	_ =	sdelay $0x1  }
0x66: {  	v21 =	vperm.xlane v21, v19;
	v22 =	vadd.s32 v18, v22;
	_ =	sdelay $0x1  }
0x67: {  	v21 =	vadd.s32 v18, v21;
	_ =	sdelay $0x1  }
0x68: {  	s30 =	simm.s32 $0x4980  }
0x69: {  	[tilespmem:s30], [sflag:$0x6] =	stream.indirect_vreg.gather [hbm4b:s1+s4], $0x80, v22, vm0, $0xb8;
	[tilespmem:$0x10480] =	vst v63  }
0x6a: {  	s31 =	simm.s32 $0x5180  }
0x6b: {  	[tilespmem:s31], [sflag:$0x6] =	stream.indirect_vreg.gather [hbm4b:s1+s4], $0x80, v21, vm0, $0xb8;
	[tilespmem:$0x10480] =	vst v63  }
0x6c: {  	v21 =	vld [tilespmem:$0x850];
	_ =	sdelay $0x4  }
0x6d: {  	v22 =	vshll.u32 v21, $0x1  }
0x6e: {  	v21 =	vand.u32 $0x7, v21;
	v22 =	vand.u32 $0xFFFFFFF0, v22  }
0x6f: {  	v21 =	vor.u32 v21, v22  }
0x70: {  	v22 =	vperm.xlane v21, v17;
	_ =	sdelay $0x1  }
0x71: {  	v21 =	vperm.xlane v21, v19;
	v22 =	vadd.s32 v18, v22;
	_ =	sdelay $0x1  }
0x72: {  	v21 =	vadd.s32 v18, v21;
	_ =	sdelay $0x1  }
0x73: {  	s2 =	simm.s32 $0x5980  }
0x74: {  	[tilespmem:s2], [sflag:$0x6] =	stream.indirect_vreg.gather [hbm4b:s1+s4], $0x80, v22, vm0, $0xb8;
	[tilespmem:$0x10480] =	vst v63  }
0x75: {  	s3 =	simm.s32 $0x6180  }
0x76: {  	[tilespmem:s3], [sflag:$0x6] =	stream.indirect_vreg.gather [hbm4b:s1+s4], $0x80, v21, vm0, $0xb8;
	[tilespmem:$0x10480] =	vst v63  }
0x77: {  	v21 =	vld [tilespmem:$0x860];
	_ =	sdelay $0x4  }
0x78: {  	v22 =	vshll.u32 v21, $0x1  }
0x79: {  	v21 =	vand.u32 $0x7, v21;
	v22 =	vand.u32 $0xFFFFFFF0, v22  }
0x7a: {  	v21 =	vor.u32 v21, v22  }
0x7b: {  	v22 =	vperm.xlane v21, v17;
	_ =	sdelay $0x1  }
0x7c: {  	v21 =	vperm.xlane v21, v19;
	v22 =	vadd.s32 v18, v22;
	_ =	sdelay $0x1  }
0x7d: {  	v21 =	vadd.s32 v18, v21;
	_ =	sdelay $0x1  }
0x7e: {  	s26 =	simm.s32 $0x6980  }
0x7f: {  	[tilespmem:s26], [sflag:$0x7] =	stream.indirect_vreg.gather [hbm4b:s1+s4], $0x80, v22, vm0, $0xb8;
	[tilespmem:$0x10480] =	vst v63  }
0x80: {  	s28 =	simm.s32 $0x7180  }
0x81: {  	[tilespmem:s28], [sflag:$0x7] =	stream.indirect_vreg.gather [hbm4b:s1+s4], $0x80, v21, vm0, $0xb8;
	[tilespmem:$0x10480] =	vst v63  }
0x82: {  	v21 =	vld [tilespmem:$0x870];
	_ =	sdelay $0x4  }
0x83: {  	v22 =	vshll.u32 v21, $0x1  }
0x84: {  	v21 =	vand.u32 $0x7, v21;
	v22 =	vand.u32 $0xFFFFFFF0, v22  }
0x85: {  	v21 =	vor.u32 v21, v22  }
0x86: {  	v22 =	vperm.xlane v21, v17;
	_ =	sdelay $0x1  }
0x87: {  	v21 =	vperm.xlane v21, v19;
	v22 =	vadd.s32 v18, v22;
	_ =	sdelay $0x1  }
0x88: {  	v21 =	vadd.s32 v18, v21;
	_ =	sdelay $0x1  }
0x89: {  	s29 =	simm.s32 $0x7980  }
0x8a: {  	[tilespmem:s29], [sflag:$0x7] =	stream.indirect_vreg.gather [hbm4b:s1+s4], $0x80, v22, vm0, $0xb8;
	[tilespmem:$0x10480] =	vst v63  }
0x8b: {  	s30 =	simm.s32 $0x8180  }
0x8c: {  	[tilespmem:s30], [sflag:$0x7] =	stream.indirect_vreg.gather [hbm4b:s1+s4], $0x80, v21, vm0, $0xb8;
	[tilespmem:$0x10480] =	vst v63  }
0x8d: {  	v21 =	vld [tilespmem:$0x880];
	_ =	sdelay $0x4  }
0x8e: {  	v22 =	vshll.u32 v21, $0x1  }
0x8f: {  	v21 =	vand.u32 $0x7, v21;
	v22 =	vand.u32 $0xFFFFFFF0, v22  }
0x90: {  	v21 =	vor.u32 v21, v22  }
0x91: {  	v22 =	vperm.xlane v21, v17;
	_ =	sdelay $0x1  }
0x92: {  	v21 =	vperm.xlane v21, v19;
	v22 =	vadd.s32 v18, v22;
	_ =	sdelay $0x1  }
0x93: {  	v21 =	vadd.s32 v18, v21;
	_ =	sdelay $0x1  }
0x94: {  	s31 =	simm.s32 $0x8980  }
0x95: {  	[tilespmem:s31], [sflag:$0x8] =	stream.indirect_vreg.gather [hbm4b:s1+s4], $0x80, v22, vm0, $0xb8;
	[tilespmem:$0x10480] =	vst v63  }
0x96: {  	s2 =	simm.s32 $0x9180  }
0x97: {  	[tilespmem:s2], [sflag:$0x8] =	stream.indirect_vreg.gather [hbm4b:s1+s4], $0x80, v21, vm0, $0xb8;
	[tilespmem:$0x10480] =	vst v63  }
0x98: {  	v21 =	vld [tilespmem:$0x890];
	_ =	sdelay $0x4  }
0x99: {  	v22 =	vshll.u32 v21, $0x1  }
0x9a: {  	v21 =	vand.u32 $0x7, v21;
	v22 =	vand.u32 $0xFFFFFFF0, v22  }
0x9b: {  	v21 =	vor.u32 v21, v22  }
0x9c: {  	v22 =	vperm.xlane v21, v17;
	_ =	sdelay $0x1  }
0x9d: {  	v21 =	vperm.xlane v21, v19;
	v22 =	vadd.s32 v18, v22;
	_ =	sdelay $0x1  }
0x9e: {  	v21 =	vadd.s32 v18, v21;
	_ =	sdelay $0x1  }
0x9f: {  	s3 =	simm.s32 $0x9980  }
0xa0: {  	[tilespmem:s3], [sflag:$0x8] =	stream.indirect_vreg.gather [hbm4b:s1+s4], $0x80, v22, vm0, $0xb8;
	[tilespmem:$0x10480] =	vst v63  }
0xa1: {  	s26 =	simm.s32 $0xA180  }
0xa2: {  	[tilespmem:s26], [sflag:$0x8] =	stream.indirect_vreg.gather [hbm4b:s1+s4], $0x80, v21, vm0, $0xb8;
	[tilespmem:$0x10480] =	vst v63  }
0xa3: {  	v21 =	vld [tilespmem:$0x8A0];
	_ =	sdelay $0x4  }
0xa4: {  	v22 =	vshll.u32 v21, $0x1  }
0xa5: {  	v21 =	vand.u32 $0x7, v21;
	v22 =	vand.u32 $0xFFFFFFF0, v22  }
0xa6: {  	v21 =	vor.u32 v21, v22  }
0xa7: {  	v22 =	vperm.xlane v21, v17;
	_ =	sdelay $0x1  }
0xa8: {  	v21 =	vperm.xlane v21, v19;
	v22 =	vadd.s32 v18, v22;
	_ =	sdelay $0x1  }
0xa9: {  	v21 =	vadd.s32 v18, v21;
	_ =	sdelay $0x1  }
0xaa: {  	s28 =	simm.s32 $0xA980  }
0xab: {  	[tilespmem:s28], [sflag:$0x9] =	stream.indirect_vreg.gather [hbm4b:s1+s4], $0x80, v22, vm0, $0xb8;
	[tilespmem:$0x10480] =	vst v63  }
0xac: {  	s29 =	simm.s32 $0xB180  }
0xad: {  	[tilespmem:s29], [sflag:$0x9] =	stream.indirect_vreg.gather [hbm4b:s1+s4], $0x80, v21, vm0, $0xb8;
	[tilespmem:$0x10480] =	vst v63  }
0xae: {  	v21 =	vld [tilespmem:$0x8B0];
	_ =	sdelay $0x4  }
0xaf: {  	v22 =	vshll.u32 v21, $0x1  }
0xb0: {  	v21 =	vand.u32 $0x7, v21;
	v22 =	vand.u32 $0xFFFFFFF0, v22  }
0xb1: {  	v21 =	vor.u32 v21, v22  }
0xb2: {  	v22 =	vperm.xlane v21, v17;
	_ =	sdelay $0x1  }
0xb3: {  	v21 =	vperm.xlane v21, v19;
	v22 =	vadd.s32 v18, v22;
	_ =	sdelay $0x1  }
0xb4: {  	v21 =	vadd.s32 v18, v21;
	_ =	sdelay $0x2  }
0xb5: {  	[tilespmem:s9], [sflag:$0x9] =	stream.indirect_vreg.gather [hbm4b:s1+s4], $0x80, v22, vm0, $0xb8;
	[tilespmem:$0x10480] =	vst v63  }
0xb6: {  	_ = 	snop  }
0xb7: {  	[tilespmem:s10], [sflag:$0x9] =	stream.indirect_vreg.gather [hbm4b:s1+s4], $0x80, v21, vm0, $0xb8;
	[tilespmem:$0x10480] =	vst v63  }
0xb8: {  	v21 =	vld [tilespmem:$0x8C0];
	_ =	sdelay $0x4  }
0xb9: {  	v22 =	vshll.u32 v21, $0x1  }
0xba: {  	v21 =	vand.u32 $0x7, v21;
	v22 =	vand.u32 $0xFFFFFFF0, v22  }
0xbb: {  	v21 =	vor.u32 v21, v22  }
0xbc: {  	v22 =	vperm.xlane v21, v17;
	_ =	sdelay $0x1  }
0xbd: {  	v21 =	vperm.xlane v21, v19;
	v22 =	vadd.s32 v18, v22;
	_ =	sdelay $0x1  }
0xbe: {  	v21 =	vadd.s32 v18, v21;
	_ =	sdelay $0x2  }
0xbf: {  	[tilespmem:s11], [sflag:$0x9] =	stream.indirect_vreg.gather [hbm4b:s1+s4], $0x80, v22, vm0, $0xb8;
	[tilespmem:$0x10480] =	vst v63  }
0xc0: {  	_ = 	snop  }
0xc1: {  	[tilespmem:s12], [sflag:$0x9] =	stream.indirect_vreg.gather [hbm4b:s1+s4], $0x80, v21, vm0, $0xb8;
	[tilespmem:$0x10480] =	vst v63  }
0xc2: {  	_ =	swait.ge [sflag:s13], $0x1800  }
0xc3: {  	[sflag:s13] =	ssyncset.done $0x0  }
0xc4: {  	[sflag:s13] =	ssyncadd.s32 $0xFFFFE800  }
0xc5: {  	_ =	swait.ge [sflag:s14], $0x2000  }
0xc6: {  	s30 =	sand.u32 $0x800, s4;
	s31 =	sand.u32 $0x380, s4;
	[sflag:s14] =	ssyncset.done $0x0  }
0xc7: {  	s26 =	sor.u32 s31, s30;
	[sflag:s14] =	ssyncadd.s32 $0xFFFFE000  }
0xc8: {  	v24 =	vld [tilespmem:s26+$0x19D0]  }
0xc9: {  	v26 =	vld [tilespmem:s26+$0xDD0]  }
0xca: {  	v27 =	vld [tilespmem:s26+$0xDC0]  }
0xcb: {  	v21 =	vld [tilespmem:s26+$0x1D80]  }
0xcc: {  	v29 =	vld [tilespmem:s26+$0x9C0]  }
0xcd: {  	v22 =	vld [tilespmem:s26+$0xDB0]  }
0xce: {  	v30 =	vld [tilespmem:s26+$0x19C0]  }
0xcf: {  	v23 =	vld [tilespmem:s26+$0x1D90]  }
0xd0: {  	v31 =	vld [tilespmem:s26+$0x1DA0]  }
0xd1: {  	v32 =	vld [tilespmem:s26+$0xD90]  }
0xd2: {  	v33 =	vld [tilespmem:s26+$0xDA0]  }
0xd3: {  	v34 =	vld [tilespmem:s26+$0x19B0]  }
0xd4: {  	v35 =	vld [tilespmem:s26+$0xD80]  }
0xd5: {  	v36 =	vld [tilespmem:s26+$0x19A0]  }
0xd6: {  	v37 =	vld [tilespmem:s26+$0x9A0]  }
0xd7: {  	v38 =	vld [tilespmem:s26+$0x1990]  }
0xd8: {  	v39 =	vld [tilespmem:s26+$0x990]  }
0xd9: {  	v40 =	vld [tilespmem:s26+$0x1980]  }
0xda: {  	v57 =	vld [tilespmem:s26+$0x980]  }
0xdb: {  	v58 =	vld [tilespmem:s26+$0x9B0]  }
0xdc: {  	v25 =	vld [tilespmem:s26+$0x1DC0];
	v41 =	vand.u32 $0x7FFFFFFF, v23;
	v23 =	vand.u32 $0x7FFFFFFF, v35;
	v33 =	vand.u32 $0x7FFFFFFF, v33  }
0xdd: {  	v28 =	vld [tilespmem:s26+$0x9D0];
	v22 =	vand.u32 $0x7FFFFFFF, v22;
	v36 =	vsub.f32 v37, v36;
	v29 =	vsub.f32 v29, v30  }
0xde: {  	v43 =	vld [tilespmem:s26+$0x1DB0];
	v21 =	vand.u32 $0x7FFFFFFF, v21;
	v42 =	vand.u32 $0x7FFFFFFF, v32;
	v44 =	vand.u32 $0x7FFFFFFF, v26  }
0xdf: {  	v30 =	vsub.f32 v39, v38;
	v26 =	vld [tilespmem:s26+$0x19E0];
	v31 =	vand.u32 $0x7FFFFFFF, v31;
	v60 =	vand.u32 $0x7FFFFFFF, v27  }
0xe0: {  	v27 =	vld [tilespmem:s26+$0x1DD0];
	v35 =	vsub.f32 v57, v40;
	v34 =	vsub.f32 v58, v34;
	v29 =	vand.u32 $0x7FFFFFFF, v29  }
0xe1: {  	v32 =	vld [tilespmem:s26+$0x9E0];
	v62 =	vand.u32 $0x7FFFFFFF, v25;
	v59 =	vand.u32 $0x7FFFFFFF, v36;
	v29 =	vadd.f32 v60, v29  }
0xe2: {  	v24 =	vsub.f32 v28, v24;
	v61 =	vand.u32 $0x7FFFFFFF, v30;
	v30 =	vld [tilespmem:s26+$0xDE0];
	v33 =	vadd.f32 v33, v59  }
0xe3: {  	v25 =	vand.u32 $0x7FFFFFFF, v43;
	v63 =	vadd.f32 v42, v61;
	v37 =	vsub.f32 v29, v62;
	v29 =	vld [tilespmem:s26+$0x9F0]  }
0xe4: {  	v36 =	vand.u32 $0x7FFFFFFF, v35;
	v24 =	vand.u32 $0x7FFFFFFF, v24;
	v28 =	vsub.f32 v33, v31;
	v31 =	vld [tilespmem:s26+$0x19F0]  }
0xe5: {  	s0 =	simm.s32 $0x80;
	s2 =	simm.s32 $0x100;
	v33 =	vsub.f32 v63, v41;
	v35 =	vmax.f32 v37, $0.0e+00;
	v37 =	vadd.f32 v44, v24;
	v24 =	vld [tilespmem:s26+$0xDF0]  }
.LBB2_2:
0xe6: {  	s28 =	smov.u32 s2  }
0xe7: {  	s3 =	sand.u32 $0x800, s2;
	s29 =	sand.u32 $0x380, s0;
	v34 =	vand.u32 $0x7FFFFFFF, v34;
	v35 =	vmul.f32 v35, v35;
	v38 =	vld [tilespmem:s26+$0x1DE0];
	v26 =	vsub.f32 v32, v26;
	s28 =	sadd.s32 $0x100, s2  }
0xe8: {  	p0 =	sne.s32 s2, $0xF00;
	v23 =	vadd.f32 v23, v36;
	v27 =	vand.u32 $0x7FFFFFFF, v27;
	s3 =	sor.u32 s29, s3;
	v30 =	vand.u32 $0x7FFFFFFF, v30;
	v32 =	vld [tilespmem:s26+$0x1DF0]  }
0xe9: {  	v22 =	vadd.f32 v22, v34;
	v27 =	vsub.f32 v37, v27;
	v26 =	vand.u32 $0x7FFFFFFF, v26;
	v36 =	vld [tilespmem:s3+$0x19D0]  }
0xea: {  	v21 =	vsub.f32 v23, v21;
	v23 =	vmax.f32 v33, $0.0e+00;
	v29 =	vsub.f32 v29, v31;
	v37 =	vld [tilespmem:s3+$0x1DC0]  }
0xeb: {  	v22 =	vsub.f32 v22, v25;
	v25 =	vmax.f32 v27, $0.0e+00;
	v26 =	vadd.f32 v30, v26;
	v31 =	vld [tilespmem:s3+$0xDD0]  }
0xec: {  	v27 =	vmax.f32 v28, $0.0e+00;
	v25 =	vmul.f32 v25, v25;
	v28 =	vand.u32 $0x7FFFFFFF, v38;
	v30 =	vld [tilespmem:s3+$0x9D0]  }
0xed: {  	v23 =	vmul.f32 v23, v23;
	v21 =	vmax.f32 v21, $0.0e+00;
	v29 =	vand.u32 $0x7FFFFFFF, v29;
	v33 =	vld [tilespmem:s3+$0xDC0]  }
0xee: {  	v27 =	vmul.f32 v27, v27;
	v24 =	vand.u32 $0x7FFFFFFF, v24;
	v26 =	vsub.f32 v26, v28;
	v34 =	vld [tilespmem:s3+$0x1D80]  }
0xef: {  	v21 =	vmul.f32 v21, v21;
	v22 =	vmax.f32 v22, $0.0e+00;
	v24 =	vadd.f32 v24, v29;
	v28 =	vld [tilespmem:s3+$0x9C0]  }
0xf0: {  	v22 =	vmul.f32 v22, v22;
	v32 =	vand.u32 $0x7FFFFFFF, v32;
	v26 =	vmax.f32 v26, $0.0e+00;
	v29 =	vld [tilespmem:s3+$0xDB0]  }
0xf1: {  	v21 =	vadd.f32 v27, v21;
	v24 =	vsub.f32 v24, v32;
	v38 =	vld [tilespmem:s3+$0x19C0]  }
0xf2: {  	v22 =	vadd.f32 v22, v23;
	v23 =	vmul.f32 v26, v26;
	v27 =	vld [tilespmem:s3+$0x1D90]  }
0xf3: {  	v21 =	vadd.f32 v35, v21;
	v24 =	vmax.f32 v24, $0.0e+00;
	v32 =	vld [tilespmem:s3+$0x1DA0]  }
0xf4: {  	v22 =	vadd.f32 v25, v22;
	v24 =	vmul.f32 v24, v24;
	v26 =	vld [tilespmem:s3+$0xD90]  }
0xf5: {  	v21 =	vadd.f32 v23, v21;
	v25 =	vld [tilespmem:s3+$0xDA0]  }
0xf6: {  	v22 =	vadd.f32 v24, v22;
	v35 =	vld [tilespmem:s3+$0x19B0]  }
0xf7: {  	v23 =	vld [tilespmem:s3+$0xD80]  }
0xf8: {  	v21 =	vadd.f32 v22, v21;
	v24 =	vld [tilespmem:s3+$0x19A0]  }
0xf9: {  	v39 =	vld [tilespmem:s3+$0x9A0]  }
0xfa: {  	v41 =	vand.u32 $0x7FFFFFFF, v27;
	v40 =	vld [tilespmem:s3+$0x1990];
	[tilespmem:s26+$0xF180] =	vst v21;
	s26 =	smov.u32 s3  }
0xfb: {  	v27 =	vld [tilespmem:s26+$0x990]  }
0xfc: {  	v22 =	vand.u32 $0x7FFFFFFF, v29;
	v25 =	vand.u32 $0x7FFFFFFF, v25;
	v42 =	vld [tilespmem:s26+$0x1980];
	v23 =	vand.u32 $0x7FFFFFFF, v23  }
0xfd: {  	v21 =	vand.u32 $0x7FFFFFFF, v34;
	v29 =	vld [tilespmem:s26+$0x980]  }
0xfe: {  	v43 =	vand.u32 $0x7FFFFFFF, v26;
	v26 =	vsub.f32 v28, v38;
	v24 =	vsub.f32 v39, v24;
	v34 =	vld [tilespmem:s26+$0x9B0]  }
0xff: {  	v38 =	vand.u32 $0x7FFFFFFF, v31;
	v28 =	vld [tilespmem:s26+$0x1DB0]  }
0x100: {  	v39 =	vand.u32 $0x7FFFFFFF, v26;
	v31 =	vsub.f32 v27, v40;
	v24 =	vand.u32 $0x7FFFFFFF, v24;
	v26 =	vld [tilespmem:s26+$0x19E0]  }
0x101: {  	v40 =	vand.u32 $0x7FFFFFFF, v32;
	v24 =	vadd.f32 v25, v24;
	v25 =	vand.u32 $0x7FFFFFFF, v33;
	v27 =	vld [tilespmem:s26+$0x1DD0]  }
.Ltmp0:
0x102: {  	v33 =	vsub.f32 v29, v42;
	v29 =	vand.u32 $0x7FFFFFFF, v31;
	v31 =	vadd.f32 v25, v39;
	v32 =	vld [tilespmem:s26+$0x9E0];
	(pc) =	sbr.rel @p0 .LBB2_2-.Ltmp0, $4  }
0x103: {  	v34 =	vsub.f32 v34, v35;
	v35 =	vand.u32 $0x7FFFFFFF, v37;
	v37 =	vsub.f32 v30, v36;
	v30 =	vld [tilespmem:s26+$0xDE0]  }
0x104: {  	v39 =	vadd.f32 v43, v29;
	v25 =	vand.u32 $0x7FFFFFFF, v28;
	v35 =	vsub.f32 v31, v35;
	v29 =	vld [tilespmem:s26+$0x9F0]  }
0x105: {  	v36 =	vand.u32 $0x7FFFFFFF, v33;
	v28 =	vsub.f32 v24, v40;
	v24 =	vand.u32 $0x7FFFFFFF, v37;
	v31 =	vld [tilespmem:s26+$0x19F0]  }
0x106: {  	s0 =	sadd.s32 $0x80, s0;
	s2 =	smov.u32 s28;
	v33 =	vsub.f32 v39, v41;
	v35 =	vmax.f32 v35, $0.0e+00;
	v37 =	vadd.f32 v38, v24;
	v24 =	vld [tilespmem:s26+$0xDF0]  }
0x107: {  	v34 =	vand.u32 $0x7FFFFFFF, v34;
	v26 =	vsub.f32 v32, v26;
	v23 =	vadd.f32 v23, v36  }
0x108: {  	v38 =	vld [tilespmem:s26+$0x1DE0];
	v27 =	vand.u32 $0x7FFFFFFF, v27;
	v30 =	vand.u32 $0x7FFFFFFF, v30;
	v22 =	vadd.f32 v22, v34  }
0x109: {  	v27 =	vsub.f32 v37, v27;
	v54 =	vmax.f32 v33, $0.0e+00;
	v21 =	vsub.f32 v23, v21  }
0x10a: {  	v26 =	vand.u32 $0x7FFFFFFF, v26;
	v23 =	vld [tilespmem:s26+$0x1DF0];
	v29 =	vsub.f32 v29, v31;
	v22 =	vsub.f32 v22, v25  }
0x10b: {  	v25 =	vmax.f32 v27, $0.0e+00;
	v26 =	vadd.f32 v30, v26;
	v27 =	vmax.f32 v28, $0.0e+00  }
0x10c: {  	v30 =	vmul.f32 v54, v54;
	v21 =	vmax.f32 v21, $0.0e+00;
	v27 =	vmul.f32 v27, v27  }
0x10d: {  	v24 =	vand.u32 $0x7FFFFFFF, v24;
	v28 =	vand.u32 $0x7FFFFFFF, v38;
	v29 =	vand.u32 $0x7FFFFFFF, v29  }
0x10e: {  	v22 =	vmax.f32 v22, $0.0e+00;
	v21 =	vmul.f32 v21, v21;
	v24 =	vadd.f32 v24, v29  }
0x10f: {  	v26 =	vsub.f32 v26, v28;
	v22 =	vmul.f32 v22, v22;
	v23 =	vand.u32 $0x7FFFFFFF, v23  }
0x110: {  	v25 =	vmul.f32 v25, v25;
	v28 =	vmul.f32 v35, v35;
	v23 =	vsub.f32 v24, v23  }
0x111: {  	v21 =	vadd.f32 v27, v21;
	v24 =	vmax.f32 v26, $0.0e+00;
	v22 =	vadd.f32 v22, v30  }
0x112: {  	v24 =	vmul.f32 v24, v24;
	v23 =	vmax.f32 v23, $0.0e+00  }
0x113: {  	v21 =	vadd.f32 v28, v21;
	v22 =	vadd.f32 v25, v22;
	v23 =	vmul.f32 v23, v23;
	_ =	sdelay $0x1  }
0x114: {  	v21 =	vadd.f32 v24, v21;
	v22 =	vadd.f32 v23, v22;
	_ =	sdelay $0x1  }
0x115: {  	v21 =	vadd.f32 v22, v21;
	_ =	sdelay $0x1  }
0x116: {  	[tilespmem:s26+$0xF180] =	vst v21  }
0x117: {  	s0 =	simm.s32 $0x0;
	_ =	swait.ge [sflag:s15], $0x2000  }
0x118: {  	s2 =	sand.u32 $0x800, s0;
	s0 =	sand.u32 $0x380, s0;
	[sflag:s15] =	ssyncset.done $0x0  }
0x119: {  	s26 =	sor.u32 s0, s2;
	[sflag:s15] =	ssyncadd.s32 $0xFFFFE000  }
0x11a: {  	v23 =	vld [tilespmem:s26+$0x3DF0]  }
0x11b: {  	v55 =	vld [tilespmem:s26+$0x29F0]  }
0x11c: {  	v25 =	vld [tilespmem:s26+$0x3DD0]  }
0x11d: {  	v28 =	vld [tilespmem:s26+$0x29D0]  }
0x11e: {  	v30 =	vld [tilespmem:s26+$0x39D0]  }
0x11f: {  	v41 =	vld [tilespmem:s26+$0x39F0]  }
0x120: {  	v56 =	vld [tilespmem:s26+$0x2DD0]  }
0x121: {  	v21 =	vld [tilespmem:s26+$0x2DC0]  }
0x122: {  	v24 =	vld [tilespmem:s26+$0x3DC0]  }
0x123: {  	v26 =	vld [tilespmem:s26+$0x29C0]  }
0x124: {  	v27 =	vld [tilespmem:s26+$0x39C0]  }
0x125: {  	v29 =	vld [tilespmem:s26+$0x3D80]  }
0x126: {  	v58 =	vld [tilespmem:s26+$0x3980]  }
0x127: {  	v59 =	vld [tilespmem:s26+$0x3D90]  }
0x128: {  	v61 =	vld [tilespmem:s26+$0x3990]  }
0x129: {  	v40 =	vld [tilespmem:s26+$0x39B0]  }
0x12a: {  	v39 =	vld [tilespmem:s26+$0x2990]  }
0x12b: {  	v43 =	vld [tilespmem:s26+$0x2DB0]  }
0x12c: {  	v44 =	vld [tilespmem:s26+$0x2980]  }
0x12d: {  	v45 =	vld [tilespmem:s26+$0x29B0]  }
0x12e: {  	v31 =	vld [tilespmem:s26+$0x2D80]  }
0x12f: {  	v60 =	vld [tilespmem:s26+$0x2D90];
	v24 =	vand.u32 $0x7FFFFFFF, v24  }
0x130: {  	v57 =	vld [tilespmem:s26+$0x2DA0];
	v21 =	vand.u32 $0x7FFFFFFF, v21;
	v26 =	vsub.f32 v26, v27;
	v27 =	vand.u32 $0x7FFFFFFF, v59  }
0x131: {  	v22 =	vld [tilespmem:s26+$0x29A0];
	v62 =	vand.u32 $0x7FFFFFFF, v29;
	v63 =	vsub.f32 v39, v61;
	v37 =	vsub.f32 v28, v30  }
0x132: {  	v42 =	vld [tilespmem:s26+$0x3DB0];
	v35 =	vsub.f32 v44, v58;
	v30 =	vand.u32 $0x7FFFFFFF, v43;
	v28 =	vsub.f32 v45, v40  }
0x133: {  	v34 =	vld [tilespmem:s26+$0x2DF0];
	v39 =	vand.u32 $0x7FFFFFFF, v25;
	v38 =	vsub.f32 v55, v41;
	v21 =	vadd.f32 v24, v21  }
0x134: {  	v32 =	vld [tilespmem:s26+$0x3DA0];
	v24 =	vand.u32 $0x7FFFFFFF, v31;
	v31 =	vand.u32 $0x7FFFFFFF, v60;
	v26 =	vand.u32 $0x7FFFFFFF, v26  }
0x135: {  	v40 =	vand.u32 $0x7FFFFFFF, v56;
	v29 =	vadd.f32 v27, v31;
	v31 =	vld [tilespmem:s26+$0x39A0];
	v21 =	vsub.f32 v21, v26  }
0x136: {  	v33 =	vld [tilespmem:s26+$0x2DE0];
	v27 =	vand.u32 $0x7FFFFFFF, v23;
	v36 =	vand.u32 $0x7FFFFFFF, v63;
	v23 =	vand.u32 $0x7FFFFFFF, v57  }
0x137: {  	s2 =	simm.s32 $0x100;
	s0 =	simm.s32 $0x80;
	v25 =	vld [tilespmem:s26+$0x29E0];
	v26 =	vadd.f32 v62, v24;
	v24 =	vand.u32 $0x7FFFFFFF, v42;
	v21 =	vmax.f32 v21, $0.0e+00  }
.LBB2_4:
0x138: {  	s28 =	smov.u32 s2  }
0x139: {  	s3 =	sand.u32 $0x800, s2;
	s29 =	sand.u32 $0x380, s0;
	v39 =	vadd.f32 v39, v40;
	v37 =	vand.u32 $0x7FFFFFFF, v37;
	v40 =	vld [tilespmem:s26+$0x3DE0];
	v34 =	vand.u32 $0x7FFFFFFF, v34;
	s28 =	sadd.s32 $0x100, s2  }
0x13a: {  	p0 =	sne.s32 s2, $0xF00;
	v29 =	vsub.f32 v29, v36;
	s3 =	sor.u32 s29, s3;
	v22 =	vsub.f32 v22, v31;
	v36 =	vand.u32 $0x7FFFFFFF, v38;
	v31 =	vld [tilespmem:s26+$0x39E0]  }
0x13b: {  	v35 =	vand.u32 $0x7FFFFFFF, v35;
	v32 =	vand.u32 $0x7FFFFFFF, v32;
	v37 =	vsub.f32 v39, v37;
	v38 =	vld [tilespmem:s3+$0x3DF0]  }
0x13c: {  	v26 =	vsub.f32 v26, v35;
	v29 =	vmax.f32 v29, $0.0e+00;
	v22 =	vand.u32 $0x7FFFFFFF, v22;
	v41 =	vld [tilespmem:s3+$0x29F0]  }
0x13d: {  	v27 =	vadd.f32 v27, v34;
	v35 =	vmax.f32 v37, $0.0e+00;
	v33 =	vand.u32 $0x7FFFFFFF, v33;
	v39 =	vld [tilespmem:s3+$0x3DD0]  }
0x13e: {  	v24 =	vadd.f32 v24, v30;
	v26 =	vmax.f32 v26, $0.0e+00;
	v30 =	vmul.f32 v35, v35;
	v37 =	vld [tilespmem:s3+$0x29D0]  }
0x13f: {  	v29 =	vmul.f32 v29, v29;
	v27 =	vsub.f32 v27, v36;
	v34 =	vand.u32 $0x7FFFFFFF, v40;
	v35 =	vld [tilespmem:s3+$0x39D0]  }
0x140: {  	v28 =	vand.u32 $0x7FFFFFFF, v28;
	v33 =	vadd.f32 v34, v33;
	v25 =	vsub.f32 v25, v31;
	v42 =	vld [tilespmem:s3+$0x39F0]  }
0x141: {  	v23 =	vadd.f32 v32, v23;
	v26 =	vmul.f32 v26, v26;
	v27 =	vmax.f32 v27, $0.0e+00;
	v40 =	vld [tilespmem:s3+$0x2DD0]  }
0x142: {  	v24 =	vsub.f32 v24, v28;
	v25 =	vand.u32 $0x7FFFFFFF, v25;
	v31 =	vld [tilespmem:s3+$0x2DC0]  }
0x143: {  	v22 =	vsub.f32 v23, v22;
	v23 =	vsub.f32 v33, v25;
	v28 =	vld [tilespmem:s3+$0x3DC0]  }
0x144: {  	v21 =	vmul.f32 v21, v21;
	v24 =	vmax.f32 v24, $0.0e+00;
	v25 =	vld [tilespmem:s3+$0x29C0]  }
0x145: {  	v27 =	vmul.f32 v27, v27;
	v22 =	vmax.f32 v22, $0.0e+00;
	v23 =	vmax.f32 v23, $0.0e+00;
	v32 =	vld [tilespmem:s3+$0x39C0]  }
0x146: {  	v24 =	vmul.f32 v24, v24;
	v23 =	vmul.f32 v23, v23;
	v33 =	vld [tilespmem:s3+$0x2DA0]  }
0x147: {  	v36 =	vmul.f32 v22, v22;
	v34 =	vld [tilespmem:s3+$0x3D80]  }
0x148: {  	v24 =	vadd.f32 v24, v29;
	v43 =	vld [tilespmem:s3+$0x2D80]  }
0x149: {  	v26 =	vadd.f32 v36, v26;
	v22 =	vld [tilespmem:s3+$0x29A0]  }
0x14a: {  	v24 =	vadd.f32 v30, v24;
	v44 =	vld [tilespmem:s3+$0x3980]  }
0x14b: {  	v21 =	vadd.f32 v21, v26;
	v29 =	vld [tilespmem:s3+$0x3D90]  }
0x14c: {  	v24 =	vadd.f32 v27, v24;
	v26 =	vld [tilespmem:s3+$0x2D90]  }
0x14d: {  	v21 =	vadd.f32 v23, v21;
	v27 =	vld [tilespmem:s3+$0x3990]  }
0x14e: {  	v45 =	vld [tilespmem:s3+$0x39B0]  }
0x14f: {  	v28 =	vand.u32 $0x7FFFFFFF, v28;
	v21 =	vadd.f32 v24, v21;
	v23 =	vld [tilespmem:s3+$0x2990]  }
0x150: {  	v25 =	vsub.f32 v25, v32;
	v24 =	vand.u32 $0x7FFFFFFF, v29;
	v30 =	vld [tilespmem:s3+$0x3DB0];
	v29 =	vand.u32 $0x7FFFFFFF, v31  }
0x151: {  	v31 =	vand.u32 $0x7FFFFFFF, v43;
	v26 =	vand.u32 $0x7FFFFFFF, v26;
	v43 =	vld [tilespmem:s3+$0x2DB0];
	v28 =	vadd.f32 v28, v29;
	[tilespmem:s26+$0xF190] =	vst v21;
	s26 =	smov.u32 s3  }
0x152: {  	v21 =	vand.u32 $0x7FFFFFFF, v34;
	v46 =	vld [tilespmem:s26+$0x2980];
	v29 =	vadd.f32 v24, v26;
	v24 =	vand.u32 $0x7FFFFFFF, v25  }
0x153: {  	v47 =	vld [tilespmem:s26+$0x29B0];
	v25 =	vsub.f32 v28, v24  }
.Ltmp1:
0x154: {  	v26 =	vadd.f32 v21, v31;
	v23 =	vsub.f32 v23, v27;
	v34 =	vld [tilespmem:s26+$0x2DF0];
	(pc) =	sbr.rel @p0 .LBB2_4-.Ltmp1, $4  }
0x155: {  	v27 =	vand.u32 $0x7FFFFFFF, v38;
	v31 =	vld [tilespmem:s26+$0x39A0];
	v24 =	vand.u32 $0x7FFFFFFF, v30;
	v21 =	vmax.f32 v25, $0.0e+00  }
0x156: {  	v37 =	vsub.f32 v37, v35;
	v36 =	vand.u32 $0x7FFFFFFF, v23;
	v23 =	vand.u32 $0x7FFFFFFF, v33;
	v32 =	vld [tilespmem:s26+$0x3DA0]  }
0x157: {  	v39 =	vand.u32 $0x7FFFFFFF, v39;
	v30 =	vand.u32 $0x7FFFFFFF, v43;
	v35 =	vsub.f32 v46, v44;
	v25 =	vld [tilespmem:s26+$0x29E0]  }
0x158: {  	s0 =	sadd.s32 $0x80, s0;
	s2 =	smov.u32 s28;
	v40 =	vand.u32 $0x7FFFFFFF, v40;
	v38 =	vsub.f32 v41, v42;
	v28 =	vsub.f32 v47, v45;
	v33 =	vld [tilespmem:s26+$0x2DE0]  }
0x159: {  	v39 =	vadd.f32 v39, v40;
	v37 =	vand.u32 $0x7FFFFFFF, v37  }
0x15a: {  	v34 =	vand.u32 $0x7FFFFFFF, v34;
	v29 =	vsub.f32 v29, v36;
	v35 =	vand.u32 $0x7FFFFFFF, v35  }
0x15b: {  	v60 =	vld [tilespmem:s26+$0x39E0];
	v24 =	vadd.f32 v24, v30;
	v22 =	vsub.f32 v22, v31;
	v59 =	vand.u32 $0x7FFFFFFF, v38  }
0x15c: {  	v31 =	vld [tilespmem:s26+$0x3DE0];
	v26 =	vsub.f32 v26, v35;
	v27 =	vadd.f32 v27, v34;
	v28 =	vand.u32 $0x7FFFFFFF, v28  }
0x15d: {  	v37 =	vsub.f32 v39, v37;
	v32 =	vand.u32 $0x7FFFFFFF, v32;
	v29 =	vmax.f32 v29, $0.0e+00  }
0x15e: {  	v24 =	vsub.f32 v24, v28;
	v22 =	vand.u32 $0x7FFFFFFF, v22;
	v23 =	vadd.f32 v32, v23  }
0x15f: {  	v26 =	vmax.f32 v26, $0.0e+00;
	v27 =	vsub.f32 v27, v59;
	v61 =	vmax.f32 v37, $0.0e+00  }
0x160: {  	v33 =	vand.u32 $0x7FFFFFFF, v33;
	v24 =	vmax.f32 v24, $0.0e+00;
	v22 =	vsub.f32 v23, v22  }
0x161: {  	v23 =	vmul.f32 v29, v29;
	v25 =	vsub.f32 v25, v60;
	v30 =	vand.u32 $0x7FFFFFFF, v31  }
0x162: {  	v24 =	vmul.f32 v24, v24;
	v28 =	vadd.f32 v30, v33;
	v22 =	vmax.f32 v22, $0.0e+00  }
0x163: {  	v26 =	vmul.f32 v26, v26;
	v25 =	vand.u32 $0x7FFFFFFF, v25;
	v22 =	vmul.f32 v22, v22  }
0x164: {  	v29 =	vmul.f32 v61, v61;
	v23 =	vadd.f32 v24, v23;
	v25 =	vsub.f32 v28, v25  }
0x165: {  	v21 =	vmul.f32 v21, v21;
	v22 =	vadd.f32 v22, v26  }
0x166: {  	v27 =	vmax.f32 v27, $0.0e+00;
	v23 =	vadd.f32 v29, v23;
	v24 =	vmax.f32 v25, $0.0e+00  }
0x167: {  	v25 =	vmul.f32 v27, v27;
	v24 =	vmul.f32 v24, v24;
	v21 =	vadd.f32 v21, v22;
	_ =	sdelay $0x1  }
0x168: {  	v22 =	vadd.f32 v25, v23;
	v21 =	vadd.f32 v24, v21;
	_ =	sdelay $0x1  }
0x169: {  	v21 =	vadd.f32 v22, v21;
	_ =	sdelay $0x1  }
0x16a: {  	[tilespmem:s26+$0xF190] =	vst v21  }
0x16b: {  	s28 =	simm.s32 $0x0;
	_ =	swait.ge [sflag:s16], $0x2000  }
0x16c: {  	s0 =	sand.u32 $0x800, s28;
	s2 =	sand.u32 $0x380, s28;
	[sflag:s16] =	ssyncset.done $0x0  }
0x16d: {  	s26 =	sor.u32 s2, s0;
	[sflag:s16] =	ssyncadd.s32 $0xFFFFE000  }
0x16e: {  	v21 =	vld [tilespmem:s26+$0x5DE0]  }
0x16f: {  	v24 =	vld [tilespmem:s26+$0x5DF0]  }
0x170: {  	v26 =	vld [tilespmem:s26+$0x5DC0]  }
0x171: {  	v27 =	vld [tilespmem:s26+$0x5DD0]  }
0x172: {  	v29 =	vld [tilespmem:s26+$0x4DE0]  }
0x173: {  	v62 =	vld [tilespmem:s26+$0x4DF0]  }
0x174: {  	v31 =	vld [tilespmem:s26+$0x5D80]  }
0x175: {  	v63 =	vld [tilespmem:s26+$0x5D90]  }
0x176: {  	v45 =	vld [tilespmem:s26+$0x5DA0]  }
0x177: {  	v47 =	vld [tilespmem:s26+$0x5DB0]  }
0x178: {  	v50 =	vld [tilespmem:s26+$0x4DC0]  }
0x179: {  	v30 =	vld [tilespmem:s26+$0x4DD0]  }
0x17a: {  	v28 =	vld [tilespmem:s26+$0x4D80]  }
0x17b: {  	v25 =	vld [tilespmem:s26+$0x4D90]  }
0x17c: {  	v23 =	vld [tilespmem:s26+$0x4DA0]  }
0x17d: {  	v22 =	vld [tilespmem:s26+$0x4DB0]  }
0x17e: {  	v48 =	vld [tilespmem:s26+$0x49E0]  }
0x17f: {  	v51 =	vld [tilespmem:s26+$0x59E0]  }
0x180: {  	v53 =	vld [tilespmem:s26+$0x49F0]  }
0x181: {  	v54 =	vld [tilespmem:s26+$0x59F0]  }
0x182: {  	v52 =	vld [tilespmem:s26+$0x49C0]  }
0x183: {  	v55 =	vld [tilespmem:s26+$0x59C0]  }
0x184: {  	v37 =	vld [tilespmem:s26+$0x49D0]  }
0x185: {  	v42 =	vld [tilespmem:s26+$0x59D0]  }
0x186: {  	v36 =	vld [tilespmem:s26+$0x4980]  }
0x187: {  	v41 =	vld [tilespmem:s26+$0x5980]  }
0x188: {  	v35 =	vld [tilespmem:s26+$0x4990]  }
0x189: {  	v40 =	vld [tilespmem:s26+$0x5990]  }
0x18a: {  	v38 =	vld [tilespmem:s26+$0x49A0]  }
0x18b: {  	s29 =	simm.s32 $0xD9C0;
	v43 =	vld [tilespmem:s26+$0x59A0]  }
0x18c: {  	v49 =	vld [tilespmem:s29+$0x20];
	v33 =	vand.u32 $0x7FFFFFFF, v21;
	v21 =	vand.u32 $0x7FFFFFFF, v24  }
0x18d: {  	v46 =	vld [tilespmem:s29+$0x0];
	v32 =	vand.u32 $0x7FFFFFFF, v26;
	v24 =	vand.u32 $0x7FFFFFFF, v27;
	v44 =	vand.u32 $0x7FFFFFFF, v29  }
0x18e: {  	v39 =	vld [tilespmem:s26+$0x49B0];
	v31 =	vand.u32 $0x7FFFFFFF, v31;
	v26 =	vand.u32 $0x7FFFFFFF, v63;
	v34 =	vand.u32 $0x7FFFFFFF, v62  }
0x18f: {  	v29 =	vand.u32 $0x7FFFFFFF, v45;
	v27 =	vand.u32 $0x7FFFFFFF, v47;
	v51 =	vsub.f32 v48, v51;
	v48 =	vld [tilespmem:s29+$0x30]  }
0x190: {  	s0 =	simm.s32 $0x100;
	v47 =	vld [tilespmem:s29+$0xFFFFFFC0];
	v45 =	vand.u32 $0x7FFFFFFF, v50;
	v52 =	vsub.f32 v52, v55;
	v50 =	vsub.f32 v53, v54  }
.LBB2_6:
0x191: {  	p0 =	sne.s32 s0, $0xF00;
	v53 =	vld [tilespmem:s26+$0x59B0];
	v30 =	vand.u32 $0x7FFFFFFF, v30;
	v37 =	vsub.f32 v37, v42;
	v42 =	vadd.f32 v49, v51  }
0x192: {  	v28 =	vand.u32 $0x7FFFFFFF, v28;
	v36 =	vsub.f32 v36, v41;
	v41 =	vld [tilespmem:s29+$0xFFFFFFE0];
	v46 =	vadd.f32 v46, v52  }
0x193: {  	v35 =	vsub.f32 v35, v40;
	v38 =	vsub.f32 v38, v43;
	s28 =	sadd.s32 $0x80, s28;
	v40 =	vld [tilespmem:s29+$0xFFFFFFD0];
	v42 =	vand.u32 $0x7FFFFFFF, v42  }
0x194: {  	s2 =	sand.u32 $0x800, s0;
	s3 =	sand.u32 $0x380, s28;
	v43 =	vld [tilespmem:s29+$0xFFFFFFF0];
	v46 =	vand.u32 $0x7FFFFFFF, v46;
	v42 =	vadd.f32 v42, v44;
	v44 =	vadd.f32 v48, v50  }
0x195: {  	v25 =	vand.u32 $0x7FFFFFFF, v25;
	s3 =	sor.u32 s3, s2;
	v36 =	vadd.f32 v47, v36;
	v45 =	vadd.f32 v46, v45;
	v46 =	vld [tilespmem:s29+$0x10]  }
0x196: {  	v47 =	vld [tilespmem:s3+$0x5DE0];
	v39 =	vsub.f32 v39, v53;
	v33 =	vsub.f32 v42, v33;
	v42 =	vand.u32 $0x7FFFFFFF, v44  }
0x197: {  	v44 =	vld [tilespmem:s3+$0x5DF0];
	v36 =	vand.u32 $0x7FFFFFFF, v36;
	v32 =	vsub.f32 v45, v32;
	v34 =	vadd.f32 v42, v34  }
0x198: {  	v23 =	vand.u32 $0x7FFFFFFF, v23;
	v45 =	vld [tilespmem:s3+$0x5DC0];
	v28 =	vadd.f32 v36, v28;
	v36 =	vadd.f32 v41, v38  }
0x199: {  	v22 =	vand.u32 $0x7FFFFFFF, v22;
	v35 =	vadd.f32 v40, v35;
	v48 =	vld [tilespmem:s3+$0x5DD0];
	v38 =	vadd.f32 v43, v39  }
0x19a: {  	v39 =	vld [tilespmem:s3+$0x4DE0];
	v28 =	vsub.f32 v28, v31;
	v31 =	vand.u32 $0x7FFFFFFF, v36;
	v36 =	vadd.f32 v46, v37  }
0x19b: {  	v35 =	vand.u32 $0x7FFFFFFF, v35;
	v50 =	vld [tilespmem:s3+$0x4DF0];
	v23 =	vadd.f32 v31, v23;
	v31 =	vand.u32 $0x7FFFFFFF, v38  }
0x19c: {  	v25 =	vadd.f32 v35, v25;
	v51 =	vld [tilespmem:s3+$0x5D80];
	v22 =	vadd.f32 v31, v22;
	v31 =	vand.u32 $0x7FFFFFFF, v36  }
0x19d: {  	v52 =	vld [tilespmem:s3+$0x5D90];
	v23 =	vsub.f32 v23, v29;
	v29 =	vadd.f32 v31, v30;
	v31 =	vmax.f32 v33, $0.0e+00  }
0x19e: {  	v28 =	vmax.f32 v28, $0.0e+00;
	v25 =	vsub.f32 v25, v26;
	v53 =	vld [tilespmem:s3+$0x5DA0];
	v22 =	vsub.f32 v22, v27  }
0x19f: {  	v26 =	vmul.f32 v28, v28;
	v27 =	vld [tilespmem:s3+$0x5DB0];
	v23 =	vmax.f32 v23, $0.0e+00;
	v24 =	vsub.f32 v29, v24  }
0x1a0: {  	v25 =	vmax.f32 v25, $0.0e+00;
	v54 =	vld [tilespmem:s3+$0x4DC0];
	v23 =	vmul.f32 v23, v23;
	v22 =	vmax.f32 v22, $0.0e+00  }
0x1a1: {  	v29 =	vmul.f32 v25, v25;
	v25 =	vmax.f32 v32, $0.0e+00;
	v30 =	vld [tilespmem:s3+$0x4DD0];
	v22 =	vmul.f32 v22, v22  }
0x1a2: {  	v21 =	vsub.f32 v34, v21;
	v32 =	vmul.f32 v25, v25;
	v24 =	vmax.f32 v24, $0.0e+00;
	v28 =	vld [tilespmem:s3+$0x4D80]  }
0x1a3: {  	v26 =	vadd.f32 v23, v26;
	v24 =	vmul.f32 v24, v24;
	v25 =	vld [tilespmem:s3+$0x4D90];
	v29 =	vadd.f32 v22, v29  }
0x1a4: {  	v21 =	vmax.f32 v21, $0.0e+00;
	v31 =	vmul.f32 v31, v31;
	v23 =	vld [tilespmem:s3+$0x4DA0]  }
0x1a5: {  	v21 =	vmul.f32 v21, v21;
	v26 =	vadd.f32 v32, v26;
	v22 =	vld [tilespmem:s3+$0x4DB0];
	v24 =	vadd.f32 v24, v29  }
0x1a6: {  	v55 =	vld [tilespmem:s3+$0x49E0]  }
0x1a7: {  	v26 =	vadd.f32 v31, v26;
	v56 =	vld [tilespmem:s3+$0x59E0];
	v21 =	vadd.f32 v21, v24  }
0x1a8: {  	v57 =	vld [tilespmem:s3+$0x49F0]  }
0x1a9: {  	v58 =	vld [tilespmem:s3+$0x59F0];
	v21 =	vadd.f32 v21, v26  }
0x1aa: {  	v59 =	vld [tilespmem:s3+$0x49C0]  }
0x1ab: {  	v60 =	vld [tilespmem:s3+$0x59C0];
	[tilespmem:s26+$0xF1A0] =	vst v21;
	s26 =	smov.u32 s3  }
0x1ac: {  	v37 =	vld [tilespmem:s26+$0x49D0]  }
0x1ad: {  	v42 =	vld [tilespmem:s26+$0x59D0]  }
0x1ae: {  	v36 =	vld [tilespmem:s26+$0x4980]  }
0x1af: {  	v41 =	vld [tilespmem:s26+$0x5980]  }
0x1b0: {  	v35 =	vld [tilespmem:s26+$0x4990]  }
0x1b1: {  	v40 =	vld [tilespmem:s26+$0x5990]  }
0x1b2: {  	v38 =	vld [tilespmem:s26+$0x49A0]  }
0x1b3: {  	s29 =	sadd.s32 $0x80, s29;
	v43 =	vld [tilespmem:s26+$0x59A0]  }
.Ltmp2:
0x1b4: {  	v33 =	vand.u32 $0x7FFFFFFF, v47;
	v21 =	vand.u32 $0x7FFFFFFF, v44;
	v49 =	vld [tilespmem:s29+$0x20];
	(pc) =	sbr.rel @p0 .LBB2_6-.Ltmp2, $4  }
0x1b5: {  	v32 =	vand.u32 $0x7FFFFFFF, v45;
	v24 =	vand.u32 $0x7FFFFFFF, v48;
	v44 =	vand.u32 $0x7FFFFFFF, v39;
	v46 =	vld [tilespmem:s29+$0x0]  }
0x1b6: {  	v34 =	vand.u32 $0x7FFFFFFF, v50;
	v31 =	vand.u32 $0x7FFFFFFF, v51;
	v26 =	vand.u32 $0x7FFFFFFF, v52;
	v39 =	vld [tilespmem:s26+$0x49B0]  }
0x1b7: {  	v27 =	vand.u32 $0x7FFFFFFF, v27;
	v29 =	vand.u32 $0x7FFFFFFF, v53;
	v51 =	vsub.f32 v55, v56;
	v48 =	vld [tilespmem:s29+$0x30]  }
0x1b8: {  	s0 =	sadd.s32 $0x100, s0;
	v45 =	vand.u32 $0x7FFFFFFF, v54;
	v50 =	vsub.f32 v57, v58;
	v52 =	vsub.f32 v59, v60;
	v47 =	vld [tilespmem:s29+$0xFFFFFFC0]  }
0x1b9: {  	v53 =	vld [tilespmem:s26+$0x59B0];
	v37 =	vsub.f32 v37, v42  }
0x1ba: {  	v57 =	vadd.f32 v49, v51;
	v36 =	vsub.f32 v36, v41;
	v58 =	vld [tilespmem:s29+$0xFFFFFFE0]  }
0x1bb: {  	v28 =	vand.u32 $0x7FFFFFFF, v28;
	v35 =	vsub.f32 v35, v40;
	v59 =	vld [tilespmem:s29+$0xFFFFFFD0];
	v46 =	vadd.f32 v46, v52  }
0x1bc: {  	v38 =	vsub.f32 v38, v43;
	v25 =	vand.u32 $0x7FFFFFFF, v25;
	v62 =	vld [tilespmem:s29+$0x10];
	v42 =	vand.u32 $0x7FFFFFFF, v57  }
0x1bd: {  	v60 =	vld [tilespmem:s29+$0xFFFFFFF0];
	v46 =	vand.u32 $0x7FFFFFFF, v46;
	v42 =	vadd.f32 v42, v44;
	v61 =	vadd.f32 v48, v50  }
0x1be: {  	v23 =	vand.u32 $0x7FFFFFFF, v23;
	v36 =	vadd.f32 v47, v36;
	v45 =	vadd.f32 v46, v45  }
0x1bf: {  	v22 =	vand.u32 $0x7FFFFFFF, v22;
	v39 =	vsub.f32 v39, v53;
	v33 =	vsub.f32 v42, v33  }
0x1c0: {  	v47 =	vadd.f32 v58, v38;
	v35 =	vadd.f32 v59, v35;
	v36 =	vand.u32 $0x7FFFFFFF, v36  }
0x1c1: {  	v63 =	vand.u32 $0x7FFFFFFF, v61;
	v49 =	vadd.f32 v62, v37;
	v28 =	vadd.f32 v36, v28  }
0x1c2: {  	v32 =	vsub.f32 v45, v32;
	v48 =	vadd.f32 v60, v39;
	v35 =	vand.u32 $0x7FFFFFFF, v35  }
0x1c3: {  	v25 =	vadd.f32 v35, v25;
	v28 =	vsub.f32 v28, v31;
	v31 =	vand.u32 $0x7FFFFFFF, v47  }
0x1c4: {  	v34 =	vadd.f32 v63, v34;
	v23 =	vadd.f32 v31, v23;
	v31 =	vand.u32 $0x7FFFFFFF, v48  }
0x1c5: {  	v30 =	vand.u32 $0x7FFFFFFF, v30;
	v25 =	vsub.f32 v25, v26;
	v22 =	vadd.f32 v31, v22  }
0x1c6: {  	v31 =	vand.u32 $0x7FFFFFFF, v49;
	v28 =	vmax.f32 v28, $0.0e+00;
	v23 =	vsub.f32 v23, v29  }
0x1c7: {  	v29 =	vadd.f32 v31, v30;
	v25 =	vmax.f32 v25, $0.0e+00;
	v22 =	vsub.f32 v22, v27  }
0x1c8: {  	v21 =	vsub.f32 v34, v21;
	v26 =	vmul.f32 v28, v28;
	v25 =	vmul.f32 v25, v25  }
0x1c9: {  	v23 =	vmax.f32 v23, $0.0e+00;
	v24 =	vsub.f32 v29, v24;
	v22 =	vmax.f32 v22, $0.0e+00  }
0x1ca: {  	v27 =	vmax.f32 v32, $0.0e+00;
	v23 =	vmul.f32 v23, v23;
	v22 =	vmul.f32 v22, v22  }
0x1cb: {  	v21 =	vmax.f32 v21, $0.0e+00;
	v27 =	vmul.f32 v27, v27;
	v24 =	vmax.f32 v24, $0.0e+00  }
0x1cc: {  	v23 =	vadd.f32 v23, v26;
	v24 =	vmul.f32 v24, v24;
	v22 =	vadd.f32 v22, v25  }
0x1cd: {  	v21 =	vmul.f32 v21, v21;
	v30 =	vmax.f32 v33, $0.0e+00  }
0x1ce: {  	v25 =	vmul.f32 v30, v30;
	v23 =	vadd.f32 v27, v23;
	v22 =	vadd.f32 v24, v22;
	_ =	sdelay $0x1  }
0x1cf: {  	v23 =	vadd.f32 v25, v23;
	v21 =	vadd.f32 v21, v22;
	_ =	sdelay $0x1  }
0x1d0: {  	v21 =	vadd.f32 v21, v23;
	_ =	sdelay $0x1  }
0x1d1: {  	[tilespmem:s26+$0xF1A0] =	vst v21  }
0x1d2: {  	_ =	swait.ge [sflag:s17], $0x2000  }
0x1d3: {  	[sflag:s17] =	ssyncset.done $0x0  }
0x1d4: {  	s28 =	simm.s32 $0xE1F0;
	[sflag:s17] =	ssyncadd.s32 $0xFFFFE000  }
0x1d5: {  	v21 =	vld [tilespmem:s28+$0xFFFFFF90]  }
0x1d6: {  	v22 =	vld [tilespmem:s28+$0x0]  }
0x1d7: {  	v23 =	vld [tilespmem:s28+$0xFFFFFFF0]  }
0x1d8: {  	v25 =	vld [tilespmem:s28+$0xFFFFFFA0]  }
0x1d9: {  	s29 =	simm.s32 $0x0;
	v42 =	vld [tilespmem:s28+$0xFFFFFFC0]  }
0x1da: {  	s0 =	sand.u32 $0x800, s29;
	s2 =	sand.u32 $0x380, s29;
	v29 =	vld [tilespmem:s28+$0xFFFFFFD0]  }
0x1db: {  	s30 =	sor.u32 s2, s0;
	v24 =	vld [tilespmem:s28+$0xFFFFFFE0]  }
0x1dc: {  	v43 =	vld [tilespmem:s30+$0x6DC0]  }
0x1dd: {  	v38 =	vld [tilespmem:s30+$0x7DD0]  }
0x1de: {  	v37 =	vld [tilespmem:s30+$0x6DD0]  }
0x1df: {  	v30 =	vld [tilespmem:s30+$0x6D90]  }
0x1e0: {  	v26 =	vld [tilespmem:s30+$0x6D80]  }
0x1e1: {  	v28 =	vld [tilespmem:s30+$0x79E0]  }
0x1e2: {  	v50 =	vld [tilespmem:s30+$0x69C0]  }
0x1e3: {  	v51 =	vld [tilespmem:s30+$0x79C0]  }
0x1e4: {  	v27 =	vld [tilespmem:s30+$0x69D0]  }
0x1e5: {  	v53 =	vld [tilespmem:s30+$0x6DA0]  }
0x1e6: {  	v54 =	vld [tilespmem:s30+$0x79D0]  }
0x1e7: {  	v55 =	vld [tilespmem:s30+$0x79B0]  }
0x1e8: {  	v56 =	vld [tilespmem:s30+$0x7990]  }
0x1e9: {  	v57 =	vld [tilespmem:s30+$0x69A0]  }
0x1ea: {  	v58 =	vld [tilespmem:s30+$0x69B0]  }
0x1eb: {  	v59 =	vld [tilespmem:s30+$0x79A0]  }
0x1ec: {  	v61 =	vld [tilespmem:s30+$0x6990]  }
0x1ed: {  	v52 =	vld [tilespmem:s30+$0x7DB0]  }
0x1ee: {  	v31 =	vld [tilespmem:s30+$0x7980]  }
0x1ef: {  	v32 =	vld [tilespmem:s30+$0x6980];
	v60 =	vsub.f32 v27, v54  }
0x1f0: {  	v36 =	vld [tilespmem:s30+$0x69E0];
	v27 =	vand.u32 $0x7FFFFFFF, v53;
	v33 =	vsub.f32 v50, v51;
	v62 =	vsub.f32 v58, v55  }
0x1f1: {  	v40 =	vld [tilespmem:s30+$0x7DC0];
	v26 =	vand.u32 $0x7FFFFFFF, v26;
	v34 =	vsub.f32 v57, v59;
	v41 =	vsub.f32 v61, v56  }
0x1f2: {  	v39 =	vand.u32 $0x7FFFFFFF, v37;
	v37 =	vld [tilespmem:s30+$0x6DB0];
	v46 =	vadd.f32 v24, v60;
	v63 =	vadd.f32 v29, v33  }
0x1f3: {  	v43 =	vand.u32 $0x7FFFFFFF, v43;
	v24 =	vand.u32 $0x7FFFFFFF, v52;
	v33 =	vld [tilespmem:s30+$0x79F0];
	v29 =	vand.u32 $0x7FFFFFFF, v38  }
0x1f4: {  	s31 =	simm.s32 $0x10180;
	s0 =	simm.s32 $0x100;
	s26 =	simm.s32 $0x10180;
	v38 =	vld [tilespmem:s28+$0xFFFFFFB0];
	v42 =	vadd.f32 v42, v62;
	v35 =	vand.u32 $0x7FFFFFFF, v46;
	v44 =	vand.u32 $0x7FFFFFFF, v63  }
.LBB2_8:
0x1f5: {  	v30 =	vand.u32 $0x7FFFFFFF, v30;
	v25 =	vadd.f32 v25, v41;
	v41 =	vsub.f32 v44, v43;
	v43 =	vld [tilespmem:s30+$0x69F0];
	s31 =	sadd.s32 $0x10, s31;
	s29 =	sadd.s32 $0x80, s29;
	s28 =	sadd.s32 $0x80, s28  }
0x1f6: {  	p0 =	sne.s32 s0, $0xF00;
	v28 =	vsub.f32 v36, v28;
	s3 =	smov.u32 s0;
	s0 =	sadd.s32 $0x100, s0;
	v42 =	vand.u32 $0x7FFFFFFF, v42;
	v40 =	vand.u32 $0x7FFFFFFF, v40;
	v44 =	vld [tilespmem:s30+$0x6DE0]  }
0x1f7: {  	v35 =	vsub.f32 v35, v39;
	v36 =	vld [tilespmem:s30+$0x7D90];
	v40 =	vsub.f32 v41, v40  }
0x1f8: {  	v31 =	vsub.f32 v32, v31;
	v25 =	vand.u32 $0x7FFFFFFF, v25;
	v32 =	vld [tilespmem:s30+$0x7DA0];
	v37 =	vand.u32 $0x7FFFFFFF, v37  }
0x1f9: {  	v23 =	vadd.f32 v23, v28;
	v39 =	vld [tilespmem:s30+$0x7D80];
	v34 =	vadd.f32 v38, v34;
	v38 =	vmax.f32 v40, $0.0e+00  }
0x1fa: {  	v25 =	vsub.f32 v25, v30;
	v28 =	vmul.f32 v38, v38;
	v30 =	vld [tilespmem:s30+$0x7DE0];
	v33 =	vsub.f32 v43, v33  }
0x1fb: {  	v37 =	vsub.f32 v42, v37;
	v23 =	vand.u32 $0x7FFFFFFF, v23;
	v34 =	vand.u32 $0x7FFFFFFF, v34  }
0x1fc: {  	v27 =	vsub.f32 v34, v27;
	v34 =	vand.u32 $0x7FFFFFFF, v44;
	v22 =	vadd.f32 v22, v33  }
0x1fd: {  	v21 =	vadd.f32 v21, v31;
	v31 =	vand.u32 $0x7FFFFFFF, v36;
	v32 =	vand.u32 $0x7FFFFFFF, v32  }
0x1fe: {  	v23 =	vsub.f32 v23, v34;
	v33 =	vand.u32 $0x7FFFFFFF, v39;
	v27 =	vsub.f32 v27, v32;
	v32 =	vld [tilespmem:s30+$0x6DF0]  }
0x1ff: {  	v29 =	vsub.f32 v35, v29;
	v21 =	vand.u32 $0x7FFFFFFF, v21;
	v25 =	vsub.f32 v25, v31  }
0x200: {  	v21 =	vsub.f32 v21, v26;
	v26 =	vmax.f32 v27, $0.0e+00;
	v27 =	vand.u32 $0x7FFFFFFF, v30;
	v30 =	vld [tilespmem:s30+$0x7DF0]  }
0x201: {  	v29 =	vmax.f32 v29, $0.0e+00;
	v25 =	vmax.f32 v25, $0.0e+00;
	v23 =	vsub.f32 v23, v27  }
0x202: {  	v24 =	vsub.f32 v37, v24;
	v21 =	vsub.f32 v21, v33;
	v26 =	vmul.f32 v26, v26  }
0x203: {  	v22 =	vand.u32 $0x7FFFFFFF, v22;
	v25 =	vmul.f32 v25, v25;
	v27 =	vand.u32 $0x7FFFFFFF, v32  }
0x204: {  	v24 =	vmax.f32 v24, $0.0e+00;
	v21 =	vmax.f32 v21, $0.0e+00;
	v22 =	vsub.f32 v22, v27  }
0x205: {  	v24 =	vmul.f32 v24, v24;
	v23 =	vmax.f32 v23, $0.0e+00;
	v27 =	vand.u32 $0x7FFFFFFF, v30  }
0x206: {  	v29 =	vmul.f32 v29, v29;
	v21 =	vmul.f32 v21, v21;
	v22 =	vsub.f32 v22, v27  }
0x207: {  	v24 =	vadd.f32 v24, v25  }
0x208: {  	v21 =	vadd.f32 v26, v21;
	v22 =	vmax.f32 v22, $0.0e+00  }
0x209: {  	v24 =	vadd.f32 v29, v24;
	v23 =	vmul.f32 v23, v23;
	v22 =	vmul.f32 v22, v22  }
0x20a: {  	v21 =	vadd.f32 v28, v21  }
0x20b: {  	v22 =	vadd.f32 v22, v24  }
0x20c: {  	v21 =	vadd.f32 v23, v21;
	_ =	sdelay $0x1  }
0x20d: {  	v21 =	vadd.f32 v22, v21;
	_ =	sdelay $0x1  }
0x20e: {  	[tilespmem:s26+$0x0] =	vst v21;
	s26 =	smov.u32 s31  }
0x20f: {  	v21 =	vld [tilespmem:s28+$0xFFFFFF90]  }
0x210: {  	v22 =	vld [tilespmem:s28+$0x0]  }
0x211: {  	v23 =	vld [tilespmem:s28+$0xFFFFFFF0]  }
0x212: {  	v25 =	vld [tilespmem:s28+$0xFFFFFFA0]  }
0x213: {  	v42 =	vld [tilespmem:s28+$0xFFFFFFC0]  }
0x214: {  	s2 =	sand.u32 $0x800, s3;
	s3 =	sand.u32 $0x380, s29;
	v29 =	vld [tilespmem:s28+$0xFFFFFFD0]  }
0x215: {  	s30 =	sor.u32 s3, s2;
	v26 =	vld [tilespmem:s28+$0xFFFFFFE0]  }
0x216: {  	v43 =	vld [tilespmem:s30+$0x6DC0]  }
0x217: {  	v38 =	vld [tilespmem:s30+$0x7DD0]  }
0x218: {  	v33 =	vld [tilespmem:s30+$0x6DD0]  }
0x219: {  	v30 =	vld [tilespmem:s30+$0x6D90]  }
0x21a: {  	v34 =	vld [tilespmem:s30+$0x6D80]  }
0x21b: {  	v28 =	vld [tilespmem:s30+$0x79E0]  }
0x21c: {  	v35 =	vld [tilespmem:s30+$0x69C0]  }
0x21d: {  	v36 =	vld [tilespmem:s30+$0x79C0]  }
0x21e: {  	v24 =	vld [tilespmem:s30+$0x7DB0]  }
0x21f: {  	v32 =	vld [tilespmem:s30+$0x69D0]  }
0x220: {  	v27 =	vld [tilespmem:s30+$0x6DA0]  }
0x221: {  	v37 =	vld [tilespmem:s30+$0x79D0]  }
0x222: {  	v39 =	vld [tilespmem:s30+$0x79B0]  }
0x223: {  	v31 =	vld [tilespmem:s30+$0x7980]  }
0x224: {  	v41 =	vld [tilespmem:s30+$0x7990]  }
0x225: {  	v44 =	vld [tilespmem:s30+$0x69A0]  }
0x226: {  	v27 =	vand.u32 $0x7FFFFFFF, v27;
	v40 =	vld [tilespmem:s30+$0x69B0];
	v32 =	vsub.f32 v32, v37  }
0x227: {  	v24 =	vand.u32 $0x7FFFFFFF, v24;
	v37 =	vld [tilespmem:s30+$0x79A0]  }
0x228: {  	v45 =	vld [tilespmem:s30+$0x6990];
	v46 =	vadd.f32 v26, v32  }
0x229: {  	v47 =	vsub.f32 v35, v36;
	v32 =	vld [tilespmem:s30+$0x6980]  }
.Ltmp3:
0x22a: {  	v26 =	vand.u32 $0x7FFFFFFF, v34;
	v35 =	vand.u32 $0x7FFFFFFF, v46;
	v36 =	vld [tilespmem:s30+$0x69E0];
	(pc) =	sbr.rel @p0 .LBB2_8-.Ltmp3, $4  }
0x22b: {  	v47 =	vadd.f32 v29, v47;
	v46 =	vsub.f32 v40, v39;
	v40 =	vld [tilespmem:s30+$0x7DC0]  }
0x22c: {  	v39 =	vand.u32 $0x7FFFFFFF, v33;
	v34 =	vsub.f32 v44, v37;
	v33 =	vld [tilespmem:s30+$0x79F0]  }
0x22d: {  	v29 =	vand.u32 $0x7FFFFFFF, v38;
	v41 =	vsub.f32 v45, v41;
	v37 =	vld [tilespmem:s30+$0x6DB0]  }
0x22e: {  	v43 =	vand.u32 $0x7FFFFFFF, v43;
	v44 =	vand.u32 $0x7FFFFFFF, v47;
	v42 =	vadd.f32 v42, v46;
	v38 =	vld [tilespmem:s28+$0xFFFFFFB0]  }
0x22f: {  	v43 =	vsub.f32 v44, v43  }
0x230: {  	v30 =	vand.u32 $0x7FFFFFFF, v30;
	v25 =	vadd.f32 v25, v41;
	v28 =	vsub.f32 v36, v28  }
0x231: {  	v54 =	vld [tilespmem:s30+$0x69F0];
	v35 =	vsub.f32 v35, v39;
	v31 =	vsub.f32 v32, v31;
	v40 =	vand.u32 $0x7FFFFFFF, v40  }
0x232: {  	v57 =	vld [tilespmem:s30+$0x7DA0];
	v42 =	vand.u32 $0x7FFFFFFF, v42;
	v40 =	vsub.f32 v43, v40;
	v23 =	vadd.f32 v23, v28  }
0x233: {  	v58 =	vld [tilespmem:s30+$0x7D80];
	v25 =	vand.u32 $0x7FFFFFFF, v25;
	v21 =	vadd.f32 v21, v31;
	v34 =	vadd.f32 v38, v34  }
0x234: {  	v56 =	vld [tilespmem:s30+$0x7D90];
	v29 =	vsub.f32 v35, v29;
	v37 =	vand.u32 $0x7FFFFFFF, v37;
	v25 =	vsub.f32 v25, v30  }
0x235: {  	v55 =	vld [tilespmem:s30+$0x6DE0];
	v28 =	vmax.f32 v40, $0.0e+00;
	v37 =	vsub.f32 v42, v37;
	v34 =	vand.u32 $0x7FFFFFFF, v34  }
0x236: {  	v23 =	vand.u32 $0x7FFFFFFF, v23;
	v21 =	vand.u32 $0x7FFFFFFF, v21;
	v27 =	vsub.f32 v34, v27  }
0x237: {  	v59 =	vld [tilespmem:s30+$0x7DE0];
	v29 =	vmax.f32 v29, $0.0e+00;
	v30 =	vsub.f32 v54, v33;
	v31 =	vand.u32 $0x7FFFFFFF, v57  }
0x238: {  	v61 =	vand.u32 $0x7FFFFFFF, v58;
	v21 =	vsub.f32 v21, v26;
	v27 =	vsub.f32 v27, v31;
	v31 =	vld [tilespmem:s30+$0x6DF0]  }
0x239: {  	v24 =	vsub.f32 v37, v24;
	v22 =	vadd.f32 v22, v30;
	v30 =	vand.u32 $0x7FFFFFFF, v56  }
0x23a: {  	v60 =	vand.u32 $0x7FFFFFFF, v55;
	v21 =	vsub.f32 v21, v61;
	v25 =	vsub.f32 v25, v30;
	v30 =	vld [tilespmem:s30+$0x7DF0]  }
0x23b: {  	v23 =	vsub.f32 v23, v60;
	v24 =	vmax.f32 v24, $0.0e+00;
	v22 =	vand.u32 $0x7FFFFFFF, v22  }
0x23c: {  	v21 =	vmax.f32 v21, $0.0e+00;
	v26 =	vmax.f32 v27, $0.0e+00;
	v27 =	vand.u32 $0x7FFFFFFF, v59  }
0x23d: {  	v25 =	vmax.f32 v25, $0.0e+00;
	v23 =	vsub.f32 v23, v27;
	v27 =	vand.u32 $0x7FFFFFFF, v31  }
0x23e: {  	v24 =	vmul.f32 v24, v24;
	v25 =	vmul.f32 v25, v25;
	v22 =	vsub.f32 v22, v27  }
0x23f: {  	v21 =	vmul.f32 v21, v21;
	v26 =	vmul.f32 v26, v26;
	v27 =	vand.u32 $0x7FFFFFFF, v30  }
0x240: {  	v29 =	vmul.f32 v29, v29;
	v24 =	vadd.f32 v24, v25;
	v22 =	vsub.f32 v22, v27  }
0x241: {  	v25 =	vmul.f32 v28, v28;
	v21 =	vadd.f32 v26, v21  }
0x242: {  	v23 =	vmax.f32 v23, $0.0e+00;
	v24 =	vadd.f32 v29, v24;
	v22 =	vmax.f32 v22, $0.0e+00  }
0x243: {  	v23 =	vmul.f32 v23, v23;
	v21 =	vadd.f32 v25, v21;
	v22 =	vmul.f32 v22, v22;
	_ =	sdelay $0x1  }
0x244: {  	v21 =	vadd.f32 v23, v21;
	v22 =	vadd.f32 v22, v24;
	_ =	sdelay $0x1  }
0x245: {  	v21 =	vadd.f32 v22, v21;
	_ =	sdelay $0x1  }
0x246: {  	[tilespmem:s26+$0x0] =	vst v21  }
0x247: {  	s28 =	simm.s32 $0x0;
	_ =	swait.ge [sflag:s18], $0x2000  }
0x248: {  	s0 =	sand.u32 $0x800, s28;
	s2 =	sand.u32 $0x380, s28;
	[sflag:s18] =	ssyncset.done $0x0  }
0x249: {  	s26 =	sor.u32 s2, s0;
	[sflag:s18] =	ssyncadd.s32 $0xFFFFE000  }
0x24a: {  	v21 =	vld [tilespmem:s26+$0x9DE0]  }
0x24b: {  	v24 =	vld [tilespmem:s26+$0x9DF0]  }
0x24c: {  	v26 =	vld [tilespmem:s26+$0x9DC0]  }
0x24d: {  	v27 =	vld [tilespmem:s26+$0x9DD0]  }
0x24e: {  	v29 =	vld [tilespmem:s26+$0x8DE0]  }
0x24f: {  	v62 =	vld [tilespmem:s26+$0x8DF0]  }
0x250: {  	v31 =	vld [tilespmem:s26+$0x9D80]  }
0x251: {  	v63 =	vld [tilespmem:s26+$0x9D90]  }
0x252: {  	v45 =	vld [tilespmem:s26+$0x9DA0]  }
0x253: {  	v47 =	vld [tilespmem:s26+$0x9DB0]  }
0x254: {  	v50 =	vld [tilespmem:s26+$0x8DC0]  }
0x255: {  	v30 =	vld [tilespmem:s26+$0x8DD0]  }
0x256: {  	v28 =	vld [tilespmem:s26+$0x8D80]  }
0x257: {  	v25 =	vld [tilespmem:s26+$0x8D90]  }
0x258: {  	v23 =	vld [tilespmem:s26+$0x8DA0]  }
0x259: {  	v22 =	vld [tilespmem:s26+$0x8DB0]  }
0x25a: {  	v48 =	vld [tilespmem:s26+$0x89E0]  }
0x25b: {  	v51 =	vld [tilespmem:s26+$0x99E0]  }
0x25c: {  	v53 =	vld [tilespmem:s26+$0x89F0]  }
0x25d: {  	v54 =	vld [tilespmem:s26+$0x99F0]  }
0x25e: {  	v52 =	vld [tilespmem:s26+$0x89C0]  }
0x25f: {  	v55 =	vld [tilespmem:s26+$0x99C0]  }
0x260: {  	v37 =	vld [tilespmem:s26+$0x89D0]  }
0x261: {  	v42 =	vld [tilespmem:s26+$0x99D0]  }
0x262: {  	v36 =	vld [tilespmem:s26+$0x8980]  }
0x263: {  	v41 =	vld [tilespmem:s26+$0x9980]  }
0x264: {  	v35 =	vld [tilespmem:s26+$0x8990]  }
0x265: {  	v40 =	vld [tilespmem:s26+$0x9990]  }
0x266: {  	v38 =	vld [tilespmem:s26+$0x89A0]  }
0x267: {  	s29 =	simm.s32 $0xE9F0;
	v43 =	vld [tilespmem:s26+$0x99A0]  }
0x268: {  	v49 =	vld [tilespmem:s29+$0xFFFFFFF0];
	v33 =	vand.u32 $0x7FFFFFFF, v21;
	v21 =	vand.u32 $0x7FFFFFFF, v24  }
0x269: {  	v46 =	vld [tilespmem:s29+$0xFFFFFFD0];
	v32 =	vand.u32 $0x7FFFFFFF, v26;
	v24 =	vand.u32 $0x7FFFFFFF, v27;
	v44 =	vand.u32 $0x7FFFFFFF, v29  }
0x26a: {  	v39 =	vld [tilespmem:s26+$0x89B0];
	v31 =	vand.u32 $0x7FFFFFFF, v31;
	v26 =	vand.u32 $0x7FFFFFFF, v63;
	v34 =	vand.u32 $0x7FFFFFFF, v62  }
0x26b: {  	v29 =	vand.u32 $0x7FFFFFFF, v45;
	v27 =	vand.u32 $0x7FFFFFFF, v47;
	v51 =	vsub.f32 v48, v51;
	v48 =	vld [tilespmem:s29+$0x0]  }
0x26c: {  	s0 =	simm.s32 $0x100;
	v47 =	vld [tilespmem:s29+$0xFFFFFF90];
	v45 =	vand.u32 $0x7FFFFFFF, v50;
	v52 =	vsub.f32 v52, v55;
	v50 =	vsub.f32 v53, v54  }
.LBB2_10:
0x26d: {  	p0 =	sne.s32 s0, $0xF00;
	v53 =	vld [tilespmem:s26+$0x99B0];
	v30 =	vand.u32 $0x7FFFFFFF, v30;
	v37 =	vsub.f32 v37, v42;
	v42 =	vsub.f32 v51, v49  }
0x26e: {  	v28 =	vand.u32 $0x7FFFFFFF, v28;
	v36 =	vsub.f32 v36, v41;
	v41 =	vld [tilespmem:s29+$0xFFFFFFB0];
	v46 =	vsub.f32 v52, v46  }
0x26f: {  	v35 =	vsub.f32 v35, v40;
	v38 =	vsub.f32 v38, v43;
	s28 =	sadd.s32 $0x80, s28;
	v40 =	vld [tilespmem:s29+$0xFFFFFFA0];
	v42 =	vand.u32 $0x7FFFFFFF, v42  }
0x270: {  	s2 =	sand.u32 $0x800, s0;
	s3 =	sand.u32 $0x380, s28;
	v43 =	vld [tilespmem:s29+$0xFFFFFFC0];
	v46 =	vand.u32 $0x7FFFFFFF, v46;
	v42 =	vsub.f32 v42, v44;
	v44 =	vsub.f32 v50, v48  }
0x271: {  	v25 =	vand.u32 $0x7FFFFFFF, v25;
	s3 =	sor.u32 s3, s2;
	v36 =	vsub.f32 v36, v47;
	v45 =	vsub.f32 v46, v45;
	v46 =	vld [tilespmem:s29+$0xFFFFFFE0]  }
0x272: {  	v47 =	vld [tilespmem:s3+$0x9DE0];
	v39 =	vsub.f32 v39, v53;
	v33 =	vsub.f32 v42, v33;
	v42 =	vand.u32 $0x7FFFFFFF, v44  }
0x273: {  	v44 =	vld [tilespmem:s3+$0x9DF0];
	v36 =	vand.u32 $0x7FFFFFFF, v36;
	v32 =	vsub.f32 v45, v32;
	v34 =	vsub.f32 v42, v34  }
0x274: {  	v23 =	vand.u32 $0x7FFFFFFF, v23;
	v45 =	vld [tilespmem:s3+$0x9DC0];
	v28 =	vsub.f32 v36, v28;
	v36 =	vsub.f32 v38, v41  }
0x275: {  	v22 =	vand.u32 $0x7FFFFFFF, v22;
	v35 =	vsub.f32 v35, v40;
	v48 =	vld [tilespmem:s3+$0x9DD0];
	v38 =	vsub.f32 v39, v43  }
0x276: {  	v39 =	vld [tilespmem:s3+$0x8DE0];
	v28 =	vsub.f32 v28, v31;
	v31 =	vand.u32 $0x7FFFFFFF, v36;
	v36 =	vsub.f32 v37, v46  }
0x277: {  	v35 =	vand.u32 $0x7FFFFFFF, v35;
	v50 =	vld [tilespmem:s3+$0x8DF0];
	v23 =	vsub.f32 v31, v23;
	v31 =	vand.u32 $0x7FFFFFFF, v38  }
0x278: {  	v25 =	vsub.f32 v35, v25;
	v51 =	vld [tilespmem:s3+$0x9D80];
	v22 =	vsub.f32 v31, v22;
	v31 =	vand.u32 $0x7FFFFFFF, v36  }
0x279: {  	v52 =	vld [tilespmem:s3+$0x9D90];
	v23 =	vsub.f32 v23, v29;
	v29 =	vsub.f32 v31, v30;
	v31 =	vmax.f32 v33, $0.0e+00  }
0x27a: {  	v28 =	vmax.f32 v28, $0.0e+00;
	v25 =	vsub.f32 v25, v26;
	v53 =	vld [tilespmem:s3+$0x9DA0];
	v22 =	vsub.f32 v22, v27  }
0x27b: {  	v26 =	vmul.f32 v28, v28;
	v27 =	vld [tilespmem:s3+$0x9DB0];
	v23 =	vmax.f32 v23, $0.0e+00;
	v24 =	vsub.f32 v29, v24  }
0x27c: {  	v25 =	vmax.f32 v25, $0.0e+00;
	v54 =	vld [tilespmem:s3+$0x8DC0];
	v23 =	vmul.f32 v23, v23;
	v22 =	vmax.f32 v22, $0.0e+00  }
0x27d: {  	v29 =	vmul.f32 v25, v25;
	v25 =	vmax.f32 v32, $0.0e+00;
	v30 =	vld [tilespmem:s3+$0x8DD0];
	v22 =	vmul.f32 v22, v22  }
0x27e: {  	v21 =	vsub.f32 v34, v21;
	v32 =	vmul.f32 v25, v25;
	v24 =	vmax.f32 v24, $0.0e+00;
	v28 =	vld [tilespmem:s3+$0x8D80]  }
0x27f: {  	v26 =	vadd.f32 v23, v26;
	v24 =	vmul.f32 v24, v24;
	v25 =	vld [tilespmem:s3+$0x8D90];
	v29 =	vadd.f32 v22, v29  }
0x280: {  	v21 =	vmax.f32 v21, $0.0e+00;
	v31 =	vmul.f32 v31, v31;
	v23 =	vld [tilespmem:s3+$0x8DA0]  }
0x281: {  	v21 =	vmul.f32 v21, v21;
	v26 =	vadd.f32 v32, v26;
	v22 =	vld [tilespmem:s3+$0x8DB0];
	v24 =	vadd.f32 v24, v29  }
0x282: {  	v55 =	vld [tilespmem:s3+$0x89E0]  }
0x283: {  	v26 =	vadd.f32 v31, v26;
	v56 =	vld [tilespmem:s3+$0x99E0];
	v21 =	vadd.f32 v21, v24  }
0x284: {  	v57 =	vld [tilespmem:s3+$0x89F0]  }
0x285: {  	v58 =	vld [tilespmem:s3+$0x99F0];
	v21 =	vadd.f32 v21, v26  }
0x286: {  	v59 =	vld [tilespmem:s3+$0x89C0]  }
0x287: {  	v60 =	vld [tilespmem:s3+$0x99C0];
	[tilespmem:s26+$0xF1C0] =	vst v21;
	s26 =	smov.u32 s3  }
0x288: {  	v37 =	vld [tilespmem:s26+$0x89D0]  }
0x289: {  	v42 =	vld [tilespmem:s26+$0x99D0]  }
0x28a: {  	v36 =	vld [tilespmem:s26+$0x8980]  }
0x28b: {  	v41 =	vld [tilespmem:s26+$0x9980]  }
0x28c: {  	v35 =	vld [tilespmem:s26+$0x8990]  }
0x28d: {  	v40 =	vld [tilespmem:s26+$0x9990]  }
0x28e: {  	v38 =	vld [tilespmem:s26+$0x89A0]  }
0x28f: {  	s29 =	sadd.s32 $0x80, s29;
	v43 =	vld [tilespmem:s26+$0x99A0]  }
.Ltmp4:
0x290: {  	v33 =	vand.u32 $0x7FFFFFFF, v47;
	v21 =	vand.u32 $0x7FFFFFFF, v44;
	v49 =	vld [tilespmem:s29+$0xFFFFFFF0];
	(pc) =	sbr.rel @p0 .LBB2_10-.Ltmp4, $4  }
0x291: {  	v32 =	vand.u32 $0x7FFFFFFF, v45;
	v24 =	vand.u32 $0x7FFFFFFF, v48;
	v44 =	vand.u32 $0x7FFFFFFF, v39;
	v46 =	vld [tilespmem:s29+$0xFFFFFFD0]  }
0x292: {  	v34 =	vand.u32 $0x7FFFFFFF, v50;
	v31 =	vand.u32 $0x7FFFFFFF, v51;
	v26 =	vand.u32 $0x7FFFFFFF, v52;
	v39 =	vld [tilespmem:s26+$0x89B0]  }
0x293: {  	v27 =	vand.u32 $0x7FFFFFFF, v27;
	v29 =	vand.u32 $0x7FFFFFFF, v53;
	v51 =	vsub.f32 v55, v56;
	v48 =	vld [tilespmem:s29+$0x0]  }
0x294: {  	s0 =	sadd.s32 $0x100, s0;
	v45 =	vand.u32 $0x7FFFFFFF, v54;
	v50 =	vsub.f32 v57, v58;
	v52 =	vsub.f32 v59, v60;
	v47 =	vld [tilespmem:s29+$0xFFFFFF90]  }
0x295: {  	v53 =	vld [tilespmem:s26+$0x99B0]  }
0x296: {  	v30 =	vand.u32 $0x7FFFFFFF, v30;
	v37 =	vsub.f32 v37, v42;
	v61 =	vsub.f32 v51, v49;
	v62 =	vld [tilespmem:s29+$0xFFFFFFB0]  }
0x297: {  	v28 =	vand.u32 $0x7FFFFFFF, v28;
	v36 =	vsub.f32 v36, v41;
	v63 =	vld [tilespmem:s29+$0xFFFFFFA0];
	v46 =	vsub.f32 v52, v46  }
0x298: {  	v35 =	vsub.f32 v35, v40;
	v38 =	vsub.f32 v38, v43;
	v51 =	vld [tilespmem:s29+$0xFFFFFFE0];
	v42 =	vand.u32 $0x7FFFFFFF, v61  }
0x299: {  	v49 =	vld [tilespmem:s29+$0xFFFFFFC0];
	v46 =	vand.u32 $0x7FFFFFFF, v46;
	v42 =	vsub.f32 v42, v44;
	v50 =	vsub.f32 v50, v48  }
0x29a: {  	v25 =	vand.u32 $0x7FFFFFFF, v25;
	v36 =	vsub.f32 v36, v47;
	v45 =	vsub.f32 v46, v45  }
0x29b: {  	v23 =	vand.u32 $0x7FFFFFFF, v23;
	v39 =	vsub.f32 v39, v53;
	v33 =	vsub.f32 v42, v33  }
0x29c: {  	v22 =	vand.u32 $0x7FFFFFFF, v22;
	v53 =	vsub.f32 v38, v62;
	v35 =	vsub.f32 v35, v63  }
0x29d: {  	v52 =	vand.u32 $0x7FFFFFFF, v50;
	v56 =	vsub.f32 v37, v51;
	v32 =	vsub.f32 v45, v32  }
0x29e: {  	v36 =	vand.u32 $0x7FFFFFFF, v36;
	v34 =	vsub.f32 v52, v34;
	v54 =	vsub.f32 v39, v49  }
0x29f: {  	v28 =	vsub.f32 v36, v28;
	v55 =	vand.u32 $0x7FFFFFFF, v53;
	v35 =	vand.u32 $0x7FFFFFFF, v35  }
0x2a0: {  	v23 =	vsub.f32 v55, v23;
	v25 =	vsub.f32 v35, v25;
	v57 =	vand.u32 $0x7FFFFFFF, v54  }
0x2a1: {  	v58 =	vand.u32 $0x7FFFFFFF, v56;
	v28 =	vsub.f32 v28, v31;
	v22 =	vsub.f32 v57, v22  }
0x2a2: {  	v60 =	vmax.f32 v33, $0.0e+00;
	v59 =	vsub.f32 v58, v30;
	v23 =	vsub.f32 v23, v29  }
0x2a3: {  	v25 =	vsub.f32 v25, v26;
	v28 =	vmax.f32 v28, $0.0e+00;
	v22 =	vsub.f32 v22, v27  }
0x2a4: {  	v24 =	vsub.f32 v59, v24;
	v61 =	vmul.f32 v28, v28;
	v23 =	vmax.f32 v23, $0.0e+00  }
0x2a5: {  	v25 =	vmax.f32 v25, $0.0e+00;
	v23 =	vmul.f32 v23, v23;
	v22 =	vmax.f32 v22, $0.0e+00  }
0x2a6: {  	v62 =	vmax.f32 v32, $0.0e+00;
	v25 =	vmul.f32 v25, v25;
	v22 =	vmul.f32 v22, v22  }
0x2a7: {  	v21 =	vsub.f32 v34, v21;
	v27 =	vmul.f32 v62, v62;
	v24 =	vmax.f32 v24, $0.0e+00  }
0x2a8: {  	v24 =	vmul.f32 v24, v24;
	v23 =	vadd.f32 v23, v61;
	v22 =	vadd.f32 v22, v25  }
0x2a9: {  	v63 =	vmul.f32 v60, v60;
	v21 =	vmax.f32 v21, $0.0e+00  }
0x2aa: {  	v21 =	vmul.f32 v21, v21;
	v23 =	vadd.f32 v27, v23;
	v22 =	vadd.f32 v24, v22;
	_ =	sdelay $0x1  }
0x2ab: {  	v23 =	vadd.f32 v63, v23;
	v21 =	vadd.f32 v21, v22;
	_ =	sdelay $0x1  }
0x2ac: {  	v21 =	vadd.f32 v21, v23;
	_ =	sdelay $0x1  }
0x2ad: {  	[tilespmem:s26+$0xF1C0] =	vst v21  }
0x2ae: {  	_ =	swait.ge [sflag:s19], $0x3000  }
0x2af: {  	s28 =	simm.s32 $0x0;
	[sflag:s19] =	ssyncset.done $0x0  }
0x2b0: {  	s29 =	simm.s32 $0x0;
	s26 =	simm.s32 $0x0;
	[sflag:s19] =	ssyncadd.s32 $0xFFFFD000  }
.LBB2_12:
0x2b1: {  	s0 =	sshll.u32 s28, $0x2;
	s2 =	sand.u32 $0x7, s26  }
0x2b2: {  	s0 =	sand.u32 $0xFFFFE000, s0;
	s2 =	sshll.u32 s2, $0x9  }
0x2b3: {  	s0 =	sor.u32 s2, s0  }
0x2b4: {  	s0 =	sshrl.u32 s0, $0x2  }
0x2b5: {  	s0 =	sadd.s32 $0x980, s0  }
0x2b6: {  	v21 =	vmov s0;
	_ =	sdelay $0x3  }
0x2b7: {  	s3 =	simm.s32 $0x0  }
0x2b8: {  	v22 =	vld.idx.msk [tilespmem:v21+s3+$0xA000 ss:$0x1], $0xffff  }
0x2b9: {  	v23 =	vld.idx.msk [tilespmem:v21+s3+$0xA400 ss:$0x1], $0xffff  }
0x2ba: {  	v24 =	vld.idx.msk [tilespmem:v21+s3+$0xB400 ss:$0x1], $0xffff  }
0x2bb: {  	v25 =	vld.idx.msk [tilespmem:v21+s3+$0xB000 ss:$0x1], $0xffff;
	_ =	sdelay $0x3  }
0x2bc: {  	s30 =	simm.s32 $0x10;
	v23 =	vand.u32 $0x7FFFFFFF, v23;
	v24 =	vand.u32 $0x7FFFFFFF, v24  }
0x2bd: {  	v26 =	vld.idx.msk [tilespmem:v21+s30+$0xA000 ss:$0x1], $0xffff;
	v28 =	vsub.f32 v22, v23;
	v29 =	vsub.f32 v25, v24  }
0x2be: {  	v27 =	vld.idx.msk [tilespmem:v21+s30+$0xA400 ss:$0x1], $0xffff;
	v22 =	vadd.f32 v23, v22;
	v23 =	vadd.f32 v24, v25  }
0x2bf: {  	v30 =	vld.idx.msk [tilespmem:v21+s30+$0xB400 ss:$0x1], $0xffff  }
0x2c0: {  	v25 =	vld.idx.msk [tilespmem:v21+s3+$0xC000 ss:$0x1], $0xffff;
	v28 =	vmax.f32 v28, v29;
	v22 =	vmin.f32 v22, v23  }
0x2c1: {  	s0 =	simm.s32 $0x20;
	v24 =	vld.idx.msk [tilespmem:v21+s30+$0xB000 ss:$0x1], $0xffff;
	v23 =	vadd.f32 v22, v28  }
0x2c2: {  	v31 =	vld.idx.msk [tilespmem:v21+s0+$0xA400 ss:$0x1], $0xffff  }
0x2c3: {  	v34 =	vld.idx.msk [tilespmem:v21+s0+$0xB400 ss:$0x1], $0xffff;
	v27 =	vand.u32 $0x7FFFFFFF, v27;
	v28 =	vsub.f32 v28, v22;
	v22 =	vmul.f32 $5.000000000e-01, v23  }
0x2c4: {  	v29 =	vld.idx.msk [tilespmem:v21+s3+$0xC400 ss:$0x1], $0xffff;
	v23 =	vand.u32 $0x7FFFFFFF, v30;
	v30 =	vsub.f32 v26, v27  }
0x2c5: {  	v33 =	vand.u32 $0x7FFFFFFF, v28;
	v26 =	vadd.f32 v27, v26;
	v25 =	vsub.f32 v22, v25  }
0x2c6: {  	v37 =	vld.idx.msk [tilespmem:v21+s0+$0xB000 ss:$0x1], $0xffff;
	v32 =	vsub.f32 v24, v23;
	v23 =	vadd.f32 v23, v24;
	v24 =	vmul.f32 $5.000000000e-01, v33  }
0x2c7: {  	v35 =	vld.idx.msk [tilespmem:v21+s0+$0xA000 ss:$0x1], $0xffff;
	v36 =	vand.u32 $0x7FFFFFFF, v31;
	v27 =	vmax.f32 v28, $0.0e+00;
	v25 =	vand.u32 $0x7FFFFFFF, v25  }
0x2c8: {  	v28 =	vld.idx.msk [tilespmem:v21+s30+$0xC000 ss:$0x1], $0xffff;
	v30 =	vmax.f32 v30, v32;
	v26 =	vmin.f32 v26, v23;
	v25 =	vadd.f32 v25, v24  }
0x2c9: {  	v38 =	vand.u32 $0x7FFFFFFF, v34;
	s3 =	simm.s32 $0x30;
	v29 =	vand.u32 $0x7FFFFFFF, v29;
	v32 =	vadd.f32 v26, v30  }
0x2ca: {  	v31 =	vld.idx.msk [tilespmem:v21+s3+$0xB400 ss:$0x1], $0xffff;
	v23 =	vmul.f32 v27, v27;
	v27 =	vsub.f32 v30, v26;
	v25 =	vsub.f32 v25, v29  }
0x2cb: {  	v33 =	vsub.f32 v37, v38;
	v37 =	vadd.f32 v38, v37;
	v26 =	vld.idx.msk [tilespmem:v21+s3+$0xA000 ss:$0x1], $0xffff;
	v29 =	vmul.f32 $5.000000000e-01, v32  }
0x2cc: {  	v22 =	vimm.f32 $0.0e+00;
	v24 =	vld.idx.msk [tilespmem:v21+s30+$0xC400 ss:$0x1], $0xffff;
	v39 =	vand.u32 $0x7FFFFFFF, v27;
	v25 =	vmax.f32 v25, $0.0e+00  }
0x2cd: {  	s31 =	sshll.u32 s29, $0x7;
	s2 =	sshll.u32 s29, $0x8;
	v30 =	vld.idx.msk [tilespmem:v21+s3+$0xA400 ss:$0x1], $0xffff;
	v32 =	vsub.f32 v35, v36;
	v34 =	vsub.f32 v29, v28;
	v29 =	vmul.f32 v25, v25  }
0x2ce: {  	s31 =	sand.u32 $0x380, s31;
	s30 =	sand.u32 $0x800, s2;
	s2 =	simm.s32 $0x100;
	v36 =	vadd.f32 v36, v35;
	v35 =	vmul.f32 $5.000000000e-01, v39;
	v28 =	vld.idx.msk [tilespmem:v21+s3+$0xB000 ss:$0x1], $0xffff;
	v25 =	vimm.f32 $0.0e+00  }
.LBB2_13:
0x2cf: {  	p0 =	sne.s32 s2, $0x1C0;
	v38 =	vld.idx.msk [tilespmem:v21+s0+$0xC000 ss:$0x1], $0xffff;
	v34 =	vand.u32 $0x7FFFFFFF, v34;
	v27 =	vmax.f32 v27, $0.0e+00;
	v22 =	vadd.f32 v29, v22  }
0x2d0: {  	v29 =	vmax.f32 v32, v33;
	v32 =	vmin.f32 v36, v37;
	v33 =	vadd.f32 v34, v35  }
0x2d1: {  	v35 =	vand.u32 $0x7FFFFFFF, v24;
	v36 =	vmul.f32 v27, v27;
	v37 =	vmovc v26;
	v34 =	vadd.f32 v32, v29  }
.Ltmp5:
0x2d2: {  	v25 =	vadd.f32 v23, v25;
	v39 =	vand.u32 $0x7FFFFFFF, v30;
	v24 =	vld.idx.msk [tilespmem:v21+s0+$0xC400 ss:$0x1], $0xffff;
	v35 =	vsub.f32 v33, v35;
	s0 =	smov.u32 s3;
	s3 =	sshra.s32 s2, $0x2;
	(pc) =	sbr.rel @p0 .LBB2_13-.Ltmp5, $4  }
0x2d3: {  	v27 =	vsub.f32 v29, v32;
	v40 =	vand.u32 $0x7FFFFFFF, v31;
	v23 =	vmovc v36;
	v26 =	vld.idx.msk [tilespmem:v21+s3+$0xA000 ss:$0x1], $0xffff;
	v29 =	vmul.f32 $5.000000000e-01, v34  }
0x2d4: {  	v32 =	vsub.f32 v37, v39;
	v33 =	vsub.f32 v28, v40;
	v30 =	vld.idx.msk [tilespmem:v21+s3+$0xA400 ss:$0x1], $0xffff;
	v35 =	vmax.f32 v35, $0.0e+00  }
0x2d5: {  	v41 =	vand.u32 $0x7FFFFFFF, v27;
	v31 =	vld.idx.msk [tilespmem:v21+s3+$0xB400 ss:$0x1], $0xffff;
	v34 =	vsub.f32 v29, v38;
	v29 =	vmul.f32 v35, v35  }
0x2d6: {  	s2 =	sadd.s32 $0x40, s2;
	v36 =	vadd.f32 v39, v37;
	v37 =	vadd.f32 v40, v28;
	v35 =	vmul.f32 $5.000000000e-01, v41;
	v28 =	vld.idx.msk [tilespmem:v21+s3+$0xB000 ss:$0x1], $0xffff  }
0x2d7: {  	_ =	sdelay $0x1  }
0x2d8: {  	v32 =	vmax.f32 v32, v33;
	v30 =	vand.u32 $0x7FFFFFFF, v30  }
0x2d9: {  	v31 =	vand.u32 $0x7FFFFFFF, v31;
	v42 =	vsub.f32 v26, v30;
	v44 =	vadd.f32 v30, v26  }
0x2da: {  	v43 =	vld.idx.msk [tilespmem:v21+s0+$0xC000 ss:$0x1], $0xffff;
	v36 =	vmin.f32 v36, v37;
	v38 =	vsub.f32 v28, v31;
	v45 =	vadd.f32 v31, v28  }
0x2db: {  	v46 =	vadd.f32 v36, v32  }
0x2dc: {  	v48 =	vld.idx.msk [tilespmem:v21+s3+$0xC000 ss:$0x1], $0xffff;
	v47 =	vsub.f32 v32, v36;
	v33 =	vmax.f32 v42, v38;
	v26 =	vmin.f32 v44, v45  }
0x2dd: {  	v49 =	vmul.f32 $5.000000000e-01, v46;
	v50 =	vadd.f32 v26, v33  }
0x2de: {  	v34 =	vand.u32 $0x7FFFFFFF, v34;
	v27 =	vmax.f32 v27, $0.0e+00;
	v51 =	vld.idx.msk [tilespmem:v21+s0+$0xC400 ss:$0x1], $0xffff;
	v52 =	vand.u32 $0x7FFFFFFF, v47  }
0x2df: {  	v28 =	vsub.f32 v49, v43;
	v26 =	vsub.f32 v33, v26;
	v30 =	vmul.f32 $5.000000000e-01, v50  }
0x2e0: {  	v24 =	vand.u32 $0x7FFFFFFF, v24;
	v21 =	vld.idx.msk [tilespmem:v21+s3+$0xC400 ss:$0x1], $0xffff;
	v53 =	vadd.f32 v34, v35;
	v54 =	vmul.f32 $5.000000000e-01, v52  }
0x2e1: {  	v28 =	vand.u32 $0x7FFFFFFF, v28;
	v55 =	vand.u32 $0x7FFFFFFF, v26;
	v30 =	vsub.f32 v30, v48  }
0x2e2: {  	v24 =	vsub.f32 v53, v24;
	v28 =	vadd.f32 v28, v54;
	v56 =	vmul.f32 $5.000000000e-01, v55  }
0x2e3: {  	v22 =	vadd.f32 v29, v22;
	v57 =	vand.u32 $0x7FFFFFFF, v51;
	v30 =	vand.u32 $0x7FFFFFFF, v30  }
0x2e4: {  	v24 =	vmax.f32 v24, $0.0e+00;
	v28 =	vsub.f32 v28, v57;
	v58 =	vadd.f32 v30, v56  }
0x2e5: {  	v23 =	vadd.f32 v23, v25;
	v21 =	vand.u32 $0x7FFFFFFF, v21;
	v24 =	vmul.f32 v24, v24  }
0x2e6: {  	v27 =	vmul.f32 v27, v27;
	v59 =	vmax.f32 v28, $0.0e+00;
	v21 =	vsub.f32 v58, v21  }
0x2e7: {  	v60 =	vmax.f32 v47, $0.0e+00;
	v22 =	vadd.f32 v24, v22;
	v61 =	vmul.f32 v59, v59  }
0x2e8: {  	v23 =	vadd.f32 v27, v23;
	v62 =	vmul.f32 v60, v60;
	v21 =	vmax.f32 v21, $0.0e+00  }
0x2e9: {  	v26 =	vmax.f32 v26, $0.0e+00;
	v22 =	vadd.f32 v61, v22;
	v21 =	vmul.f32 v21, v21  }
0x2ea: {  	v23 =	vadd.f32 v62, v23;
	v63 =	vmul.f32 v26, v26  }
0x2eb: {  	v21 =	vadd.f32 v21, v22  }
0x2ec: {  	s3 =	sshll.u32 s29, $0x4;
	s29 =	sadd.s32 $0x1, s29;
	v22 =	vadd.f32 v63, v23  }
0x2ed: {  	p0 =	sne.s32 s29, $0x10;
	[tilespmem:s3+$0x10280] =	vst v21  }
.Ltmp6:
0x2ee: {  	s31 =	sadd.s32 s31, s30;
	[tilespmem:s3+$0x10380] =	vst v22;
	(pc) =	sbr.rel @p0 .LBB2_12-.Ltmp6, $4  }
0x2ef: {  	[tilespmem:s31+$0xF1B0] =	vst v20  }
0x2f0: {  	[tilespmem:s31+$0xF1D0] =	vst v20  }
0x2f1: {  	[tilespmem:s31+$0xF1E0] =	vst v20  }
0x2f2: {  	s28 =	sadd.s32 $0x100, s28;
	s26 =	sadd.s32 $0x1, s26;
	[tilespmem:s31+$0xF1F0] =	vst v20  }
0x2f3: {  	v21 =	vmul.u32 $0x10, v0;
	_ =	sdelay $0x3  }
0x2f4: {  	v22 =	vor.u32 $0x1, v21  }
0x2f5: {  	v23 =	vor.u32 $0x2, v21  }
0x2f6: {  	v24 =	vor.u32 $0x3, v21;
	v26 =	vld.idx.msk [tilespmem:v21+s20+$0x0], $0xffff  }
0x2f7: {  	v25 =	vor.u32 $0x4, v21;
	v42 =	vld.idx.msk [tilespmem:v21+s22+$0x0], $0xffff  }
0x2f8: {  	v27 =	vor.u32 $0x5, v21;
	v51 =	vld.idx.msk [tilespmem:v21+s21+$0x0], $0xffff  }
0x2f9: {  	v29 =	vor.u32 $0x6, v21;
	v28 =	vld.idx.msk [tilespmem:v22+s20+$0x0], $0xffff  }
0x2fa: {  	v31 =	vor.u32 $0x7, v21;
	v30 =	vld.idx.msk [tilespmem:v23+s20+$0x0], $0xffff  }
0x2fb: {  	v33 =	vor.u32 $0x8, v21;
	v32 =	vld.idx.msk [tilespmem:v24+s20+$0x0], $0xffff  }
0x2fc: {  	v36 =	vor.u32 $0x9, v21;
	v34 =	vld.idx.msk [tilespmem:v25+s20+$0x0], $0xffff  }
0x2fd: {  	v35 =	vld.idx.msk [tilespmem:v27+s20+$0x0], $0xffff  }
0x2fe: {  	v39 =	vor.u32 $0xA, v21;
	v37 =	vld.idx.msk [tilespmem:v29+s20+$0x0], $0xffff  }
0x2ff: {  	v38 =	vld.idx.msk [tilespmem:v31+s20+$0x0], $0xffff  }
0x300: {  	v41 =	vor.u32 $0xB, v21;
	v40 =	vld.idx.msk [tilespmem:v33+s20+$0x0], $0xffff  }
0x301: {  	v43 =	vld.idx.msk [tilespmem:v36+s20+$0x0], $0xffff  }
0x302: {  	v44 =	vor.u32 $0xC, v21;
	v45 =	vld.idx.msk [tilespmem:v22+s22+$0x0], $0xffff  }
0x303: {  	v46 =	vld.idx.msk [tilespmem:v39+s20+$0x0], $0xffff  }
0x304: {  	v47 =	vld.idx.msk [tilespmem:v23+s22+$0x0], $0xffff  }
0x305: {  	v48 =	vld.idx.msk [tilespmem:v41+s20+$0x0], $0xffff  }
0x306: {  	v49 =	vld.idx.msk [tilespmem:v24+s22+$0x0], $0xffff;
	v42 =	vadd.f32 $0.0e+00, v42  }
0x307: {  	v50 =	vld.idx.msk [tilespmem:v44+s20+$0x0], $0xffff  }
0x308: {  	v60 =	vld.idx.msk [tilespmem:v25+s22+$0x0], $0xffff;
	v42 =	vadd.f32 v45, v42  }
0x309: {  	v22 =	vld.idx.msk [tilespmem:v22+s21+$0x0], $0xffff  }
0x30a: {  	v61 =	vld.idx.msk [tilespmem:v27+s22+$0x0], $0xffff;
	v42 =	vadd.f32 v47, v42  }
0x30b: {  	v23 =	vld.idx.msk [tilespmem:v23+s21+$0x0], $0xffff;
	v26 =	vadd.f32 $0.0e+00, v26  }
0x30c: {  	v62 =	vld.idx.msk [tilespmem:v29+s22+$0x0], $0xffff;
	v51 =	vadd.f32 $0.0e+00, v51;
	v42 =	vadd.f32 v49, v42  }
0x30d: {  	v24 =	vld.idx.msk [tilespmem:v24+s21+$0x0], $0xffff;
	v26 =	vadd.f32 v28, v26  }
0x30e: {  	v52 =	vld.idx.msk [tilespmem:v31+s22+$0x0], $0xffff;
	v22 =	vadd.f32 v22, v51;
	v63 =	vadd.f32 v60, v42  }
0x30f: {  	v25 =	vld.idx.msk [tilespmem:v25+s21+$0x0], $0xffff;
	v26 =	vadd.f32 v30, v26  }
0x310: {  	v53 =	vld.idx.msk [tilespmem:v33+s22+$0x0], $0xffff;
	v22 =	vadd.f32 v23, v22;
	v28 =	vadd.f32 v61, v63  }
0x311: {  	v27 =	vld.idx.msk [tilespmem:v27+s21+$0x0], $0xffff;
	v26 =	vadd.f32 v32, v26  }
0x312: {  	v29 =	vld.idx.msk [tilespmem:v29+s21+$0x0], $0xffff;
	v22 =	vadd.f32 v24, v22;
	v28 =	vadd.f32 v62, v28  }
0x313: {  	v23 =	vld.idx.msk [tilespmem:v36+s22+$0x0], $0xffff;
	v26 =	vadd.f32 v34, v26  }
0x314: {  	v54 =	vld.idx.msk [tilespmem:v39+s22+$0x0], $0xffff;
	v22 =	vadd.f32 v25, v22;
	v28 =	vadd.f32 v52, v28  }
0x315: {  	v55 =	vor.u32 $0xD, v21;
	v31 =	vld.idx.msk [tilespmem:v31+s21+$0x0], $0xffff;
	v26 =	vadd.f32 v35, v26  }
0x316: {  	v56 =	vld.idx.msk [tilespmem:v41+s22+$0x0], $0xffff;
	v22 =	vadd.f32 v27, v22;
	v28 =	vadd.f32 v53, v28  }
0x317: {  	v57 =	vor.u32 $0xE, v21;
	v59 =	vld.idx.msk [tilespmem:v33+s21+$0x0], $0xffff;
	v26 =	vadd.f32 v37, v26  }
0x318: {  	v58 =	vld.idx.msk [tilespmem:v44+s22+$0x0], $0xffff;
	v22 =	vadd.f32 v29, v22;
	v23 =	vadd.f32 v23, v28  }
0x319: {  	v21 =	vor.u32 $0xF, v21;
	v61 =	vld.idx.msk [tilespmem:v36+s21+$0x0], $0xffff;
	v26 =	vadd.f32 v38, v26  }
0x31a: {  	v60 =	vld.idx.msk [tilespmem:v55+s22+$0x0], $0xffff;
	v22 =	vadd.f32 v31, v22;
	v23 =	vadd.f32 v54, v23  }
0x31b: {  	v63 =	vld.idx.msk [tilespmem:v39+s21+$0x0], $0xffff;
	v26 =	vadd.f32 v40, v26  }
0x31c: {  	v62 =	vld.idx.msk [tilespmem:v57+s22+$0x0], $0xffff;
	v22 =	vadd.f32 v59, v22;
	v23 =	vadd.f32 v56, v23  }
0x31d: {  	v37 =	vld.idx.msk [tilespmem:v41+s21+$0x0], $0xffff;
	v26 =	vadd.f32 v43, v26  }
0x31e: {  	v36 =	vld.idx.msk [tilespmem:v21+s22+$0x0], $0xffff;
	v22 =	vadd.f32 v61, v22;
	v23 =	vadd.f32 v58, v23  }
0x31f: {  	v39 =	vld.idx.msk [tilespmem:v44+s21+$0x0], $0xffff;
	v26 =	vadd.f32 v46, v26  }
0x320: {  	v30 =	vld.idx.msk [tilespmem:v55+s21+$0x0], $0xffff;
	v22 =	vadd.f32 v63, v22;
	v23 =	vadd.f32 v60, v23  }
0x321: {  	v38 =	vld.idx.msk [tilespmem:v55+s20+$0x0], $0xffff;
	v26 =	vadd.f32 v48, v26  }
0x322: {  	v42 =	vld.idx.msk [tilespmem:v57+s21+$0x0], $0xffff;
	v22 =	vadd.f32 v37, v22;
	v23 =	vadd.f32 v62, v23  }
0x323: {  	v40 =	vld.idx.msk [tilespmem:v57+s20+$0x0], $0xffff;
	v26 =	vadd.f32 v50, v26  }
0x324: {  	v41 =	vld.idx.msk [tilespmem:v21+s20+$0x0], $0xffff;
	v22 =	vadd.f32 v39, v22;
	v23 =	vadd.f32 v36, v23  }
0x325: {  	v21 =	vld.idx.msk [tilespmem:v21+s21+$0x0], $0xffff  }
0x326: {  	v26 =	vadd.f32 v38, v26;
	v22 =	vadd.f32 v30, v22;
	v23 =	vmax.f32 v23, $1.000000020e-35  }
0x327: {  	v43 =	vshra.s32 v23, $0x1;
	v44 =	vmul.f32 $5.000000000e-01, v23  }
0x328: {  	v25 =	vadd.f32 v40, v26;
	v22 =	vadd.f32 v42, v22;
	v28 =	vsub.s32 $0x5F3759DF, v43  }
0x329: {  	v45 =	vmul.f32 v28, v44  }
0x32a: {  	v24 =	vadd.f32 v41, v25;
	v21 =	vadd.f32 v21, v22  }
0x32b: {  	v46 =	vmul.f32 v28, v45  }
0x32c: {  	v47 =	vmax.f32 v24, $1.000000020e-35;
	v50 =	vmax.f32 v21, $1.000000020e-35  }
0x32d: {  	v48 =	vshra.s32 v47, $0x1;
	v49 =	vmul.f32 $5.000000000e-01, v47;
	v22 =	vsub.f32 $1.500000000e+00, v46  }
0x32e: {  	v52 =	vshra.s32 v50, $0x1;
	v53 =	vmul.f32 $5.000000000e-01, v50;
	v26 =	vsub.s32 $0x5F3759DF, v48  }
0x32f: {  	v31 =	vsub.s32 $0x5F3759DF, v52;
	v51 =	vmul.f32 v26, v49;
	v22 =	vmul.f32 v28, v22  }
0x330: {  	v55 =	vmul.f32 v31, v53  }
0x331: {  	v30 =	vmul.f32 v26, v51;
	v54 =	vmul.f32 v22, v44  }
0x332: {  	v34 =	vmul.f32 v31, v55  }
0x333: {  	v30 =	vsub.f32 $1.500000000e+00, v30;
	v33 =	vmul.f32 v54, v22  }
0x334: {  	v56 =	vsub.f32 $1.500000000e+00, v34  }
0x335: {  	v26 =	vmul.f32 v26, v30;
	v33 =	vsub.f32 $1.500000000e+00, v33  }
0x336: {  	v30 =	vmul.f32 v31, v56  }
0x337: {  	v57 =	vmul.f32 v26, v49;
	v22 =	vmul.f32 v33, v22  }
0x338: {  	v59 =	vmul.f32 v30, v53  }
0x339: {  	v58 =	vmul.f32 v57, v26;
	v29 =	vmul.f32 v22, v44  }
0x33a: {  	v33 =	vmul.f32 v59, v30  }
0x33b: {  	v31 =	vsub.f32 $1.500000000e+00, v58;
	v29 =	vmul.f32 v29, v22  }
0x33c: {  	v60 =	vsub.f32 $1.500000000e+00, v33  }
0x33d: {  	v26 =	vmul.f32 v31, v26;
	v29 =	vsub.f32 $1.500000000e+00, v29  }
0x33e: {  	v61 =	vmul.f32 v60, v30  }
0x33f: {  	v27 =	vmul.f32 v26, v49;
	v22 =	vmul.f32 v29, v22  }
0x340: {  	v62 =	vmul.f32 v61, v53  }
0x341: {  	v22 =	vmul.f32 v22, v23;
	v23 =	vmul.f32 v27, v26;
	_ =	sdelay $0x1  }
0x342: {  	v27 =	vmul.f32 v62, v61;
	v22 =	vadd.f32 $-2.000000000e+00, v22;
	v23 =	vsub.f32 $1.500000000e+00, v23;
	_ =	sdelay $0x1  }
0x343: {  	v63 =	vsub.f32 $1.500000000e+00, v27;
	v22 =	vmul.f32 v22, v22;
	v23 =	vmul.f32 v23, v26;
	_ =	sdelay $0x1  }
0x344: {  	[tilespmem:$0xF1B0] =	vst v22;
	v22 =	vmul.f32 v23, v47;
	v23 =	vmul.f32 v63, v61  }
0x345: {  	[tilespmem:$0xF1D0] =	vst v24  }
0x346: {  	s25 =	sadd.s32 $0x1, s25;
	[tilespmem:$0xF250] =	vst v22;
	v22 =	vmul.f32 v23, v50  }
0x347: {  	p0 =	sne.s32 s25, s7;
	[tilespmem:$0xF1E0] =	vst v21  }
.Ltmp7:
0x348: {  	[tilespmem:$0xF260] =	vst v22;
	(pc) =	sbr.rel @p0 .LBB2_1-.Ltmp7, $4  }
0x349: {  	[hbm4b:s6+s4] =	stream.linear.scatter [tilespmem:s23], [sflag:$0x2], $0x1000, $0x38;
	[tilespmem:$0x10480] =	vst v63  }
0x34a: {  	_ =	swait.ge [sflag:s24], $0x1000  }
0x34b: {  	[sflag:s24] =	ssyncset.done $0x0  }
0x34c: {  	[sflag:s24] =	ssyncadd.s32 $0xFFFFF000  }
0x34d: {  	_ =	sfence.sel $0x180000  }
0x34e: {  	[bflag:$0x0] =	sbarrier.arrive $0xFFFF  }
0x34f: {  	_ =	strace $0x90000047  }
0x350: {  	s0 =	stileid.u32;
	[bflag:$0x2] =	sbarrier.arrive $0xFFFF  }
0x351: {  	p0 =	sne.s32 s0, $0x0;
	s0 =	rddreg [dreg:$0x3]  }
0x352: {  	s0 =	sadd.s32 @!p0 $0x100000, s0  }
0x353: {  	[sflag:s0] =	ssyncadd.tile.s32 @!p0 $0x1;
	_ =	shalt  }
.Lfunc_end2:
_tile_overlayer_lowered:
.L_overlay_start_2:
0x354: {  	(tag) =	ssettag $0x2  }
0x355: {  	s0 =	rddreg [dreg:$0x0];
	s2 =	stileid.u32  }
0x356: {  	s1 =	rddreg [dreg:$0x1];
	p0 =	sne.s32 s2, $0x0  }
0x357: {  	s3 =	rddreg [dreg:$0x2];
	[bflag:$0x3] =	sbarrier.arrive $0xFFFF;
	s2 =	simm.s32 @!p0 $0x1C0A  }
0x358: {  	[timem:s3], [sflag:s2] =	dma.local @!p0 [hbm:s0], s1  }
0x359: {  	s0 =	simm.s32 @!p0 $0xA  }
0x35a: {  	_ =	swait.ge @!p0 [sflag:s0], s1  }
0x35b: {  	s1 =	ssub.s32 @!p0 $0x0, s1;
	[sflag:s0] =	ssyncset.done @!p0 $0x0  }
0x35c: {  	[sflag:s0] =	ssyncadd.s32 @!p0 s1  }
0x35d: {  	[bflag:$0x3] =	sbarrier.arrive $0xFFFF  }
0x35e: {  	_ =	shalt  }

</sc_bundles>
